<compile_context>
chip_gen: v7x
topology: tpu7x:2x2x1
jax: 0.10.2.dev20260603
libtpu: 0.0.44.dev20260713+nightly
codegen_flags: <defaults>
</compile_context>

<pallas_src>
import functools

import jax
import jax.numpy as jnp
from jax import lax
from jax.experimental import pallas as pl
from jax.experimental.pallas import tpu as pltpu
from jax.experimental.pallas import tpu_sc as plsc

N = 10000
E = 320000
D_IN = 128
D_H = 64
N_CLS = 7

NC = 2
NS = 16
NW = NC * NS
N_PAD = 10240
EPT = E // NW
CH = 4000
NCHUNK = E // CH
UNROLL = 25
BLKC = 1024


def _sc_params():
    return dict(
        mesh=plsc.VectorSubcoreMesh(core_axis_name="c", subcore_axis_name="s"),
        compiler_params=pltpu.CompilerParams(needs_layout_passes=False),
    )


def _deg_body(pk1d, out, dstv, hist):
    cid = lax.axis_index("c")
    sid = lax.axis_index("s")
    wid = cid * NS + sid
    pltpu.sync_copy(pk1d.at[pl.ds(wid * EPT, EPT)], dstv)

    def zero(i, c):
        hist[pl.ds(i * 16, 16)] = jnp.zeros((16,), jnp.float32)
        return c

    lax.fori_loop(0, N_PAD // 16, zero, 0)
    ones = jnp.ones((16,), jnp.float32)

    def body(k, c):
        d16 = lax.shift_right_logical(dstv[pl.ds(k * 16, 16)], 16)
        plsc.addupdate_scatter(hist, [d16], ones)
        return c

    lax.fori_loop(0, EPT // 16, body, 0)
    pltpu.sync_copy(hist, out.at[pl.ds(wid * N_PAD, N_PAD)])


@functools.cache
def _deg_call():
    return pl.kernel(
        _deg_body,
        out_type=jax.ShapeDtypeStruct((NW * N_PAD,), jnp.float32),
        scratch_types=[
            pltpu.VMEM((EPT,), jnp.int32),
            pltpu.VMEM((N_PAD,), jnp.float32),
        ],
        **_sc_params(),
    )


def _agg_body(ysT, pk1d, out,
              pkA, pkB, ys0, ys1, acc0, acc1, semA, semB):
    cid = lax.axis_index("c")
    sid = lax.axis_index("s")
    wid = cid * NS + sid
    f0 = 2 * wid * N_PAD
    off = lax.div(wid * NCHUNK, NW)

    def _start(c, pv, sem):
        cc = lax.rem(c + off, NCHUNK)
        pltpu.async_copy(pk1d.at[pl.ds(cc * CH, CH)], pv, sem)

    def _wait(pv, sem):
        pltpu.make_async_copy(pk1d.at[pl.ds(0, CH)], pv, sem).wait()

    def _process(pv):
        @plsc.parallel_loop(0, CH, step=16, unroll=UNROLL)
        def body(i):
            w16 = pv[pl.ds(i, 16)]
            s16 = jnp.bitwise_and(w16, 0xFFFF)
            d16 = lax.shift_right_logical(w16, 16)
            v0 = plsc.load_gather(ys0, [s16])
            v1 = plsc.load_gather(ys1, [s16])
            plsc.addupdate_scatter(acc0, [d16], v0)
            plsc.addupdate_scatter(acc1, [d16], v1)

    pltpu.sync_copy(ysT.at[pl.ds(f0, N_PAD)], ys0)
    pltpu.sync_copy(ysT.at[pl.ds(f0 + N_PAD, N_PAD)], ys1)
    pltpu.sync_copy(ysT.at[pl.ds(f0, N_PAD)], acc0)
    pltpu.sync_copy(ysT.at[pl.ds(f0 + N_PAD, N_PAD)], acc1)
    _start(0, pkA, semA)

    def chunk_pair(p, carry):
        c0 = 2 * p
        _start(c0 + 1, pkB, semB)
        _wait(pkA, semA)
        _process(pkA)
        _start(lax.rem(c0 + 2, NCHUNK), pkA, semA)
        _wait(pkB, semB)
        _process(pkB)
        return carry

    lax.fori_loop(0, NCHUNK // 2, chunk_pair, 0)
    _wait(pkA, semA)
    pltpu.sync_copy(acc0, out.at[pl.ds(f0, N_PAD)])
    pltpu.sync_copy(acc1, out.at[pl.ds(f0 + N_PAD, N_PAD)])


@functools.cache
def _agg_call():
    return pl.kernel(
        _agg_body,
        out_type=jax.ShapeDtypeStruct((D_H * N_PAD,), jnp.float32),
        scratch_types=[
            pltpu.VMEM((CH,), jnp.int32),
            pltpu.VMEM((CH,), jnp.int32),
            pltpu.VMEM((N_PAD,), jnp.float32),
            pltpu.VMEM((N_PAD,), jnp.float32),
            pltpu.VMEM((N_PAD,), jnp.float32),
            pltpu.VMEM((N_PAD,), jnp.float32),
            pltpu.SemaphoreType.DMA,
            pltpu.SemaphoreType.DMA,
        ],
        **_sc_params(),
    )


def _prescale_kernel(xT_ref, w1t_ref, deg_ref, ys_ref, dinv_ref):
    i = pl.program_id(0)
    dsum = jnp.sum(deg_ref[...], axis=0, keepdims=True) + 1.0
    cols = lax.broadcasted_iota(jnp.int32, (1, BLKC), 1) + i * BLKC
    dinv = jnp.where(cols < N, lax.rsqrt(dsum), 0.0)
    dinv_ref[...] = dinv
    y = jnp.dot(w1t_ref[...], xT_ref[...], preferred_element_type=jnp.float32)
    ys_ref[...] = y * dinv


def _prescale(xT_pad, w1t, deg):
    return pl.pallas_call(
        _prescale_kernel,
        grid=(N_PAD // BLKC,),
        in_specs=[
            pl.BlockSpec((D_IN, BLKC), lambda i: (0, i)),
            pl.BlockSpec((D_H, D_IN), lambda i: (0, 0)),
            pl.BlockSpec((NW, BLKC), lambda i: (0, i)),
        ],
        out_specs=[
            pl.BlockSpec((D_H, BLKC), lambda i: (0, i)),
            pl.BlockSpec((1, BLKC), lambda i: (0, i)),
        ],
        out_shape=[
            jax.ShapeDtypeStruct((D_H, N_PAD), jnp.float32),
            jax.ShapeDtypeStruct((1, N_PAD), jnp.float32),
        ],
    )(xT_pad, w1t, deg)


def _mid_kernel(agg_ref, dinv_ref, b1_ref, w2t_ref, ys2_ref):
    dinv = dinv_ref[...]
    x1 = jnp.maximum(agg_ref[...] * dinv + b1_ref[...], 0.0)
    y2 = jnp.dot(w2t_ref[...], x1, preferred_element_type=jnp.float32)
    ys2_ref[...] = y2 * dinv


def _mid(aggT, dinv, b1col, w2t):
    return pl.pallas_call(
        _mid_kernel,
        grid=(N_PAD // BLKC,),
        in_specs=[
            pl.BlockSpec((D_H, BLKC), lambda i: (0, i)),
            pl.BlockSpec((1, BLKC), lambda i: (0, i)),
            pl.BlockSpec((D_H, 1), lambda i: (0, 0)),
            pl.BlockSpec((D_H, D_H), lambda i: (0, 0)),
        ],
        out_specs=pl.BlockSpec((D_H, BLKC), lambda i: (0, i)),
        out_shape=jax.ShapeDtypeStruct((D_H, N_PAD), jnp.float32),
    )(aggT, dinv, b1col, w2t)


def _head_kernel(agg_ref, dinv_ref, b2_ref, wpt_ref, bp_ref, out_ref):
    x2 = jnp.maximum(agg_ref[...] * dinv_ref[...] + b2_ref[...], 0.0)
    logits = jnp.dot(wpt_ref[...], x2, preferred_element_type=jnp.float32)
    logits = logits + bp_ref[...]
    rows = lax.broadcasted_iota(jnp.int32, (8, BLKC), 0)
    valid = rows < N_CLS
    m = jnp.max(jnp.where(valid, logits, -1e30), axis=0, keepdims=True)
    s = jnp.sum(jnp.where(valid, jnp.exp(logits - m), 0.0), axis=0, keepdims=True)
    out_ref[...] = logits - m - jnp.log(s)


def _head(aggT, dinv, b2col, wpt_pad, bp_col):
    return pl.pallas_call(
        _head_kernel,
        grid=(N_PAD // BLKC,),
        in_specs=[
            pl.BlockSpec((D_H, BLKC), lambda i: (0, i)),
            pl.BlockSpec((1, BLKC), lambda i: (0, i)),
            pl.BlockSpec((D_H, 1), lambda i: (0, 0)),
            pl.BlockSpec((8, D_H), lambda i: (0, 0)),
            pl.BlockSpec((8, 1), lambda i: (0, 0)),
        ],
        out_specs=pl.BlockSpec((8, BLKC), lambda i: (0, i)),
        out_shape=jax.ShapeDtypeStruct((8, N_PAD), jnp.float32),
    )(aggT, dinv, b2col, wpt_pad, bp_col)


def kernel(x, edge_index, W1, b1, W2, b2, Wp, bp):
    xT_pad = jnp.pad(x.T, ((0, 0), (0, N_PAD - N)))
    w1t = W1.T
    w2t = W2.T
    wpt_pad = jnp.pad(Wp.T, ((0, 8 - N_CLS), (0, 0)))
    bp_col = jnp.pad(bp, (0, 8 - N_CLS)).reshape(8, 1)
    b1col = b1.reshape(D_H, 1)
    b2col = b2.reshape(D_H, 1)

    pk1d = jnp.bitwise_or(edge_index[0],
                          jnp.left_shift(edge_index[1], 16))

    deg = _deg_call()(pk1d).reshape(NW, N_PAD)
    ys1T, dinv = _prescale(xT_pad, w1t, deg)
    agg1T = _agg_call()(ys1T.reshape(-1), pk1d).reshape(D_H, N_PAD)
    ys2T = _mid(agg1T, dinv, b1col, w2t)
    agg2T = _agg_call()(ys2T.reshape(-1), pk1d).reshape(D_H, N_PAD)
    outT = _head(agg2T, dinv, b2col, wpt_pad, bp_col)
    return outT[:N_CLS, :N].T

# --- scband reference (transcript-rebuilt; emitter-appended) ---
"""Pipeline reference for scband-gcn-35811437314180 (READ-ONLY COPY).

The authoritative reference and input builder live on the scoring server;
editing this copy changes nothing except your own understanding.
"""

import jax, jax.numpy as jnp
import numpy as np

N = 10000
E = 320000
D_IN = 128
D_H = 64
N_CLS = 7


def setup_inputs(seed: int = 0) -> dict:
    key = jax.random.key(seed)
    ks = jax.random.split(key, 8)
    x = jax.random.normal(ks[0], (N, D_IN), dtype=jnp.float32)
    edge_index = jax.random.randint(ks[1], (2, E), 0, N, dtype=jnp.int32)
    W1 = jax.random.normal(ks[2], (D_IN, D_H), dtype=jnp.float32) / np.sqrt(D_IN)
    b1 = jnp.zeros((D_H,), dtype=jnp.float32)
    W2 = jax.random.normal(ks[3], (D_H, D_H), dtype=jnp.float32) / np.sqrt(D_H)
    b2 = jnp.zeros((D_H,), dtype=jnp.float32)
    Wp = jax.random.normal(ks[4], (D_H, N_CLS), dtype=jnp.float32) / np.sqrt(D_H)
    bp = jnp.zeros((N_CLS,), dtype=jnp.float32)
    return {"x": x, "edge_index": edge_index, "W1": W1, "b1": b1, "W2": W2, "b2": b2, "Wp": Wp, "bp": bp}


def _gcn_conv(x, src, dst, W, b):
    # symmetric-normalized aggregation (A+I already encoded via appended self loops)
    deg = jnp.zeros((N,), jnp.float32).at[dst].add(1.0)
    dinv = jnp.where(deg > 0, jax.lax.rsqrt(deg), 0.0)
    norm = dinv[src] * dinv[dst]
    msgs = x[src] * norm[:, None]
    x_tilda = jnp.zeros((N, x.shape[1]), x.dtype).at[dst].add(msgs)
    out = x_tilda @ W + b
    return x_tilda, out


def reference(x, edge_index, W1, b1, W2, b2, Wp, bp):
    loop = jnp.arange(N, dtype=edge_index.dtype)
    src = jnp.concatenate([edge_index[0], loop])
    dst = jnp.concatenate([edge_index[1], loop])
    x1_tilda, x1 = _gcn_conv(x, src, dst, W1, b1)
    x1 = jax.nn.relu(x1)
    # dropout is identity at inference
    x2_tilda, x2 = _gcn_conv(x1, src, dst, W2, b2)
    x2 = jax.nn.relu(x2)
    logits = x2 @ Wp + bp
    return jax.nn.log_softmax(logits, axis=1)

if __name__ == "__main__":
    import jax
    _d = setup_inputs()
    print(jax.jit(kernel)(*tuple(_d.values())))

</pallas_src>

<mosaic_0001>
#map = affine_map<(d0, d1) -> (0)>
module attributes {stable_mosaic.version = 14 : i64} {
  func.func @_agg_body(%arg0: i32, %arg1: i32, %arg2: memref<655360xf32, #tpu.memory_space<hbm>>, %arg3: memref<320000xi32, #tpu.memory_space<hbm>>, %arg4: memref<655360xf32, #tpu.memory_space<hbm>>, %arg5: memref<4000xi32, #tpu.memory_space<vmem>>, %arg6: memref<4000xi32, #tpu.memory_space<vmem>>, %arg7: memref<10240xf32, #tpu.memory_space<vmem>>, %arg8: memref<10240xf32, #tpu.memory_space<vmem>>, %arg9: memref<10240xf32, #tpu.memory_space<vmem>>, %arg10: memref<10240xf32, #tpu.memory_space<vmem>>, %arg11: memref<!tpu.dma_semaphore, #tpu.memory_space<semaphore_mem>>, %arg12: memref<!tpu.dma_semaphore, #tpu.memory_space<semaphore_mem>>) attributes {dimension_semantics = [#tpu.dimension_semantics<core_parallel>, #tpu.dimension_semantics<subcore_parallel>], iteration_bounds = array<i64: 2, 16>, scalar_prefetch = 0 : i64, scratch_operands = 8 : i64, tpu.core_type = #tpu.core_type<sc_vector_subcore>, window_params = [{transform_indices = #map}, {transform_indices = #map}, {transform_indices = #map}]} {
    %mul3A = arith.constant 16 : i32
    %mul3A_0 = arith.muli %arg0, %mul3A : i32
    %add3A = arith.addi %mul3A_0, %arg1 : i32
    %mul3A_1 = arith.constant 2 : i32
    %mul3A_2 = arith.muli %mul3A_1, %add3A : i32
    %mul3A_3 = arith.constant 10240 : i32
    %mul3A_4 = arith.muli %mul3A_2, %mul3A_3 : i32
    %mul3A_5 = arith.constant 80 : i32
    %mul3A_6 = arith.muli %add3A, %mul3A_5 : i32
    %div3A = arith.constant 32 : i32
    %div3A_7 = arith.divsi %mul3A_6, %div3A : i32
    "tpu.region"() ({
      %run_scoped3A = tpu.sem_alloc : memref<!tpu.dma_semaphore, #tpu.memory_space<semaphore_mem>>
      %dma_start3A_28 = tpu.memref_slice %arg2[%mul3A_4] : memref<655360xf32, #tpu.memory_space<hbm>> -> memref<10240xf32, #tpu.memory_space<hbm>>
      %dma_start3A_29 = tpu.memref_slice %arg2[%mul3A_4] : memref<655360xf32, #tpu.memory_space<hbm>> -> memref<10240xf32, #tpu.memory_space<hbm>>
      tpu.enqueue_dma source(%dma_start3A_29 : memref<10240xf32, #tpu.memory_space<hbm>>) target(%arg7 : memref<10240xf32, #tpu.memory_space<vmem>>) target_semaphore(%run_scoped3A : memref<!tpu.dma_semaphore, #tpu.memory_space<semaphore_mem>>)
      %dma_wait3A_30 = tpu.memref_slice %arg2[%mul3A_4] : memref<655360xf32, #tpu.memory_space<hbm>> -> memref<10240xf32, #tpu.memory_space<hbm>>
      %dma_wait3A_31 = tpu.memref_slice %arg2[%mul3A_4] : memref<655360xf32, #tpu.memory_space<hbm>> -> memref<10240xf32, #tpu.memory_space<hbm>>
      tpu.wait_dma2 semaphore(%run_scoped3A : memref<!tpu.dma_semaphore, #tpu.memory_space<semaphore_mem>>) src(%dma_wait3A_31 : memref<10240xf32, #tpu.memory_space<hbm>>) dst(%arg7 : memref<10240xf32, #tpu.memory_space<vmem>>)
      tpu.yield
    }) : () -> ()
    %add3A_8 = arith.constant 10240 : i32
    %add3A_9 = arith.addi %mul3A_4, %add3A_8 : i32
    "tpu.region"() ({
      %run_scoped3A = tpu.sem_alloc : memref<!tpu.dma_semaphore, #tpu.memory_space<semaphore_mem>>
      %dma_start3A_28 = tpu.memref_slice %arg2[%add3A_9] : memref<655360xf32, #tpu.memory_space<hbm>> -> memref<10240xf32, #tpu.memory_space<hbm>>
      %dma_start3A_29 = tpu.memref_slice %arg2[%add3A_9] : memref<655360xf32, #tpu.memory_space<hbm>> -> memref<10240xf32, #tpu.memory_space<hbm>>
      tpu.enqueue_dma source(%dma_start3A_29 : memref<10240xf32, #tpu.memory_space<hbm>>) target(%arg8 : memref<10240xf32, #tpu.memory_space<vmem>>) target_semaphore(%run_scoped3A : memref<!tpu.dma_semaphore, #tpu.memory_space<semaphore_mem>>)
      %dma_wait3A_30 = tpu.memref_slice %arg2[%add3A_9] : memref<655360xf32, #tpu.memory_space<hbm>> -> memref<10240xf32, #tpu.memory_space<hbm>>
      %dma_wait3A_31 = tpu.memref_slice %arg2[%add3A_9] : memref<655360xf32, #tpu.memory_space<hbm>> -> memref<10240xf32, #tpu.memory_space<hbm>>
      tpu.wait_dma2 semaphore(%run_scoped3A : memref<!tpu.dma_semaphore, #tpu.memory_space<semaphore_mem>>) src(%dma_wait3A_31 : memref<10240xf32, #tpu.memory_space<hbm>>) dst(%arg8 : memref<10240xf32, #tpu.memory_space<vmem>>)
      tpu.yield
    }) : () -> ()
    "tpu.region"() ({
      %run_scoped3A = tpu.sem_alloc : memref<!tpu.dma_semaphore, #tpu.memory_space<semaphore_mem>>
      %dma_start3A_28 = tpu.memref_slice %arg2[%mul3A_4] : memref<655360xf32, #tpu.memory_space<hbm>> -> memref<10240xf32, #tpu.memory_space<hbm>>
      %dma_start3A_29 = tpu.memref_slice %arg2[%mul3A_4] : memref<655360xf32, #tpu.memory_space<hbm>> -> memref<10240xf32, #tpu.memory_space<hbm>>
      tpu.enqueue_dma source(%dma_start3A_29 : memref<10240xf32, #tpu.memory_space<hbm>>) target(%arg9 : memref<10240xf32, #tpu.memory_space<vmem>>) target_semaphore(%run_scoped3A : memref<!tpu.dma_semaphore, #tpu.memory_space<semaphore_mem>>)
      %dma_wait3A_30 = tpu.memref_slice %arg2[%mul3A_4] : memref<655360xf32, #tpu.memory_space<hbm>> -> memref<10240xf32, #tpu.memory_space<hbm>>
      %dma_wait3A_31 = tpu.memref_slice %arg2[%mul3A_4] : memref<655360xf32, #tpu.memory_space<hbm>> -> memref<10240xf32, #tpu.memory_space<hbm>>
      tpu.wait_dma2 semaphore(%run_scoped3A : memref<!tpu.dma_semaphore, #tpu.memory_space<semaphore_mem>>) src(%dma_wait3A_31 : memref<10240xf32, #tpu.memory_space<hbm>>) dst(%arg9 : memref<10240xf32, #tpu.memory_space<vmem>>)
      tpu.yield
    }) : () -> ()
    %add3A_10 = arith.constant 10240 : i32
    %add3A_11 = arith.addi %mul3A_4, %add3A_10 : i32
    "tpu.region"() ({
      %run_scoped3A = tpu.sem_alloc : memref<!tpu.dma_semaphore, #tpu.memory_space<semaphore_mem>>
      %dma_start3A_28 = tpu.memref_slice %arg2[%add3A_11] : memref<655360xf32, #tpu.memory_space<hbm>> -> memref<10240xf32, #tpu.memory_space<hbm>>
      %dma_start3A_29 = tpu.memref_slice %arg2[%add3A_11] : memref<655360xf32, #tpu.memory_space<hbm>> -> memref<10240xf32, #tpu.memory_space<hbm>>
      tpu.enqueue_dma source(%dma_start3A_29 : memref<10240xf32, #tpu.memory_space<hbm>>) target(%arg10 : memref<10240xf32, #tpu.memory_space<vmem>>) target_semaphore(%run_scoped3A : memref<!tpu.dma_semaphore, #tpu.memory_space<semaphore_mem>>)
      %dma_wait3A_30 = tpu.memref_slice %arg2[%add3A_11] : memref<655360xf32, #tpu.memory_space<hbm>> -> memref<10240xf32, #tpu.memory_space<hbm>>
      %dma_wait3A_31 = tpu.memref_slice %arg2[%add3A_11] : memref<655360xf32, #tpu.memory_space<hbm>> -> memref<10240xf32, #tpu.memory_space<hbm>>
      tpu.wait_dma2 semaphore(%run_scoped3A : memref<!tpu.dma_semaphore, #tpu.memory_space<semaphore_mem>>) src(%dma_wait3A_31 : memref<10240xf32, #tpu.memory_space<hbm>>) dst(%arg10 : memref<10240xf32, #tpu.memory_space<vmem>>)
      tpu.yield
    }) : () -> ()
    %add3A_12 = arith.constant 0 : i32
    %add3A_13 = arith.addi %add3A_12, %div3A_7 : i32
    %rem3A = arith.constant 80 : i32
    %rem3A_14 = arith.remsi %add3A_13, %rem3A : i32
    %mul3A_15 = arith.constant 4000 : i32
    %mul3A_16 = arith.muli %rem3A_14, %mul3A_15 : i32
    %dma_start3A = tpu.memref_slice %arg3[%mul3A_16] : memref<320000xi32, #tpu.memory_space<hbm>> -> memref<4000xi32, #tpu.memory_space<hbm>>
    %dma_start3A_17 = tpu.memref_slice %arg3[%mul3A_16] : memref<320000xi32, #tpu.memory_space<hbm>> -> memref<4000xi32, #tpu.memory_space<hbm>>
    tpu.enqueue_dma source(%dma_start3A_17 : memref<4000xi32, #tpu.memory_space<hbm>>) target(%arg5 : memref<4000xi32, #tpu.memory_space<vmem>>) target_semaphore(%arg11 : memref<!tpu.dma_semaphore, #tpu.memory_space<semaphore_mem>>)
    %scan3A = arith.constant 0 : i32
    %scan3A_18 = arith.constant 0 : i32
    %scan3A_19 = arith.constant 40 : i32
    %scan3A_20 = arith.addi %scan3A_18, %scan3A_19 : i32
    %scan3A_21 = arith.constant 1 : i32
    scf.for %scan3A_28 = %scan3A_18 to %scan3A_20 step %scan3A_21  : i32 {
      %mul3A_29 = arith.constant 2 : i32
      %mul3A_30 = arith.muli %mul3A_29, %scan3A_28 : i32
      %add3A_31 = arith.constant 1 : i32
      %add3A_32 = arith.addi %mul3A_30, %add3A_31 : i32
      %add3A_33 = arith.addi %add3A_32, %div3A_7 : i32
      %rem3A_34 = arith.constant 80 : i32
      %rem3A_35 = arith.remsi %add3A_33, %rem3A_34 : i32
      %mul3A_36 = arith.constant 4000 : i32
      %mul3A_37 = arith.muli %rem3A_35, %mul3A_36 : i32
      %dma_start3A_38 = tpu.memref_slice %arg3[%mul3A_37] : memref<320000xi32, #tpu.memory_space<hbm>> -> memref<4000xi32, #tpu.memory_space<hbm>>
      %dma_start3A_39 = tpu.memref_slice %arg3[%mul3A_37] : memref<320000xi32, #tpu.memory_space<hbm>> -> memref<4000xi32, #tpu.memory_space<hbm>>
      tpu.enqueue_dma source(%dma_start3A_39 : memref<4000xi32, #tpu.memory_space<hbm>>) target(%arg6 : memref<4000xi32, #tpu.memory_space<vmem>>) target_semaphore(%arg12 : memref<!tpu.dma_semaphore, #tpu.memory_space<semaphore_mem>>)
      %dma_wait3A_40 = arith.constant 0 : i32
      %dma_wait3A_41 = tpu.memref_slice %arg3[%dma_wait3A_40] : memref<320000xi32, #tpu.memory_space<hbm>> -> memref<4000xi32, #tpu.memory_space<hbm>>
      %dma_wait3A_42 = arith.constant 0 : i32
      %dma_wait3A_43 = tpu.memref_slice %arg3[%dma_wait3A_42] : memref<320000xi32, #tpu.memory_space<hbm>> -> memref<4000xi32, #tpu.memory_space<hbm>>
      tpu.wait_dma2 semaphore(%arg11 : memref<!tpu.dma_semaphore, #tpu.memory_space<semaphore_mem>>) src(%dma_wait3A_43 : memref<4000xi32, #tpu.memory_space<hbm>>) dst(%arg5 : memref<4000xi32, #tpu.memory_space<vmem>>)
      %parallel_loop3A = arith.constant 0 : i32
      %parallel_loop3A_44 = arith.constant 4000 : i32
      %parallel_loop3A_45 = arith.constant 16 : i32
      scf.for %parallel_loop3A_64 = %parallel_loop3A to %parallel_loop3A_44 step %parallel_loop3A_45  : i32 {
        %parallel_loop3A_65 = arith.index_cast %parallel_loop3A_64 : i32 to index
        %parallel_loop3A_66 = tpu.vector_load %arg5[%parallel_loop3A_65] {strides = array<i32>} : memref<4000xi32, #tpu.memory_space<vmem>>, vector<16xi32>,
        %parallel_loop3A_67 = arith.constant 65535 : i32
        %parallel_loop3A_68 = vector.broadcast %parallel_loop3A_67 : i32 to vector<16xi32>
        %parallel_loop3A_69 = arith.andi %parallel_loop3A_66, %parallel_loop3A_68 : vector<16xi32>
        %parallel_loop3A_70 = arith.constant 16 : i32
        %parallel_loop3A_71 = vector.broadcast %parallel_loop3A_70 : i32 to vector<16xi32>
        %parallel_loop3A_72 = arith.shrui %parallel_loop3A_66, %parallel_loop3A_71 : vector<16xi32>
        %parallel_loop3A_73 = tpu.vector_load_idx %arg7[%parallel_loop3A_69] : memref<10240xf32, #tpu.memory_space<vmem>>[vector<16xi32>], vector<16xf32>,
        %parallel_loop3A_74 = tpu.vector_load_idx %arg8[%parallel_loop3A_69] : memref<10240xf32, #tpu.memory_space<vmem>>[vector<16xi32>], vector<16xf32>,
        tpu.vector_store_idx %arg9[%parallel_loop3A_72], %parallel_loop3A_73 {add = true} : memref<10240xf32, #tpu.memory_space<vmem>>[vector<16xi32>], vector<16xf32>,
        tpu.vector_store_idx %arg10[%parallel_loop3A_72], %parallel_loop3A_74 {add = true} : memref<10240xf32, #tpu.memory_space<vmem>>[vector<16xi32>], vector<16xf32>,
      } {sc.loop_unroll_factor = 25 : i64, sc.parallel_access}
      %add3A_46 = arith.constant 2 : i32
      %add3A_47 = arith.addi %mul3A_30, %add3A_46 : i32
      %rem3A_48 = arith.constant 80 : i32
      %rem3A_49 = arith.remsi %add3A_47, %rem3A_48 : i32
      %add3A_50 = arith.addi %rem3A_49, %div3A_7 : i32
      %rem3A_51 = arith.constant 80 : i32
      %rem3A_52 = arith.remsi %add3A_50, %rem3A_51 : i32
      %mul3A_53 = arith.constant 4000 : i32
      %mul3A_54 = arith.muli %rem3A_52, %mul3A_53 : i32
      %dma_start3A_55 = tpu.memref_slice %arg3[%mul3A_54] : memref<320000xi32, #tpu.memory_space<hbm>> -> memref<4000xi32, #tpu.memory_space<hbm>>
      %dma_start3A_56 = tpu.memref_slice %arg3[%mul3A_54] : memref<320000xi32, #tpu.memory_space<hbm>> -> memref<4000xi32, #tpu.memory_space<hbm>>
      tpu.enqueue_dma source(%dma_start3A_56 : memref<4000xi32, #tpu.memory_space<hbm>>) target(%arg5 : memref<4000xi32, #tpu.memory_space<vmem>>) target_semaphore(%arg11 : memref<!tpu.dma_semaphore, #tpu.memory_space<semaphore_mem>>)
      %dma_wait3A_57 = arith.constant 0 : i32
      %dma_wait3A_58 = tpu.memref_slice %arg3[%dma_wait3A_57] : memref<320000xi32, #tpu.memory_space<hbm>> -> memref<4000xi32, #tpu.memory_space<hbm>>
      %dma_wait3A_59 = arith.constant 0 : i32
      %dma_wait3A_60 = tpu.memref_slice %arg3[%dma_wait3A_59] : memref<320000xi32, #tpu.memory_space<hbm>> -> memref<4000xi32, #tpu.memory_space<hbm>>
      tpu.wait_dma2 semaphore(%arg12 : memref<!tpu.dma_semaphore, #tpu.memory_space<semaphore_mem>>) src(%dma_wait3A_60 : memref<4000xi32, #tpu.memory_space<hbm>>) dst(%arg6 : memref<4000xi32, #tpu.memory_space<vmem>>)
      %parallel_loop3A_61 = arith.constant 0 : i32
      %parallel_loop3A_62 = arith.constant 4000 : i32
      %parallel_loop3A_63 = arith.constant 16 : i32
      scf.for %parallel_loop3A_64 = %parallel_loop3A_61 to %parallel_loop3A_62 step %parallel_loop3A_63  : i32 {
        %parallel_loop3A_65 = arith.index_cast %parallel_loop3A_64 : i32 to index
        %parallel_loop3A_66 = tpu.vector_load %arg6[%parallel_loop3A_65] {strides = array<i32>} : memref<4000xi32, #tpu.memory_space<vmem>>, vector<16xi32>,
        %parallel_loop3A_67 = arith.constant 65535 : i32
        %parallel_loop3A_68 = vector.broadcast %parallel_loop3A_67 : i32 to vector<16xi32>
        %parallel_loop3A_69 = arith.andi %parallel_loop3A_66, %parallel_loop3A_68 : vector<16xi32>
        %parallel_loop3A_70 = arith.constant 16 : i32
        %parallel_loop3A_71 = vector.broadcast %parallel_loop3A_70 : i32 to vector<16xi32>
        %parallel_loop3A_72 = arith.shrui %parallel_loop3A_66, %parallel_loop3A_71 : vector<16xi32>
        %parallel_loop3A_73 = tpu.vector_load_idx %arg7[%parallel_loop3A_69] : memref<10240xf32, #tpu.memory_space<vmem>>[vector<16xi32>], vector<16xf32>,
        %parallel_loop3A_74 = tpu.vector_load_idx %arg8[%parallel_loop3A_69] : memref<10240xf32, #tpu.memory_space<vmem>>[vector<16xi32>], vector<16xf32>,
        tpu.vector_store_idx %arg9[%parallel_loop3A_72], %parallel_loop3A_73 {add = true} : memref<10240xf32, #tpu.memory_space<vmem>>[vector<16xi32>], vector<16xf32>,
        tpu.vector_store_idx %arg10[%parallel_loop3A_72], %parallel_loop3A_74 {add = true} : memref<10240xf32, #tpu.memory_space<vmem>>[vector<16xi32>], vector<16xf32>,
      } {sc.loop_unroll_factor = 25 : i64, sc.parallel_access}
    }
    %scan3A_22 = arith.constant 40 : i32
    %dma_wait3A = arith.constant 0 : i32
    %dma_wait3A_23 = tpu.memref_slice %arg3[%dma_wait3A] : memref<320000xi32, #tpu.memory_space<hbm>> -> memref<4000xi32, #tpu.memory_space<hbm>>
    %dma_wait3A_24 = arith.constant 0 : i32
    %dma_wait3A_25 = tpu.memref_slice %arg3[%dma_wait3A_24] : memref<320000xi32, #tpu.memory_space<hbm>> -> memref<4000xi32, #tpu.memory_space<hbm>>
    tpu.wait_dma2 semaphore(%arg11 : memref<!tpu.dma_semaphore, #tpu.memory_space<semaphore_mem>>) src(%dma_wait3A_25 : memref<4000xi32, #tpu.memory_space<hbm>>) dst(%arg5 : memref<4000xi32, #tpu.memory_space<vmem>>)
    "tpu.region"() ({
      %run_scoped3A = tpu.sem_alloc : memref<!tpu.dma_semaphore, #tpu.memory_space<semaphore_mem>>
      %dma_start3A_28 = tpu.memref_slice %arg4[%mul3A_4] : memref<655360xf32, #tpu.memory_space<hbm>> -> memref<10240xf32, #tpu.memory_space<hbm>>
      %dma_start3A_29 = tpu.memref_slice %arg4[%mul3A_4] : memref<655360xf32, #tpu.memory_space<hbm>> -> memref<10240xf32, #tpu.memory_space<hbm>>
      tpu.enqueue_dma source(%arg9 : memref<10240xf32, #tpu.memory_space<vmem>>) target(%dma_start3A_29 : memref<10240xf32, #tpu.memory_space<hbm>>) target_semaphore(%run_scoped3A : memref<!tpu.dma_semaphore, #tpu.memory_space<semaphore_mem>>)
      %dma_wait3A_30 = tpu.memref_slice %arg4[%mul3A_4] : memref<655360xf32, #tpu.memory_space<hbm>> -> memref<10240xf32, #tpu.memory_space<hbm>>
      %dma_wait3A_31 = tpu.memref_slice %arg4[%mul3A_4] : memref<655360xf32, #tpu.memory_space<hbm>> -> memref<10240xf32, #tpu.memory_space<hbm>>
      tpu.wait_dma2 semaphore(%run_scoped3A : memref<!tpu.dma_semaphore, #tpu.memory_space<semaphore_mem>>) src(%arg9 : memref<10240xf32, #tpu.memory_space<vmem>>) dst(%dma_wait3A_31 : memref<10240xf32, #tpu.memory_space<hbm>>)
      tpu.yield
    }) : () -> ()
    %add3A_26 = arith.constant 10240 : i32
    %add3A_27 = arith.addi %mul3A_4, %add3A_26 : i32
    "tpu.region"() ({
      %run_scoped3A = tpu.sem_alloc : memref<!tpu.dma_semaphore, #tpu.memory_space<semaphore_mem>>
      %dma_start3A_28 = tpu.memref_slice %arg4[%add3A_27] : memref<655360xf32, #tpu.memory_space<hbm>> -> memref<10240xf32, #tpu.memory_space<hbm>>
      %dma_start3A_29 = tpu.memref_slice %arg4[%add3A_27] : memref<655360xf32, #tpu.memory_space<hbm>> -> memref<10240xf32, #tpu.memory_space<hbm>>
      tpu.enqueue_dma source(%arg10 : memref<10240xf32, #tpu.memory_space<vmem>>) target(%dma_start3A_29 : memref<10240xf32, #tpu.memory_space<hbm>>) target_semaphore(%run_scoped3A : memref<!tpu.dma_semaphore, #tpu.memory_space<semaphore_mem>>)
      %dma_wait3A_30 = tpu.memref_slice %arg4[%add3A_27] : memref<655360xf32, #tpu.memory_space<hbm>> -> memref<10240xf32, #tpu.memory_space<hbm>>
      %dma_wait3A_31 = tpu.memref_slice %arg4[%add3A_27] : memref<655360xf32, #tpu.memory_space<hbm>> -> memref<10240xf32, #tpu.memory_space<hbm>>
      tpu.wait_dma2 semaphore(%run_scoped3A : memref<!tpu.dma_semaphore, #tpu.memory_space<semaphore_mem>>) src(%arg10 : memref<10240xf32, #tpu.memory_space<vmem>>) dst(%dma_wait3A_31 : memref<10240xf32, #tpu.memory_space<hbm>>)
      tpu.yield
    }) : () -> ()
    return
  }
}

#map = affine_map<(d0, d1) -> (0)>
module attributes {stable_mosaic.version = 14 : i64} {
  func.func @_deg_body(%arg0: i32, %arg1: i32, %arg2: memref<320000xi32, #tpu.memory_space<hbm>>, %arg3: memref<327680xf32, #tpu.memory_space<hbm>>, %arg4: memref<10000xi32, #tpu.memory_space<vmem>>, %arg5: memref<10240xf32, #tpu.memory_space<vmem>>) attributes {dimension_semantics = [#tpu.dimension_semantics<core_parallel>, #tpu.dimension_semantics<subcore_parallel>], iteration_bounds = array<i64: 2, 16>, scalar_prefetch = 0 : i64, scratch_operands = 2 : i64, tpu.core_type = #tpu.core_type<sc_vector_subcore>, window_params = [{transform_indices = #map}, {transform_indices = #map}]} {
    %mul3A = arith.constant 16 : i32
    %mul3A_0 = arith.muli %arg0, %mul3A : i32
    %add3A = arith.addi %mul3A_0, %arg1 : i32
    %mul3A_1 = arith.constant 10000 : i32
    %mul3A_2 = arith.muli %add3A, %mul3A_1 : i32
    "tpu.region"() ({
      %run_scoped3A = tpu.sem_alloc : memref<!tpu.dma_semaphore, #tpu.memory_space<semaphore_mem>>
      %dma_start3A = tpu.memref_slice %arg2[%mul3A_2] : memref<320000xi32, #tpu.memory_space<hbm>> -> memref<10000xi32, #tpu.memory_space<hbm>>
      %dma_start3A_17 = tpu.memref_slice %arg2[%mul3A_2] : memref<320000xi32, #tpu.memory_space<hbm>> -> memref<10000xi32, #tpu.memory_space<hbm>>
      tpu.enqueue_dma source(%dma_start3A_17 : memref<10000xi32, #tpu.memory_space<hbm>>) target(%arg4 : memref<10000xi32, #tpu.memory_space<vmem>>) target_semaphore(%run_scoped3A : memref<!tpu.dma_semaphore, #tpu.memory_space<semaphore_mem>>)
      %dma_wait3A = tpu.memref_slice %arg2[%mul3A_2] : memref<320000xi32, #tpu.memory_space<hbm>> -> memref<10000xi32, #tpu.memory_space<hbm>>
      %dma_wait3A_18 = tpu.memref_slice %arg2[%mul3A_2] : memref<320000xi32, #tpu.memory_space<hbm>> -> memref<10000xi32, #tpu.memory_space<hbm>>
      tpu.wait_dma2 semaphore(%run_scoped3A : memref<!tpu.dma_semaphore, #tpu.memory_space<semaphore_mem>>) src(%dma_wait3A_18 : memref<10000xi32, #tpu.memory_space<hbm>>) dst(%arg4 : memref<10000xi32, #tpu.memory_space<vmem>>)
      tpu.yield
    }) : () -> ()
    %scan3A = arith.constant 0 : i32
    %scan3A_3 = arith.constant 0 : i32
    %scan3A_4 = arith.constant 640 : i32
    %scan3A_5 = arith.addi %scan3A_3, %scan3A_4 : i32
    %scan3A_6 = arith.constant 1 : i32
    scf.for %scan3A_17 = %scan3A_3 to %scan3A_5 step %scan3A_6  : i32 {
      %broadcast_in_dim3A_18 = arith.constant 0.000000e+00 : f32
      %broadcast_in_dim3A_19 = vector.broadcast %broadcast_in_dim3A_18 : f32 to vector<16xf32>
      %mul3A_20 = arith.constant 16 : i32
      %mul3A_21 = arith.muli %scan3A_17, %mul3A_20 : i32
      %swap3A = arith.index_cast %mul3A_21 : i32 to index
      %swap3A_22 = tpu.vector_load %arg5[%swap3A] {strides = array<i32>} : memref<10240xf32, #tpu.memory_space<vmem>>, vector<16xf32>,
      tpu.vector_store %arg5[%swap3A], %broadcast_in_dim3A_19 {strides = array<i32>} : memref<10240xf32, #tpu.memory_space<vmem>>, vector<16xf32>,
    }
    %scan3A_7 = arith.constant 640 : i32
    %broadcast_in_dim3A = arith.constant 1.000000e+00 : f32
    %broadcast_in_dim3A_8 = vector.broadcast %broadcast_in_dim3A : f32 to vector<16xf32>
    %scan3A_9 = arith.constant 0 : i32
    %scan3A_10 = arith.constant 0 : i32
    %scan3A_11 = arith.constant 625 : i32
    %scan3A_12 = arith.addi %scan3A_10, %scan3A_11 : i32
    %scan3A_13 = arith.constant 1 : i32
    scf.for %scan3A_17 = %scan3A_10 to %scan3A_12 step %scan3A_13  : i32 {
      %mul3A_18 = arith.constant 16 : i32
      %mul3A_19 = arith.muli %scan3A_17, %mul3A_18 : i32
      %get3A = arith.index_cast %mul3A_19 : i32 to index
      %get3A_20 = tpu.vector_load %arg4[%get3A] {strides = array<i32>} : memref<10000xi32, #tpu.memory_space<vmem>>, vector<16xi32>,
      %shift_right_logical3A = arith.constant 16 : i32
      %shift_right_logical3A_21 = vector.broadcast %shift_right_logical3A : i32 to vector<16xi32>
      %shift_right_logical3A_22 = arith.shrui %get3A_20, %shift_right_logical3A_21 : vector<16xi32>
      tpu.vector_store_idx %arg5[%shift_right_logical3A_22], %broadcast_in_dim3A_8 {add = true} : memref<10240xf32, #tpu.memory_space<vmem>>[vector<16xi32>], vector<16xf32>,
    }
    %scan3A_14 = arith.constant 625 : i32
    %mul3A_15 = arith.constant 10240 : i32
    %mul3A_16 = arith.muli %add3A, %mul3A_15 : i32
    "tpu.region"() ({
      %run_scoped3A = tpu.sem_alloc : memref<!tpu.dma_semaphore, #tpu.memory_space<semaphore_mem>>
      %dma_start3A = tpu.memref_slice %arg3[%mul3A_16] : memref<327680xf32, #tpu.memory_space<hbm>> -> memref<10240xf32, #tpu.memory_space<hbm>>
      %dma_start3A_17 = tpu.memref_slice %arg3[%mul3A_16] : memref<327680xf32, #tpu.memory_space<hbm>> -> memref<10240xf32, #tpu.memory_space<hbm>>
      tpu.enqueue_dma source(%arg5 : memref<10240xf32, #tpu.memory_space<vmem>>) target(%dma_start3A_17 : memref<10240xf32, #tpu.memory_space<hbm>>) target_semaphore(%run_scoped3A : memref<!tpu.dma_semaphore, #tpu.memory_space<semaphore_mem>>)
      %dma_wait3A = tpu.memref_slice %arg3[%mul3A_16] : memref<327680xf32, #tpu.memory_space<hbm>> -> memref<10240xf32, #tpu.memory_space<hbm>>
      %dma_wait3A_18 = tpu.memref_slice %arg3[%mul3A_16] : memref<327680xf32, #tpu.memory_space<hbm>> -> memref<10240xf32, #tpu.memory_space<hbm>>
      tpu.wait_dma2 semaphore(%run_scoped3A : memref<!tpu.dma_semaphore, #tpu.memory_space<semaphore_mem>>) src(%arg5 : memref<10240xf32, #tpu.memory_space<vmem>>) dst(%dma_wait3A_18 : memref<10240xf32, #tpu.memory_space<hbm>>)
      tpu.yield
    }) : () -> ()
    return
  }
}

#map = affine_map<(d0, d1) -> (0)>
module attributes {stable_mosaic.version = 14 : i64} {
  func.func @_agg_body(%arg0: i32, %arg1: i32, %arg2: memref<655360xf32, #tpu.memory_space<hbm>>, %arg3: memref<320000xi32, #tpu.memory_space<hbm>>, %arg4: memref<655360xf32, #tpu.memory_space<hbm>>, %arg5: memref<4000xi32, #tpu.memory_space<vmem>>, %arg6: memref<4000xi32, #tpu.memory_space<vmem>>, %arg7: memref<10240xf32, #tpu.memory_space<vmem>>, %arg8: memref<10240xf32, #tpu.memory_space<vmem>>, %arg9: memref<10240xf32, #tpu.memory_space<vmem>>, %arg10: memref<10240xf32, #tpu.memory_space<vmem>>, %arg11: memref<!tpu.dma_semaphore, #tpu.memory_space<semaphore_mem>>, %arg12: memref<!tpu.dma_semaphore, #tpu.memory_space<semaphore_mem>>) attributes {dimension_semantics = [#tpu.dimension_semantics<core_parallel>, #tpu.dimension_semantics<subcore_parallel>], iteration_bounds = array<i64: 2, 16>, scalar_prefetch = 0 : i64, scratch_operands = 8 : i64, tpu.core_type = #tpu.core_type<sc_vector_subcore>, window_params = [{transform_indices = #map}, {transform_indices = #map}, {transform_indices = #map}]} {
    %mul3A = arith.constant 16 : i32
    %mul3A_0 = arith.muli %arg0, %mul3A : i32
    %add3A = arith.addi %mul3A_0, %arg1 : i32
    %mul3A_1 = arith.constant 2 : i32
    %mul3A_2 = arith.muli %mul3A_1, %add3A : i32
    %mul3A_3 = arith.constant 10240 : i32
    %mul3A_4 = arith.muli %mul3A_2, %mul3A_3 : i32
    %mul3A_5 = arith.constant 80 : i32
    %mul3A_6 = arith.muli %add3A, %mul3A_5 : i32
    %div3A = arith.constant 32 : i32
    %div3A_7 = arith.divsi %mul3A_6, %div3A : i32
    "tpu.region"() ({
      %run_scoped3A = tpu.sem_alloc : memref<!tpu.dma_semaphore, #tpu.memory_space<semaphore_mem>>
      %dma_start3A_28 = tpu.memref_slice %arg2[%mul3A_4] : memref<655360xf32, #tpu.memory_space<hbm>> -> memref<10240xf32, #tpu.memory_space<hbm>>
      %dma_start3A_29 = tpu.memref_slice %arg2[%mul3A_4] : memref<655360xf32, #tpu.memory_space<hbm>> -> memref<10240xf32, #tpu.memory_space<hbm>>
      tpu.enqueue_dma source(%dma_start3A_29 : memref<10240xf32, #tpu.memory_space<hbm>>) target(%arg7 : memref<10240xf32, #tpu.memory_space<vmem>>) target_semaphore(%run_scoped3A : memref<!tpu.dma_semaphore, #tpu.memory_space<semaphore_mem>>)
      %dma_wait3A_30 = tpu.memref_slice %arg2[%mul3A_4] : memref<655360xf32, #tpu.memory_space<hbm>> -> memref<10240xf32, #tpu.memory_space<hbm>>
      %dma_wait3A_31 = tpu.memref_slice %arg2[%mul3A_4] : memref<655360xf32, #tpu.memory_space<hbm>> -> memref<10240xf32, #tpu.memory_space<hbm>>
      tpu.wait_dma2 semaphore(%run_scoped3A : memref<!tpu.dma_semaphore, #tpu.memory_space<semaphore_mem>>) src(%dma_wait3A_31 : memref<10240xf32, #tpu.memory_space<hbm>>) dst(%arg7 : memref<10240xf32, #tpu.memory_space<vmem>>)
      tpu.yield
    }) : () -> ()
    %add3A_8 = arith.constant 10240 : i32
    %add3A_9 = arith.addi %mul3A_4, %add3A_8 : i32
    "tpu.region"() ({
      %run_scoped3A = tpu.sem_alloc : memref<!tpu.dma_semaphore, #tpu.memory_space<semaphore_mem>>
      %dma_start3A_28 = tpu.memref_slice %arg2[%add3A_9] : memref<655360xf32, #tpu.memory_space<hbm>> -> memref<10240xf32, #tpu.memory_space<hbm>>
      %dma_start3A_29 = tpu.memref_slice %arg2[%add3A_9] : memref<655360xf32, #tpu.memory_space<hbm>> -> memref<10240xf32, #tpu.memory_space<hbm>>
      tpu.enqueue_dma source(%dma_start3A_29 : memref<10240xf32, #tpu.memory_space<hbm>>) target(%arg8 : memref<10240xf32, #tpu.memory_space<vmem>>) target_semaphore(%run_scoped3A : memref<!tpu.dma_semaphore, #tpu.memory_space<semaphore_mem>>)
      %dma_wait3A_30 = tpu.memref_slice %arg2[%add3A_9] : memref<655360xf32, #tpu.memory_space<hbm>> -> memref<10240xf32, #tpu.memory_space<hbm>>
      %dma_wait3A_31 = tpu.memref_slice %arg2[%add3A_9] : memref<655360xf32, #tpu.memory_space<hbm>> -> memref<10240xf32, #tpu.memory_space<hbm>>
      tpu.wait_dma2 semaphore(%run_scoped3A : memref<!tpu.dma_semaphore, #tpu.memory_space<semaphore_mem>>) src(%dma_wait3A_31 : memref<10240xf32, #tpu.memory_space<hbm>>) dst(%arg8 : memref<10240xf32, #tpu.memory_space<vmem>>)
      tpu.yield
    }) : () -> ()
    "tpu.region"() ({
      %run_scoped3A = tpu.sem_alloc : memref<!tpu.dma_semaphore, #tpu.memory_space<semaphore_mem>>
      %dma_start3A_28 = tpu.memref_slice %arg2[%mul3A_4] : memref<655360xf32, #tpu.memory_space<hbm>> -> memref<10240xf32, #tpu.memory_space<hbm>>
      %dma_start3A_29 = tpu.memref_slice %arg2[%mul3A_4] : memref<655360xf32, #tpu.memory_space<hbm>> -> memref<10240xf32, #tpu.memory_space<hbm>>
      tpu.enqueue_dma source(%dma_start3A_29 : memref<10240xf32, #tpu.memory_space<hbm>>) target(%arg9 : memref<10240xf32, #tpu.memory_space<vmem>>) target_semaphore(%run_scoped3A : memref<!tpu.dma_semaphore, #tpu.memory_space<semaphore_mem>>)
      %dma_wait3A_30 = tpu.memref_slice %arg2[%mul3A_4] : memref<655360xf32, #tpu.memory_space<hbm>> -> memref<10240xf32, #tpu.memory_space<hbm>>
      %dma_wait3A_31 = tpu.memref_slice %arg2[%mul3A_4] : memref<655360xf32, #tpu.memory_space<hbm>> -> memref<10240xf32, #tpu.memory_space<hbm>>
      tpu.wait_dma2 semaphore(%run_scoped3A : memref<!tpu.dma_semaphore, #tpu.memory_space<semaphore_mem>>) src(%dma_wait3A_31 : memref<10240xf32, #tpu.memory_space<hbm>>) dst(%arg9 : memref<10240xf32, #tpu.memory_space<vmem>>)
      tpu.yield
    }) : () -> ()
    %add3A_10 = arith.constant 10240 : i32
    %add3A_11 = arith.addi %mul3A_4, %add3A_10 : i32
    "tpu.region"() ({
      %run_scoped3A = tpu.sem_alloc : memref<!tpu.dma_semaphore, #tpu.memory_space<semaphore_mem>>
      %dma_start3A_28 = tpu.memref_slice %arg2[%add3A_11] : memref<655360xf32, #tpu.memory_space<hbm>> -> memref<10240xf32, #tpu.memory_space<hbm>>
      %dma_start3A_29 = tpu.memref_slice %arg2[%add3A_11] : memref<655360xf32, #tpu.memory_space<hbm>> -> memref<10240xf32, #tpu.memory_space<hbm>>
      tpu.enqueue_dma source(%dma_start3A_29 : memref<10240xf32, #tpu.memory_space<hbm>>) target(%arg10 : memref<10240xf32, #tpu.memory_space<vmem>>) target_semaphore(%run_scoped3A : memref<!tpu.dma_semaphore, #tpu.memory_space<semaphore_mem>>)
      %dma_wait3A_30 = tpu.memref_slice %arg2[%add3A_11] : memref<655360xf32, #tpu.memory_space<hbm>> -> memref<10240xf32, #tpu.memory_space<hbm>>
      %dma_wait3A_31 = tpu.memref_slice %arg2[%add3A_11] : memref<655360xf32, #tpu.memory_space<hbm>> -> memref<10240xf32, #tpu.memory_space<hbm>>
      tpu.wait_dma2 semaphore(%run_scoped3A : memref<!tpu.dma_semaphore, #tpu.memory_space<semaphore_mem>>) src(%dma_wait3A_31 : memref<10240xf32, #tpu.memory_space<hbm>>) dst(%arg10 : memref<10240xf32, #tpu.memory_space<vmem>>)
      tpu.yield
    }) : () -> ()
    %add3A_12 = arith.constant 0 : i32
    %add3A_13 = arith.addi %add3A_12, %div3A_7 : i32
    %rem3A = arith.constant 80 : i32
    %rem3A_14 = arith.remsi %add3A_13, %rem3A : i32
    %mul3A_15 = arith.constant 4000 : i32
    %mul3A_16 = arith.muli %rem3A_14, %mul3A_15 : i32
    %dma_start3A = tpu.memref_slice %arg3[%mul3A_16] : memref<320000xi32, #tpu.memory_space<hbm>> -> memref<4000xi32, #tpu.memory_space<hbm>>
    %dma_start3A_17 = tpu.memref_slice %arg3[%mul3A_16] : memref<320000xi32, #tpu.memory_space<hbm>> -> memref<4000xi32, #tpu.memory_space<hbm>>
    tpu.enqueue_dma source(%dma_start3A_17 : memref<4000xi32, #tpu.memory_space<hbm>>) target(%arg5 : memref<4000xi32, #tpu.memory_space<vmem>>) target_semaphore(%arg11 : memref<!tpu.dma_semaphore, #tpu.memory_space<semaphore_mem>>)
    %scan3A = arith.constant 0 : i32
    %scan3A_18 = arith.constant 0 : i32
    %scan3A_19 = arith.constant 40 : i32
    %scan3A_20 = arith.addi %scan3A_18, %scan3A_19 : i32
    %scan3A_21 = arith.constant 1 : i32
    scf.for %scan3A_28 = %scan3A_18 to %scan3A_20 step %scan3A_21  : i32 {
      %mul3A_29 = arith.constant 2 : i32
      %mul3A_30 = arith.muli %mul3A_29, %scan3A_28 : i32
      %add3A_31 = arith.constant 1 : i32
      %add3A_32 = arith.addi %mul3A_30, %add3A_31 : i32
      %add3A_33 = arith.addi %add3A_32, %div3A_7 : i32
      %rem3A_34 = arith.constant 80 : i32
      %rem3A_35 = arith.remsi %add3A_33, %rem3A_34 : i32
      %mul3A_36 = arith.constant 4000 : i32
      %mul3A_37 = arith.muli %rem3A_35, %mul3A_36 : i32
      %dma_start3A_38 = tpu.memref_slice %arg3[%mul3A_37] : memref<320000xi32, #tpu.memory_space<hbm>> -> memref<4000xi32, #tpu.memory_space<hbm>>
      %dma_start3A_39 = tpu.memref_slice %arg3[%mul3A_37] : memref<320000xi32, #tpu.memory_space<hbm>> -> memref<4000xi32, #tpu.memory_space<hbm>>
      tpu.enqueue_dma source(%dma_start3A_39 : memref<4000xi32, #tpu.memory_space<hbm>>) target(%arg6 : memref<4000xi32, #tpu.memory_space<vmem>>) target_semaphore(%arg12 : memref<!tpu.dma_semaphore, #tpu.memory_space<semaphore_mem>>)
      %dma_wait3A_40 = arith.constant 0 : i32
      %dma_wait3A_41 = tpu.memref_slice %arg3[%dma_wait3A_40] : memref<320000xi32, #tpu.memory_space<hbm>> -> memref<4000xi32, #tpu.memory_space<hbm>>
      %dma_wait3A_42 = arith.constant 0 : i32
      %dma_wait3A_43 = tpu.memref_slice %arg3[%dma_wait3A_42] : memref<320000xi32, #tpu.memory_space<hbm>> -> memref<4000xi32, #tpu.memory_space<hbm>>
      tpu.wait_dma2 semaphore(%arg11 : memref<!tpu.dma_semaphore, #tpu.memory_space<semaphore_mem>>) src(%dma_wait3A_43 : memref<4000xi32, #tpu.memory_space<hbm>>) dst(%arg5 : memref<4000xi32, #tpu.memory_space<vmem>>)
      %parallel_loop3A = arith.constant 0 : i32
      %parallel_loop3A_44 = arith.constant 4000 : i32
      %parallel_loop3A_45 = arith.constant 16 : i32
      scf.for %parallel_loop3A_64 = %parallel_loop3A to %parallel_loop3A_44 step %parallel_loop3A_45  : i32 {
        %parallel_loop3A_65 = arith.index_cast %parallel_loop3A_64 : i32 to index
        %parallel_loop3A_66 = tpu.vector_load %arg5[%parallel_loop3A_65] {strides = array<i32>} : memref<4000xi32, #tpu.memory_space<vmem>>, vector<16xi32>,
        %parallel_loop3A_67 = arith.constant 65535 : i32
        %parallel_loop3A_68 = vector.broadcast %parallel_loop3A_67 : i32 to vector<16xi32>
        %parallel_loop3A_69 = arith.andi %parallel_loop3A_66, %parallel_loop3A_68 : vector<16xi32>
        %parallel_loop3A_70 = arith.constant 16 : i32
        %parallel_loop3A_71 = vector.broadcast %parallel_loop3A_70 : i32 to vector<16xi32>
        %parallel_loop3A_72 = arith.shrui %parallel_loop3A_66, %parallel_loop3A_71 : vector<16xi32>
        %parallel_loop3A_73 = tpu.vector_load_idx %arg7[%parallel_loop3A_69] : memref<10240xf32, #tpu.memory_space<vmem>>[vector<16xi32>], vector<16xf32>,
        %parallel_loop3A_74 = tpu.vector_load_idx %arg8[%parallel_loop3A_69] : memref<10240xf32, #tpu.memory_space<vmem>>[vector<16xi32>], vector<16xf32>,
        tpu.vector_store_idx %arg9[%parallel_loop3A_72], %parallel_loop3A_73 {add = true} : memref<10240xf32, #tpu.memory_space<vmem>>[vector<16xi32>], vector<16xf32>,
        tpu.vector_store_idx %arg10[%parallel_loop3A_72], %parallel_loop3A_74 {add = true} : memref<10240xf32, #tpu.memory_space<vmem>>[vector<16xi32>], vector<16xf32>,
      } {sc.loop_unroll_factor = 25 : i64, sc.parallel_access}
      %add3A_46 = arith.constant 2 : i32
      %add3A_47 = arith.addi %mul3A_30, %add3A_46 : i32
      %rem3A_48 = arith.constant 80 : i32
      %rem3A_49 = arith.remsi %add3A_47, %rem3A_48 : i32
      %add3A_50 = arith.addi %rem3A_49, %div3A_7 : i32
      %rem3A_51 = arith.constant 80 : i32
      %rem3A_52 = arith.remsi %add3A_50, %rem3A_51 : i32
      %mul3A_53 = arith.constant 4000 : i32
      %mul3A_54 = arith.muli %rem3A_52, %mul3A_53 : i32
      %dma_start3A_55 = tpu.memref_slice %arg3[%mul3A_54] : memref<320000xi32, #tpu.memory_space<hbm>> -> memref<4000xi32, #tpu.memory_space<hbm>>
      %dma_start3A_56 = tpu.memref_slice %arg3[%mul3A_54] : memref<320000xi32, #tpu.memory_space<hbm>> -> memref<4000xi32, #tpu.memory_space<hbm>>
      tpu.enqueue_dma source(%dma_start3A_56 : memref<4000xi32, #tpu.memory_space<hbm>>) target(%arg5 : memref<4000xi32, #tpu.memory_space<vmem>>) target_semaphore(%arg11 : memref<!tpu.dma_semaphore, #tpu.memory_space<semaphore_mem>>)
      %dma_wait3A_57 = arith.constant 0 : i32
      %dma_wait3A_58 = tpu.memref_slice %arg3[%dma_wait3A_57] : memref<320000xi32, #tpu.memory_space<hbm>> -> memref<4000xi32, #tpu.memory_space<hbm>>
      %dma_wait3A_59 = arith.constant 0 : i32
      %dma_wait3A_60 = tpu.memref_slice %arg3[%dma_wait3A_59] : memref<320000xi32, #tpu.memory_space<hbm>> -> memref<4000xi32, #tpu.memory_space<hbm>>
      tpu.wait_dma2 semaphore(%arg12 : memref<!tpu.dma_semaphore, #tpu.memory_space<semaphore_mem>>) src(%dma_wait3A_60 : memref<4000xi32, #tpu.memory_space<hbm>>) dst(%arg6 : memref<4000xi32, #tpu.memory_space<vmem>>)
      %parallel_loop3A_61 = arith.constant 0 : i32
      %parallel_loop3A_62 = arith.constant 4000 : i32
      %parallel_loop3A_63 = arith.constant 16 : i32
      scf.for %parallel_loop3A_64 = %parallel_loop3A_61 to %parallel_loop3A_62 step %parallel_loop3A_63  : i32 {
        %parallel_loop3A_65 = arith.index_cast %parallel_loop3A_64 : i32 to index
        %parallel_loop3A_66 = tpu.vector_load %arg6[%parallel_loop3A_65] {strides = array<i32>} : memref<4000xi32, #tpu.memory_space<vmem>>, vector<16xi32>,
        %parallel_loop3A_67 = arith.constant 65535 : i32
        %parallel_loop3A_68 = vector.broadcast %parallel_loop3A_67 : i32 to vector<16xi32>
        %parallel_loop3A_69 = arith.andi %parallel_loop3A_66, %parallel_loop3A_68 : vector<16xi32>
        %parallel_loop3A_70 = arith.constant 16 : i32
        %parallel_loop3A_71 = vector.broadcast %parallel_loop3A_70 : i32 to vector<16xi32>
        %parallel_loop3A_72 = arith.shrui %parallel_loop3A_66, %parallel_loop3A_71 : vector<16xi32>
        %parallel_loop3A_73 = tpu.vector_load_idx %arg7[%parallel_loop3A_69] : memref<10240xf32, #tpu.memory_space<vmem>>[vector<16xi32>], vector<16xf32>,
        %parallel_loop3A_74 = tpu.vector_load_idx %arg8[%parallel_loop3A_69] : memref<10240xf32, #tpu.memory_space<vmem>>[vector<16xi32>], vector<16xf32>,
        tpu.vector_store_idx %arg9[%parallel_loop3A_72], %parallel_loop3A_73 {add = true} : memref<10240xf32, #tpu.memory_space<vmem>>[vector<16xi32>], vector<16xf32>,
        tpu.vector_store_idx %arg10[%parallel_loop3A_72], %parallel_loop3A_74 {add = true} : memref<10240xf32, #tpu.memory_space<vmem>>[vector<16xi32>], vector<16xf32>,
      } {sc.loop_unroll_factor = 25 : i64, sc.parallel_access}
    }
    %scan3A_22 = arith.constant 40 : i32
    %dma_wait3A = arith.constant 0 : i32
    %dma_wait3A_23 = tpu.memref_slice %arg3[%dma_wait3A] : memref<320000xi32, #tpu.memory_space<hbm>> -> memref<4000xi32, #tpu.memory_space<hbm>>
    %dma_wait3A_24 = arith.constant 0 : i32
    %dma_wait3A_25 = tpu.memref_slice %arg3[%dma_wait3A_24] : memref<320000xi32, #tpu.memory_space<hbm>> -> memref<4000xi32, #tpu.memory_space<hbm>>
    tpu.wait_dma2 semaphore(%arg11 : memref<!tpu.dma_semaphore, #tpu.memory_space<semaphore_mem>>) src(%dma_wait3A_25 : memref<4000xi32, #tpu.memory_space<hbm>>) dst(%arg5 : memref<4000xi32, #tpu.memory_space<vmem>>)
    "tpu.region"() ({
      %run_scoped3A = tpu.sem_alloc : memref<!tpu.dma_semaphore, #tpu.memory_space<semaphore_mem>>
      %dma_start3A_28 = tpu.memref_slice %arg4[%mul3A_4] : memref<655360xf32, #tpu.memory_space<hbm>> -> memref<10240xf32, #tpu.memory_space<hbm>>
      %dma_start3A_29 = tpu.memref_slice %arg4[%mul3A_4] : memref<655360xf32, #tpu.memory_space<hbm>> -> memref<10240xf32, #tpu.memory_space<hbm>>
      tpu.enqueue_dma source(%arg9 : memref<10240xf32, #tpu.memory_space<vmem>>) target(%dma_start3A_29 : memref<10240xf32, #tpu.memory_space<hbm>>) target_semaphore(%run_scoped3A : memref<!tpu.dma_semaphore, #tpu.memory_space<semaphore_mem>>)
      %dma_wait3A_30 = tpu.memref_slice %arg4[%mul3A_4] : memref<655360xf32, #tpu.memory_space<hbm>> -> memref<10240xf32, #tpu.memory_space<hbm>>
      %dma_wait3A_31 = tpu.memref_slice %arg4[%mul3A_4] : memref<655360xf32, #tpu.memory_space<hbm>> -> memref<10240xf32, #tpu.memory_space<hbm>>
      tpu.wait_dma2 semaphore(%run_scoped3A : memref<!tpu.dma_semaphore, #tpu.memory_space<semaphore_mem>>) src(%arg9 : memref<10240xf32, #tpu.memory_space<vmem>>) dst(%dma_wait3A_31 : memref<10240xf32, #tpu.memory_space<hbm>>)
      tpu.yield
    }) : () -> ()
    %add3A_26 = arith.constant 10240 : i32
    %add3A_27 = arith.addi %mul3A_4, %add3A_26 : i32
    "tpu.region"() ({
      %run_scoped3A = tpu.sem_alloc : memref<!tpu.dma_semaphore, #tpu.memory_space<semaphore_mem>>
      %dma_start3A_28 = tpu.memref_slice %arg4[%add3A_27] : memref<655360xf32, #tpu.memory_space<hbm>> -> memref<10240xf32, #tpu.memory_space<hbm>>
      %dma_start3A_29 = tpu.memref_slice %arg4[%add3A_27] : memref<655360xf32, #tpu.memory_space<hbm>> -> memref<10240xf32, #tpu.memory_space<hbm>>
      tpu.enqueue_dma source(%arg10 : memref<10240xf32, #tpu.memory_space<vmem>>) target(%dma_start3A_29 : memref<10240xf32, #tpu.memory_space<hbm>>) target_semaphore(%run_scoped3A : memref<!tpu.dma_semaphore, #tpu.memory_space<semaphore_mem>>)
      %dma_wait3A_30 = tpu.memref_slice %arg4[%add3A_27] : memref<655360xf32, #tpu.memory_space<hbm>> -> memref<10240xf32, #tpu.memory_space<hbm>>
      %dma_wait3A_31 = tpu.memref_slice %arg4[%add3A_27] : memref<655360xf32, #tpu.memory_space<hbm>> -> memref<10240xf32, #tpu.memory_space<hbm>>
      tpu.wait_dma2 semaphore(%run_scoped3A : memref<!tpu.dma_semaphore, #tpu.memory_space<semaphore_mem>>) src(%arg10 : memref<10240xf32, #tpu.memory_space<vmem>>) dst(%dma_wait3A_31 : memref<10240xf32, #tpu.memory_space<hbm>>)
      tpu.yield
    }) : () -> ()
    return
  }
}

module attributes {stable_mosaic.version = 14 : i64} {
  func.func @_prescale_kernel(%arg0: i32, %arg1: memref<128x1024xf32, #tpu.memory_space<vmem>>, %arg2: memref<64x128xf32, #tpu.memory_space<vmem>>, %arg3: memref<32x1024xf32, #tpu.memory_space<vmem>>, %arg4: memref<64x1024xf32, #tpu.memory_space<vmem>>, %arg5: memref<1x1024xf32, #tpu.memory_space<vmem>>) attributes {dimension_semantics = [#tpu.dimension_semantics<arbitrary>], iteration_bounds = array<i64: 10>, scalar_prefetch = 0 : i64, scratch_operands = 0 : i64, tpu.core_type = #tpu.core_type<tc>, window_params = [{transform_indices = @transform_0, window_bounds = array<i64: 128, 1024>}, {pipeline_mode = #tpu.pipeline_mode<synchronous>, transform_indices = @transform_1, window_bounds = array<i64: 64, 128>}, {transform_indices = @transform_2, window_bounds = array<i64: 32, 1024>}, {transform_indices = @transform_3, window_bounds = array<i64: 64, 1024>}, {transform_indices = @transform_4, window_bounds = array<i64: 1, 1024>}]} {
    %get3A = arith.constant 0 : index
    %get3A_0 = arith.constant 0 : index
    %get3A_1 = vector.load %arg3[%get3A, %get3A_0] : memref<32x1024xf32, #tpu.memory_space<vmem>>, vector<32x1024xf32>
    %reduce_sum3A = arith.constant dense<0.000000e+00> : vector<1024xf32>
    %reduce_sum3A_2 = vector.multi_reduction <add>, %get3A_1, %reduce_sum3A [0] : vector<32x1024xf32> to vector<1024xf32>
    %broadcast_in_dim3A = vector.shape_cast %reduce_sum3A_2 : vector<1024xf32> to vector<1x1024xf32>
    %add3A = arith.constant 1.000000e+00 : f32
    %add3A_3 = vector.broadcast %add3A : f32 to vector<1x1024xf32>
    %add3A_4 = arith.addf %broadcast_in_dim3A, %add3A_3 : vector<1x1024xf32>
    %iota3A = tpu.iota {dimensions = array<i32: 1>} : vector<1x1024xi32>
    %mul3A = arith.constant 1024 : i32
    %mul3A_5 = arith.muli %arg0, %mul3A : i32
    %add3A_6 = vector.broadcast %mul3A_5 : i32 to vector<1x1024xi32>
    %add3A_7 = arith.addi %iota3A, %add3A_6 : vector<1x1024xi32>
    %lt3A = arith.constant 10000 : i32
    %lt3A_8 = vector.broadcast %lt3A : i32 to vector<1x1024xi32>
    %lt3A_9 = arith.cmpi slt, %add3A_7, %lt3A_8 : vector<1x1024xi32>
    %rsqrt3A = math.rsqrt %add3A_4 : vector<1x1024xf32>
    %jit3A = arith.constant 0.000000e+00 : f32
    %broadcast_in_dim3A_10 = vector.broadcast %jit3A : f32 to vector<1x1024xf32>
    %select_n3A = arith.select %lt3A_9, %rsqrt3A, %broadcast_in_dim3A_10 : vector<1x1024xi1>, vector<1x1024xf32>
    %swap3A = arith.constant 0 : index
    %swap3A_11 = arith.constant 0 : index
    %swap3A_12 = vector.load %arg5[%swap3A, %swap3A_11] : memref<1x1024xf32, #tpu.memory_space<vmem>>, vector<1x1024xf32>
    tpu.vector_store %arg5[%swap3A, %swap3A_11], %select_n3A {strides = array<i32>} : memref<1x1024xf32, #tpu.memory_space<vmem>>, vector<1x1024xf32>,
    %get3A_13 = arith.constant 0 : index
    %get3A_14 = arith.constant 0 : index
    %get3A_15 = vector.load %arg2[%get3A_13, %get3A_14] : memref<64x128xf32, #tpu.memory_space<vmem>>, vector<64x128xf32>
    %get3A_16 = arith.constant 0 : index
    %get3A_17 = arith.constant 0 : index
    %get3A_18 = vector.load %arg1[%get3A_16, %get3A_17] : memref<128x1024xf32, #tpu.memory_space<vmem>>, vector<128x1024xf32>
    %dot_general3A = arith.constant dense<0.000000e+00> : vector<64x1024xf32>
    %dot_general3A_19 = tpu.matmul %get3A_15, %get3A_18, %dot_general3A {dimension_numbers = #tpu.dot_dimension_numbers<[1], [0], [0], [1], [0, 0, 1, 1], [], []>, transpose_lhs_hint = false} : vector<64x128xf32>, vector<128x1024xf32>, vector<64x1024xf32> -> vector<64x1024xf32>
    %mul3A_20 = vector.broadcast %select_n3A : vector<1x1024xf32> to vector<64x1024xf32>
    %mul3A_21 = arith.mulf %dot_general3A_19, %mul3A_20 : vector<64x1024xf32>
    %swap3A_22 = arith.constant 0 : index
    %swap3A_23 = arith.constant 0 : index
    %swap3A_24 = vector.load %arg4[%swap3A_22, %swap3A_23] : memref<64x1024xf32, #tpu.memory_space<vmem>>, vector<64x1024xf32>
    tpu.vector_store %arg4[%swap3A_22, %swap3A_23], %mul3A_21 {strides = array<i32>} : memref<64x1024xf32, #tpu.memory_space<vmem>>, vector<64x1024xf32>,
    return
  }
  func.func @transform_0(%arg0: i32) -> (i32, i32) {
    %c0_i32 = arith.constant 0 : i32
    %c0_i32_0 = arith.constant 0 : i32
    return %c0_i32, %arg0 : i32, i32
  }
  func.func @transform_1(%arg0: i32) -> (i32, i32) {
    %c0_i32 = arith.constant 0 : i32
    %c0_i32_0 = arith.constant 0 : i32
    %c0_i32_1 = arith.constant 0 : i32
    return %c0_i32, %c0_i32_0 : i32, i32
  }
  func.func @transform_2(%arg0: i32) -> (i32, i32) {
    %c0_i32 = arith.constant 0 : i32
    %c0_i32_0 = arith.constant 0 : i32
    return %c0_i32, %arg0 : i32, i32
  }
  func.func @transform_3(%arg0: i32) -> (i32, i32) {
    %c0_i32 = arith.constant 0 : i32
    %c0_i32_0 = arith.constant 0 : i32
    return %c0_i32, %arg0 : i32, i32
  }
  func.func @transform_4(%arg0: i32) -> (i32, i32) {
    %c0_i32 = arith.constant 0 : i32
    %c0_i32_0 = arith.constant 0 : i32
    return %c0_i32, %arg0 : i32, i32
  }
}

module attributes {stable_mosaic.version = 14 : i64} {
  func.func @_mid_kernel(%arg0: i32, %arg1: memref<64x1024xf32, #tpu.memory_space<vmem>>, %arg2: memref<1x1024xf32, #tpu.memory_space<vmem>>, %arg3: memref<64x1xf32, #tpu.memory_space<vmem>>, %arg4: memref<64x64xf32, #tpu.memory_space<vmem>>, %arg5: memref<64x1024xf32, #tpu.memory_space<vmem>>) attributes {dimension_semantics = [#tpu.dimension_semantics<arbitrary>], iteration_bounds = array<i64: 10>, scalar_prefetch = 0 : i64, scratch_operands = 0 : i64, tpu.core_type = #tpu.core_type<tc>, window_params = [{transform_indices = @transform_0, window_bounds = array<i64: 64, 1024>}, {transform_indices = @transform_1, window_bounds = array<i64: 1, 1024>}, {pipeline_mode = #tpu.pipeline_mode<synchronous>, transform_indices = @transform_2, window_bounds = array<i64: 64, 1>}, {pipeline_mode = #tpu.pipeline_mode<synchronous>, transform_indices = @transform_3, window_bounds = array<i64: 64, 64>}, {transform_indices = @transform_4, window_bounds = array<i64: 64, 1024>}]} {
    %get3A = arith.constant 0 : index
    %get3A_0 = arith.constant 0 : index
    %get3A_1 = vector.load %arg2[%get3A, %get3A_0] : memref<1x1024xf32, #tpu.memory_space<vmem>>, vector<1x1024xf32>
    %get3A_2 = arith.constant 0 : index
    %get3A_3 = arith.constant 0 : index
    %get3A_4 = vector.load %arg1[%get3A_2, %get3A_3] : memref<64x1024xf32, #tpu.memory_space<vmem>>, vector<64x1024xf32>
    %mul3A = vector.broadcast %get3A_1 : vector<1x1024xf32> to vector<64x1024xf32>
    %mul3A_5 = arith.mulf %get3A_4, %mul3A : vector<64x1024xf32>
    %get3A_6 = arith.constant 0 : index
    %get3A_7 = arith.constant 0 : index
    %get3A_8 = vector.load %arg3[%get3A_6, %get3A_7] : memref<64x1xf32, #tpu.memory_space<vmem>>, vector<64x1xf32>
    %add3A = vector.broadcast %get3A_8 : vector<64x1xf32> to vector<64x1024xf32>
    %add3A_9 = arith.addf %mul3A_5, %add3A : vector<64x1024xf32>
    %max3A = arith.constant 0.000000e+00 : f32
    %max3A_10 = vector.broadcast %max3A : f32 to vector<64x1024xf32>
    %max3A_11 = arith.maximumf %add3A_9, %max3A_10 : vector<64x1024xf32>
    %get3A_12 = arith.constant 0 : index
    %get3A_13 = arith.constant 0 : index
    %get3A_14 = vector.load %arg4[%get3A_12, %get3A_13] : memref<64x64xf32, #tpu.memory_space<vmem>>, vector<64x64xf32>
    %dot_general3A = arith.constant dense<0.000000e+00> : vector<64x1024xf32>
    %dot_general3A_15 = tpu.matmul %get3A_14, %max3A_11, %dot_general3A {dimension_numbers = #tpu.dot_dimension_numbers<[1], [0], [0], [1], [0, 0, 1, 1], [], []>, transpose_lhs_hint = false} : vector<64x64xf32>, vector<64x1024xf32>, vector<64x1024xf32> -> vector<64x1024xf32>
    %mul3A_16 = vector.broadcast %get3A_1 : vector<1x1024xf32> to vector<64x1024xf32>
    %mul3A_17 = arith.mulf %dot_general3A_15, %mul3A_16 : vector<64x1024xf32>
    %swap3A = arith.constant 0 : index
    %swap3A_18 = arith.constant 0 : index
    %swap3A_19 = vector.load %arg5[%swap3A, %swap3A_18] : memref<64x1024xf32, #tpu.memory_space<vmem>>, vector<64x1024xf32>
    tpu.vector_store %arg5[%swap3A, %swap3A_18], %mul3A_17 {strides = array<i32>} : memref<64x1024xf32, #tpu.memory_space<vmem>>, vector<64x1024xf32>,
    return
  }
  func.func @transform_0(%arg0: i32) -> (i32, i32) {
    %c0_i32 = arith.constant 0 : i32
    %c0_i32_0 = arith.constant 0 : i32
    return %c0_i32, %arg0 : i32, i32
  }
  func.func @transform_1(%arg0: i32) -> (i32, i32) {
    %c0_i32 = arith.constant 0 : i32
    %c0_i32_0 = arith.constant 0 : i32
    return %c0_i32, %arg0 : i32, i32
  }
  func.func @transform_2(%arg0: i32) -> (i32, i32) {
    %c0_i32 = arith.constant 0 : i32
    %c0_i32_0 = arith.constant 0 : i32
    %c0_i32_1 = arith.constant 0 : i32
    return %c0_i32, %c0_i32_0 : i32, i32
  }
  func.func @transform_3(%arg0: i32) -> (i32, i32) {
    %c0_i32 = arith.constant 0 : i32
    %c0_i32_0 = arith.constant 0 : i32
    %c0_i32_1 = arith.constant 0 : i32
    return %c0_i32, %c0_i32_0 : i32, i32
  }
  func.func @transform_4(%arg0: i32) -> (i32, i32) {
    %c0_i32 = arith.constant 0 : i32
    %c0_i32_0 = arith.constant 0 : i32
    return %c0_i32, %arg0 : i32, i32
  }
}

module attributes {stable_mosaic.version = 14 : i64} {
  func.func @_head_kernel(%arg0: i32, %arg1: memref<64x1024xf32, #tpu.memory_space<vmem>>, %arg2: memref<1x1024xf32, #tpu.memory_space<vmem>>, %arg3: memref<64x1xf32, #tpu.memory_space<vmem>>, %arg4: memref<8x64xf32, #tpu.memory_space<vmem>>, %arg5: memref<8x1xf32, #tpu.memory_space<vmem>>, %arg6: memref<8x1024xf32, #tpu.memory_space<vmem>>) attributes {dimension_semantics = [#tpu.dimension_semantics<arbitrary>], iteration_bounds = array<i64: 10>, scalar_prefetch = 0 : i64, scratch_operands = 0 : i64, tpu.core_type = #tpu.core_type<tc>, window_params = [{transform_indices = @transform_0, window_bounds = array<i64: 64, 1024>}, {transform_indices = @transform_1, window_bounds = array<i64: 1, 1024>}, {pipeline_mode = #tpu.pipeline_mode<synchronous>, transform_indices = @transform_2, window_bounds = array<i64: 64, 1>}, {pipeline_mode = #tpu.pipeline_mode<synchronous>, transform_indices = @transform_3, window_bounds = array<i64: 8, 64>}, {pipeline_mode = #tpu.pipeline_mode<synchronous>, transform_indices = @transform_4, window_bounds = array<i64: 8, 1>}, {transform_indices = @transform_5, window_bounds = array<i64: 8, 1024>}]} {
    %get3A = arith.constant 0 : index
    %get3A_0 = arith.constant 0 : index
    %get3A_1 = vector.load %arg1[%get3A, %get3A_0] : memref<64x1024xf32, #tpu.memory_space<vmem>>, vector<64x1024xf32>
    %get3A_2 = arith.constant 0 : index
    %get3A_3 = arith.constant 0 : index
    %get3A_4 = vector.load %arg2[%get3A_2, %get3A_3] : memref<1x1024xf32, #tpu.memory_space<vmem>>, vector<1x1024xf32>
    %mul3A = vector.broadcast %get3A_4 : vector<1x1024xf32> to vector<64x1024xf32>
    %mul3A_5 = arith.mulf %get3A_1, %mul3A : vector<64x1024xf32>
    %get3A_6 = arith.constant 0 : index
    %get3A_7 = arith.constant 0 : index
    %get3A_8 = vector.load %arg3[%get3A_6, %get3A_7] : memref<64x1xf32, #tpu.memory_space<vmem>>, vector<64x1xf32>
    %add3A = vector.broadcast %get3A_8 : vector<64x1xf32> to vector<64x1024xf32>
    %add3A_9 = arith.addf %mul3A_5, %add3A : vector<64x1024xf32>
    %max3A = arith.constant 0.000000e+00 : f32
    %max3A_10 = vector.broadcast %max3A : f32 to vector<64x1024xf32>
    %max3A_11 = arith.maximumf %add3A_9, %max3A_10 : vector<64x1024xf32>
    %get3A_12 = arith.constant 0 : index
    %get3A_13 = arith.constant 0 : index
    %get3A_14 = vector.load %arg4[%get3A_12, %get3A_13] : memref<8x64xf32, #tpu.memory_space<vmem>>, vector<8x64xf32>
    %dot_general3A = arith.constant dense<0.000000e+00> : vector<8x1024xf32>
    %dot_general3A_15 = tpu.matmul %get3A_14, %max3A_11, %dot_general3A {dimension_numbers = #tpu.dot_dimension_numbers<[1], [0], [0], [1], [0, 0, 1, 1], [], []>, transpose_lhs_hint = false} : vector<8x64xf32>, vector<64x1024xf32>, vector<8x1024xf32> -> vector<8x1024xf32>
    %get3A_16 = arith.constant 0 : index
    %get3A_17 = arith.constant 0 : index
    %get3A_18 = vector.load %arg5[%get3A_16, %get3A_17] : memref<8x1xf32, #tpu.memory_space<vmem>>, vector<8x1xf32>
    %add3A_19 = vector.broadcast %get3A_18 : vector<8x1xf32> to vector<8x1024xf32>
    %add3A_20 = arith.addf %dot_general3A_15, %add3A_19 : vector<8x1024xf32>
    %iota3A = tpu.iota {dimensions = array<i32: 0>} : vector<8x1024xi32>
    %lt3A = arith.constant 7 : i32
    %lt3A_21 = vector.broadcast %lt3A : i32 to vector<8x1024xi32>
    %lt3A_22 = arith.cmpi slt, %iota3A, %lt3A_21 : vector<8x1024xi32>
    %jit3A = arith.constant -1.000000e+30 : f32
    %broadcast_in_dim3A = vector.broadcast %jit3A : f32 to vector<8x1024xf32>
    %select_n3A = arith.select %lt3A_22, %add3A_20, %broadcast_in_dim3A : vector<8x1024xi1>, vector<8x1024xf32>
    %reduce_max3A = arith.constant dense<0xFF800000> : vector<1024xf32>
    %reduce_max3A_23 = vector.multi_reduction <maximumf>, %select_n3A, %reduce_max3A [0] : vector<8x1024xf32> to vector<1024xf32>
    %broadcast_in_dim3A_24 = vector.shape_cast %reduce_max3A_23 : vector<1024xf32> to vector<1x1024xf32>
    %sub3A = vector.broadcast %broadcast_in_dim3A_24 : vector<1x1024xf32> to vector<8x1024xf32>
    %sub3A_25 = arith.subf %add3A_20, %sub3A : vector<8x1024xf32>
    %exp3A = math.exp %sub3A_25 : vector<8x1024xf32>
    %jit3A_26 = arith.constant 0.000000e+00 : f32
    %broadcast_in_dim3A_27 = vector.broadcast %jit3A_26 : f32 to vector<8x1024xf32>
    %select_n3A_28 = arith.select %lt3A_22, %exp3A, %broadcast_in_dim3A_27 : vector<8x1024xi1>, vector<8x1024xf32>
    %reduce_sum3A = arith.constant dense<0.000000e+00> : vector<1024xf32>
    %reduce_sum3A_29 = vector.multi_reduction <add>, %select_n3A_28, %reduce_sum3A [0] : vector<8x1024xf32> to vector<1024xf32>
    %broadcast_in_dim3A_30 = vector.shape_cast %reduce_sum3A_29 : vector<1024xf32> to vector<1x1024xf32>
    %sub3A_31 = vector.broadcast %broadcast_in_dim3A_24 : vector<1x1024xf32> to vector<8x1024xf32>
    %sub3A_32 = arith.subf %add3A_20, %sub3A_31 : vector<8x1024xf32>
    %log3A = math.log %broadcast_in_dim3A_30 : vector<1x1024xf32>
    %sub3A_33 = vector.broadcast %log3A : vector<1x1024xf32> to vector<8x1024xf32>
    %sub3A_34 = arith.subf %sub3A_32, %sub3A_33 : vector<8x1024xf32>
    %swap3A = arith.constant 0 : index
    %swap3A_35 = arith.constant 0 : index
    %swap3A_36 = vector.load %arg6[%swap3A, %swap3A_35] : memref<8x1024xf32, #tpu.memory_space<vmem>>, vector<8x1024xf32>
    tpu.vector_store %arg6[%swap3A, %swap3A_35], %sub3A_34 {strides = array<i32>} : memref<8x1024xf32, #tpu.memory_space<vmem>>, vector<8x1024xf32>,
    return
  }
  func.func @transform_0(%arg0: i32) -> (i32, i32) {
    %c0_i32 = arith.constant 0 : i32
    %c0_i32_0 = arith.constant 0 : i32
    return %c0_i32, %arg0 : i32, i32
  }
  func.func @transform_1(%arg0: i32) -> (i32, i32) {
    %c0_i32 = arith.constant 0 : i32
    %c0_i32_0 = arith.constant 0 : i32
    return %c0_i32, %arg0 : i32, i32
  }
  func.func @transform_2(%arg0: i32) -> (i32, i32) {
    %c0_i32 = arith.constant 0 : i32
    %c0_i32_0 = arith.constant 0 : i32
    %c0_i32_1 = arith.constant 0 : i32
    return %c0_i32, %c0_i32_0 : i32, i32
  }
  func.func @transform_3(%arg0: i32) -> (i32, i32) {
    %c0_i32 = arith.constant 0 : i32
    %c0_i32_0 = arith.constant 0 : i32
    %c0_i32_1 = arith.constant 0 : i32
    return %c0_i32, %c0_i32_0 : i32, i32
  }
  func.func @transform_4(%arg0: i32) -> (i32, i32) {
    %c0_i32 = arith.constant 0 : i32
    %c0_i32_0 = arith.constant 0 : i32
    %c0_i32_1 = arith.constant 0 : i32
    return %c0_i32, %c0_i32_0 : i32, i32
  }
  func.func @transform_5(%arg0: i32) -> (i32, i32) {
    %c0_i32 = arith.constant 0 : i32
    %c0_i32_0 = arith.constant 0 : i32
    return %c0_i32, %arg0 : i32, i32
  }
}

</mosaic_0001>

<sc_bundles>
// kernel: kernel.11.cloned.1.call-start
scs
__scs_entry_jumppad:
0x0: {  	(pc) =	sbr.rel $0x88, $3  }
0x1: {  	(tag) =	ssettag $0x0;
	lr =	simm.s32 $0x1  }
0x2: {  	[smem:$0x3F99] =	sst lr;
	_ =	strace $0xD0000000  }
0x3: {  	_ = 	snop  }
0x4: {  	_ = 	snop  }
0x5: {  	_ = 	snop  }
0x6: {  	_ = 	snop  }
0x7: {  	_ = 	snop  }
__scs_overlays_trampoline_lowered:
0x8: {  	[smem:$0x3FA8] =	sst s0  }
0x9: {  	[smem:$0x3FA9] =	sst s1  }
0xa: {  	[smem:$0x3FAA] =	sst s2  }
0xb: {  	[smem:$0x3FAB] =	sst s3  }
0xc: {  	[smem:$0x3FAC] =	sst s4  }
0xd: {  	[smem:$0x3FAD] =	sst s5  }
0xe: {  	[smem:$0x3FAE] =	sst s6  }
0xf: {  	[smem:$0x3FAF] =	sst s7  }
0x10: {  	[smem:$0x3FB0] =	sst s8  }
0x11: {  	[smem:$0x3FB1] =	sst s9;
	s0 =	simm.s32 @!p0 $0x0  }
0x12: {  	s1 =	sld [smem:$0x3F97];
	s0 =	simm.s32 @p0 $0x1  }
0x13: {  	[smem:$0x3FB2] =	sst s0;
	s0 =	simm.s32 @!p1 $0x0  }
0x14: {  	s2 =	sld [smem:$0x3F96];
	s0 =	simm.s32 @p1 $0x1  }
0x15: {  	[smem:$0x3FB3] =	sst s0;
	s0 =	simm.s32 @!p2 $0x0  }
0x16: {  	s3 =	sld [smem:$0x3FDB];
	s0 =	simm.s32 @p2 $0x1  }
0x17: {  	s4 =	simm.s32 $0x1BF5;
	[smem:$0x3FB5] =	sst s0  }
0x18: {  	s0 =	sld [smem:$0x3F98];
	_ =	swait.ge [sflag:s4], $0x0  }
0x19: {  	s7 =	sld [smem:$0x3F99]  }
0x1a: {  	s8 =	sadd.s32 $0xFFFFE003, lr  }
0x1b: {  	s9 =	sadd.s32 $0xFFFFFEF7, lr;
	s5 =	simm.s32 $0xFFFFFFFF;
	p2 =	slt.u32 s8, $0xFFFFF086  }
0x1c: {  	p1 =	slt.u32 s9, $0xF7A;
	s5 =	simm.s32 @!p2 $0x0  }
0x1d: {  	s5 =	simm.s32 @p1 $0x1;
	p0 =	seq.s32 s7, s2  }
0x1e: {  	s7 =	smul.u32 @!p0 $0xF7A, s2;
	p2 =	seq.s32 @!p0 s5, $0x0  }
0x1f: {  	s9 =	smul.u32 $0xF7A, s1;
	s8 =	simm.s32 @!p0 $0x1BF5;
	p2 =	por !p2, p0  }
0x20: {  	[sflag:s8] =	ssyncset.s32 @!p0 $0xFFFFF086;
	s6 =	sadd.s32 @!p0 s3, s7;
	s7 =	simm.s32 @!p0 $0x108  }
0x21: {  	s3 =	sadd.s32 s3, s9;
	s6 =	sadd.s32 @!p0 $0x88, s6;
	s7 =	simm.s32 @p2 $0x1082  }
0x22: {  	[simem:s7], [sflag:s8] =	dma.local @!p0 [hbm:s6], $0xF7A  }
0x23: {  	s9 =	sor.u32 $0xD0000000, s2;
	s6 =	simm.s32 $0x108;
	_ =	swait.ge @!p0 [sflag:s8], $0x0  }
0x24: {  	s3 =	sadd.s32 $0x88, s3;
	s6 =	simm.s32 @!p1 $0x1082;
	[sflag:s4] =	ssyncset.s32 $0xFFFFF086  }
0x25: {  	[simem:s6], [sflag:s4] =	dma.local [hbm:s3], $0xF7A  }
0x26: {  	[smem:$0x3F99] =	sst s1;
	(tag) =	ssettag s2;
	_ =	strace s9  }
0x27: {  	s1 =	sld [smem:$0x3FA9]  }
0x28: {  	s2 =	sld [smem:$0x3FAA]  }
0x29: {  	s4 =	sld [smem:$0x3FAC]  }
0x2a: {  	p0 =	seq.s32 s5, $0x0;
	s5 =	sld [smem:$0x3FAD]  }
0x2b: {  	s6 =	sld [smem:$0x3FAE]  }
0x2c: {  	s7 =	sld [smem:$0x3FAF]  }
0x2d: {  	s3 =	simm.s32 $0x108;
	s8 =	sld [smem:$0x3FB0]  }
0x2e: {  	s3 =	simm.s32 @!p0 $0x1082;
	s9 =	sld [smem:$0x3FB1]  }
0x2f: {  	lr =	sadd.s32 s0, s3;
	s0 =	sld [smem:$0x3FA8]  }
0x30: {  	s3 =	sld [smem:$0x3FAB]  }
0x31: {  	[smem:$0x3FB4] =	sst s10  }
0x32: {  	s10 =	sld [smem:$0x3FB2];
	_ =	sdelay $0x3  }
0x33: {  	p0 =	seq.s32 s10, $0x1;
	s10 =	sld [smem:$0x3FB4];
	_ =	sdelay $0x3  }
0x34: {  	[smem:$0x3FB4] =	sst s10  }
0x35: {  	s10 =	sld [smem:$0x3FB3];
	_ =	sdelay $0x3  }
0x36: {  	p1 =	seq.s32 s10, $0x1;
	s10 =	sld [smem:$0x3FB4];
	_ =	sdelay $0x3  }
0x37: {  	[smem:$0x3FB4] =	sst s10  }
0x38: {  	s10 =	sld [smem:$0x3FB5]  }
0x39: {  	_ = 	snop;
	(pc) =	sbr.ind lr, $3  }
0x3a: {  	_ = 	snop  }
0x3b: {  	_ = 	snop  }
0x3c: {  	p2 =	seq.s32 s10, $0x1;
	s10 =	sld [smem:$0x3FB4]  }
0x3d: {  	_ =	shalt  }
0x3e: {  	_ =	shalt  }
0x3f: {  	_ =	shalt  }
0x40: {  	_ =	shalt  }
0x41: {  	_ =	shalt  }
0x42: {  	_ =	shalt  }
0x43: {  	_ =	shalt  }
0x44: {  	_ =	shalt  }
0x45: {  	_ =	shalt  }
0x46: {  	_ =	shalt  }
0x47: {  	_ =	shalt  }
0x48: {  	_ =	shalt  }
0x49: {  	_ =	shalt  }
0x4a: {  	_ =	shalt  }
0x4b: {  	_ =	shalt  }
0x4c: {  	_ =	shalt  }
0x4d: {  	_ =	shalt  }
0x4e: {  	_ =	shalt  }
0x4f: {  	_ =	shalt  }
0x50: {  	_ =	shalt  }
0x51: {  	_ =	shalt  }
0x52: {  	_ =	shalt  }
0x53: {  	_ =	shalt  }
0x54: {  	_ =	shalt  }
0x55: {  	_ =	shalt  }
0x56: {  	_ =	shalt  }
0x57: {  	_ =	shalt  }
0x58: {  	_ =	shalt  }
0x59: {  	_ =	shalt  }
0x5a: {  	_ =	shalt  }
0x5b: {  	_ =	shalt  }
0x5c: {  	_ =	shalt  }
0x5d: {  	_ =	shalt  }
0x5e: {  	_ =	shalt  }
0x5f: {  	_ =	shalt  }
0x60: {  	_ =	shalt  }
0x61: {  	_ =	shalt  }
0x62: {  	_ =	shalt  }
0x63: {  	_ =	shalt  }
0x64: {  	_ =	shalt  }
0x65: {  	_ =	shalt  }
0x66: {  	_ =	shalt  }
0x67: {  	_ =	shalt  }
0x68: {  	_ =	shalt  }
0x69: {  	_ =	shalt  }
0x6a: {  	_ =	shalt  }
0x6b: {  	_ =	shalt  }
0x6c: {  	_ =	shalt  }
0x6d: {  	_ =	shalt  }
0x6e: {  	_ =	shalt  }
0x6f: {  	_ =	shalt  }
0x70: {  	_ =	shalt  }
0x71: {  	_ =	shalt  }
0x72: {  	_ =	shalt  }
0x73: {  	_ =	shalt  }
0x74: {  	_ =	shalt  }
0x75: {  	_ =	shalt  }
0x76: {  	_ =	shalt  }
0x77: {  	_ =	shalt  }
0x78: {  	_ =	shalt  }
0x79: {  	_ =	shalt  }
0x7a: {  	_ =	shalt  }
0x7b: {  	_ =	shalt  }
0x7c: {  	_ =	shalt  }
0x7d: {  	_ =	shalt  }
0x7e: {  	_ =	shalt  }
0x7f: {  	_ =	shalt  }
0x80: {  	_ =	shalt  }
0x81: {  	_ =	shalt  }
0x82: {  	_ =	shalt  }
0x83: {  	_ =	shalt  }
0x84: {  	_ =	shalt  }
0x85: {  	_ =	shalt  }
0x86: {  	_ =	shalt  }
0x87: {  	_ =	shalt  }
.Lfunc_end0:
.L_simem_size_0:
called_computation.1_lowered:
.L_overlay_start_0:
0x88: {  	s2 =	sld [smem:$0x3FD9]  }
0x89: {  	s3 =	sld [smem:$0x3FFE];
	_ =	sdelay $0x1  }
0x8a: {  	s1 =	srdreg.scid  }
0x8b: {  	s0 =	sand.u32 $0x1, s1  }
0x8c: {  	s16 =	sshll.u32 s0, $0xA;
	s2 =	sadd.s32 s3, s2  }
0x8d: {  	s2 =	sadd.s32 s2, s16  }
0x8e: {  	[smem:$0x3FC0] =	sst s2  }
0x8f: {  	_ = 	snop  }
0x90: {  	(tm) =	ssettm $0x1  }
0x91: {  	s17 =	sld [smem:$0x3FFB];
	_ =	sdelay $0x3  }
0x92: {  	_ =	strace s17  }
0x93: {  	s2 =	sld [smem:$0x3FFC];
	_ =	sdelay $0x3  }
0x94: {  	_ =	strace s2  }
0x95: {  	s2 =	sld [smem:$0x3FFD];
	_ =	sdelay $0x3  }
0x96: {  	_ =	strace s2  }
0x97: {  	_ =	strace $0x8FFFFFFF  }
0x98: {  	s18 =	sld [smem:$0x3FDB];
	_ =	sdelay $0x1  }
0x99: {  	s19 =	simm.s32 $_scs_section_size  }
0x9a: {  	s4 =	simm.s32 $_size__tile_overlayer_lowered;
	s5 =	simm.s32 $_tile_overlayer_lowered  }
0x9b: {  	s22 =	simm.s32 $0x1BFF;
	s21 =	sshll.u32 s5, $0x1;
	s2 =	sadd.s32 s19, s18  }
0x9c: {  	s6 =	simm.s32 $0x0;
	s20 =	sshll.u32 s4, $0x1;
	s4 =	sadd.s32 s21, s2  }
0x9d: {  	[timem:s6], [sflag:s22] =	dma.local [hbm:s4], s20  }
0x9e: {  	_ =	swait.ge [sflag:s22], s20  }
0x9f: {  	s3 =	ssub.s32 $0x0, s20;
	[sflag:s22] =	ssyncset.done $0x0  }
0xa0: {  	[sflag:s22] =	ssyncadd.s32 s3;
	_ =	sdelay $0x1  }
0xa1: {  	s23 =	simm.s32 $0x1B8B  }
0xa2: {  	_ =	swait.ge [sflag:s23], $0x1  }
0xa3: {  	[sflag:s23] =	ssyncset.done $0x0  }
0xa4: {  	s25 =	simm.s32 $0x1B8E;
	s24 =	sld [smem:$0x3FFE];
	[sflag:s23] =	ssyncadd.s32 $0xFFFFFFFF  }
0xa5: {  	s26 =	simm.s32 $execute0_lowered;
	[smem:$0x3FD2] =	sst s25  }
0xa6: {  	s4 =	sshll.u32 s26, $0x1;
	_ =	strace $0x80000049;
	[dreg:$0x1] =	wrdreg $0xFFFFFFFF  }
0xa7: {  	s28 =	simm.s32 $_size_execute0_lowered;
	s2 =	sadd.s32 s2, s4;
	[dreg:$0x0] =	wrdreg $0x0  }
0xa8: {  	s4 =	sshll.u32 s28, $0x1;
	[dreg:$0x2] =	wrdreg s2  }
0xa9: {  	[dreg:$0x3] =	wrdreg s4  }
0xaa: {  	[dreg:$0x4] =	wrdreg $0xC0  }
0xab: {  	_ =	task [dreg:s6], $0x5FFFF  }
0xac: {  	[dreg:$0x1] =	wrdreg $0xFFFFFFFF  }
0xad: {  	[dreg:$0x0] =	wrdreg $0x60  }
0xae: {  	[dreg:$0x2] =	wrdreg s24  }
0xaf: {  	[dreg:$0x3] =	wrdreg $0x9  }
0xb0: {  	_ =	task.clear_ibuf [dreg:s6], $0x4FFFF;
	_ =	strace $0x90000049  }
0xb1: {  	s29 =	simm.s32 $0x9;
	_ =	strace $0x8000004B  }
0xb2: {  	_ =	swait.ge [sflag:s29], $0x1  }
0xb3: {  	[sflag:s29] =	ssyncadd.s32 $0xFFFFFFFF  }
0xb4: {  	_ =	strace $0x9000004B  }
0xb5: {  	_ =	sfence  }
0xb6: {  	s30 =	sld [smem:$0x0];
	_ =	sdelay $0x2  }
0xb7: {  	s31 =	sshll.u32 s1, $0xD;
	s1 =	sshrl.u32 s1, $0x2  }
0xb8: {  	s3 =	sand.u32 $0x4000, s31;
	s1 =	sadd.s32 s1, s30  }
0xb9: {  	s0 =	sor.u32 s3, s0;
	s1 =	sshll.u32 s1, $0x11  }
0xba: {  	s0 =	sor.u32 s1, s0  }
0xbb: {  	s0 =	sadd.s32 $0x8F2B, s0  }
0xbc: {  	[sflag:s0] =	ssyncadd.remote.s32 $0x1  }
0xbd: {  	_ =	sfence.sel $0xFFFF  }
0xbe: {  	[dreg:$0x0] =	wrdreg $0xFFFFFFFF;
	(pc) =	sbr.abs _section_cstart, $3  }
0xbf: {  	[dreg:$0x1] =	wrdreg $0xFFFFFFFF  }
0xc0: {  	_ =	task.clear_ibuf [dreg:s6], $0x2FFFF;
	_ =	strace $0x9FFFFFFF  }
0xc1: {  	(tm) =	ssettm $0x7FFFFFFF  }
tec
execute0_lowered:
.L_overlay_start_1:
0x0: {  	(tag) =	ssettag $0x1  }
0x1: {  	s4 =	rddreg [dreg:$0x0];
	s1 =	srdreg.scid  }
0x2: {  	s0 =	rddreg [dreg:$0x1];
	s2 =	simm.s32 $0x0;
	s14 =	simm.s32 $0x4800  }
0x3: {  	s15 =	simm.s32 $0x7000;
	s16 =	simm.s32 $0x9800;
	s5 =	sand.u32 $0x1, s1  }
0x4: {  	s17 =	simm.s32 $0x1000;
	s1 =	stileid.u32;
	s3 =	sshll.u32 s5, $0x4  }
0x5: {  	s18 =	simm.s32 $0x1;
	s19 =	simm.s32 $0x2;
	s6 =	sor.u32 s1, s3  }
0x6: {  	s20 =	simm.s32 $0x0;
	[smem:$0x7FF] =	sst s2;
	s7 =	smul.u32 $0x50, s6  }
0x7: {  	s8 =	sadd.s32 $0xBC00, s4;
	s10 =	sadd.s32 $0x1FC00, s4;
	s6 =	smul.u32 $0x5000, s6  }
0x8: {  	_ =	strace $0x8000004A;
	s5 =	ssub.s32 $0x2, s5;
	s3 =	sadd.s32 $0x1E00, s4  }
0x9: {  	s31 =	sshrl.u32 s5, $0x1;
	s4 =	sshrl.u32 s7, $0x5;
	s9 =	sshrl.u32 s6, $0x3  }
0xa: {  	s12 =	ssub.s32 s5, s31;
	s11 =	smul.u32 $0x1F4, s4;
	s13 =	sadd.s32 $0x500, s9  }
0xb: {  	s5 =	sadd.s32 s8, s9;
	s9 =	sadd.s32 s10, s9;
	s6 =	sadd.s32 s8, s13  }
0xc: {  	s8 =	sadd.s32 $0x1, s4;
	s10 =	sadd.s32 s10, s13;
	s13 =	simm.s32 $0x3  }
0xd: {  	s7 =	sadd.s32 s3, s11;
	s11 =	smax.u32 s12, $0x1;
	s12 =	simm.s32 $0x2000  }
.LBB2_1:
0xe: {  	[tilespmem:s12], [sflag:$0x3] =	stream.linear.gather [hbm4b:s5+s2], $0x2800, $0x38;
	[tilespmem:$0xC000] =	vst v63  }
0xf: {  	_ =	swait.ge [sflag:s13], $0x2800  }
0x10: {  	[sflag:s13] =	ssyncset.done $0x0  }
0x11: {  	[sflag:s13] =	ssyncadd.s32 $0xFFFFD800  }
0x12: {  	[tilespmem:s14], [sflag:$0x3] =	stream.linear.gather [hbm4b:s6+s2], $0x2800, $0x38;
	[tilespmem:$0xC000] =	vst v63  }
0x13: {  	_ =	swait.ge [sflag:s13], $0x2800  }
0x14: {  	[sflag:s13] =	ssyncset.done $0x0  }
0x15: {  	[sflag:s13] =	ssyncadd.s32 $0xFFFFD800  }
0x16: {  	[tilespmem:s15], [sflag:$0x3] =	stream.linear.gather [hbm4b:s5+s2], $0x2800, $0x38;
	[tilespmem:$0xC000] =	vst v63  }
0x17: {  	_ =	swait.ge [sflag:s13], $0x2800  }
0x18: {  	[sflag:s13] =	ssyncset.done $0x0  }
0x19: {  	[sflag:s13] =	ssyncadd.s32 $0xFFFFD800  }
0x1a: {  	[tilespmem:s16], [sflag:$0x3] =	stream.linear.gather [hbm4b:s6+s2], $0x2800, $0x38;
	[tilespmem:$0xC000] =	vst v63  }
0x1b: {  	_ =	swait.ge [sflag:s13], $0x2800  }
0x1c: {  	[sflag:s13] =	ssyncset.done $0x0  }
0x1d: {  	s21 =	simm.s32 $0x0;
	[sflag:s13] =	ssyncadd.s32 $0xFFFFD800  }
0x1e: {  	[tilespmem:s2], [sflag:$0x1] =	stream.linear.gather [hbm4b:s7+s2], $0xFA0, $0x38;
	[tilespmem:$0xC000] =	vst v63  }
.LBB2_2:
0x1f: {  	s22 =	sshll.u32 s21, $0x1  }
0x20: {  	s23 =	sadd.s32 s22, s8  }
0x21: {  	s24 =	smulhi.u32 $0x66666667, s23;
	_ =	sdelay $0x1  }
0x22: {  	s24 =	sshrl.u32 s24, $0x5  }
0x23: {  	s24 =	smul.u32 $0x50, s24;
	_ =	sdelay $0x1  }
0x24: {  	s23 =	ssub.s32 s23, s24  }
0x25: {  	s23 =	smul.u32 $0x1F4, s23;
	_ =	sdelay $0x1  }
0x26: {  	s23 =	sadd.s32 s3, s23  }
0x27: {  	[tilespmem:s17], [sflag:$0x2] =	stream.linear.gather [hbm4b:s23+s2], $0xFA0, $0x38;
	[tilespmem:$0xC000] =	vst v63  }
0x28: {  	_ =	swait.ge [sflag:s18], $0xFA0  }
0x29: {  	s30 =	simm.s32 $0x0;
	[sflag:s18] =	ssyncset.done $0x0  }
0x2a: {  	s31 =	sand.u32 $0xFF0, s30;
	[sflag:s18] =	ssyncadd.s32 $0xFFFFF060  }
0x2b: {  	v0 =	vld [tilespmem:s31+$0x180];
	_ =	sdelay $0x4  }
0x2c: {  	v1 =	vand.u32 $0xFFFF, v0  }
0x2d: {  	s23 =	simm.s32 $0xC0  }
0x2e: {  	v2 =	vld [tilespmem:s23+$0xB0]  }
0x2f: {  	v5 =	vld [tilespmem:s23+$0xFFFFFF40]  }
0x30: {  	v52 =	vld [tilespmem:s31+$0x80]  }
0x31: {  	v4 =	vshrl.u32 v0, $0x10;
	v3 =	vld.idx.msk [tilespmem:v1+s12+$0x0], $0xffff  }
0x32: {  	v1 =	vld.idx.msk [tilespmem:v1+s14+$0x0], $0xffff  }
0x33: {  	v53 =	vld [tilespmem:s23+$0xFFFFFF50];
	v6 =	vand.u32 $0xFFFF, v2  }
0x34: {  	v7 =	vld [tilespmem:s23+$0xFFFFFF60]  }
0x35: {  	v8 =	vld [tilespmem:s23+$0xFFFFFF70]  }
0x36: {  	[tilespmem:v4+s15+$0x0] =	vst.idx.add.f32.msk $0xffff, v3  }
0x37: {  	v3 =	vand.u32 $0xFFFF, v5;
	[tilespmem:v4+s16+$0x0] =	vst.idx.add.f32.msk $0xffff, v1  }
0x38: {  	v2 =	vshrl.u32 v2, $0x10;
	v4 =	vld.idx.msk [tilespmem:v6+s12+$0x0], $0xffff  }
0x39: {  	v55 =	vld [tilespmem:s23+$0xFFFFFF90]  }
0x3a: {  	v56 =	vld [tilespmem:s23+$0xFFFFFFA0]  }
0x3b: {  	v6 =	vld.idx.msk [tilespmem:v6+s14+$0x0], $0xffff  }
0x3c: {  	v5 =	vshrl.u32 v5, $0x10;
	v9 =	vld.idx.msk [tilespmem:v3+s12+$0x0], $0xffff  }
0x3d: {  	[tilespmem:v2+s15+$0x0] =	vst.idx.add.f32.msk $0xffff, v4;
	v4 =	vand.u32 $0xFFFF, v53  }
0x3e: {  	v57 =	vld [tilespmem:s23+$0xFFFFFFF0]  }
0x3f: {  	v54 =	vld.idx.msk [tilespmem:v3+s14+$0x0], $0xffff  }
0x40: {  	[tilespmem:v2+s16+$0x0] =	vst.idx.add.f32.msk $0xffff, v6  }
0x41: {  	v6 =	vand.u32 $0xFFFF, v7;
	[tilespmem:v5+s15+$0x0] =	vst.idx.add.f32.msk $0xffff, v9  }
0x42: {  	v1 =	vshrl.u32 v53, $0x10;
	v9 =	vld.idx.msk [tilespmem:v4+s12+$0x0], $0xffff  }
0x43: {  	v3 =	vld [tilespmem:s23+$0xFFFFFF80]  }
0x44: {  	v4 =	vld.idx.msk [tilespmem:v4+s14+$0x0], $0xffff  }
0x45: {  	[tilespmem:v5+s16+$0x0] =	vst.idx.add.f32.msk $0xffff, v54  }
0x46: {  	v5 =	vshrl.u32 v7, $0x10;
	v7 =	vld.idx.msk [tilespmem:v6+s12+$0x0], $0xffff  }
0x47: {  	[tilespmem:v1+s15+$0x0] =	vst.idx.add.f32.msk $0xffff, v9;
	v9 =	vand.u32 $0xFFFF, v8  }
0x48: {  	v58 =	vld [tilespmem:s23+$0x0]  }
0x49: {  	v6 =	vld.idx.msk [tilespmem:v6+s14+$0x0], $0xffff  }
0x4a: {  	[tilespmem:v1+s16+$0x0] =	vst.idx.add.f32.msk $0xffff, v4  }
0x4b: {  	v4 =	vand.u32 $0xFFFF, v3;
	[tilespmem:v5+s15+$0x0] =	vst.idx.add.f32.msk $0xffff, v7  }
0x4c: {  	v7 =	vshrl.u32 v8, $0x10;
	v8 =	vld.idx.msk [tilespmem:v9+s12+$0x0], $0xffff  }
0x4d: {  	v59 =	vld [tilespmem:s23+$0x50]  }
0x4e: {  	[tilespmem:v5+s16+$0x0] =	vst.idx.add.f32.msk $0xffff, v6  }
0x4f: {  	v9 =	vld.idx.msk [tilespmem:v9+s14+$0x0], $0xffff  }
0x50: {  	v3 =	vshrl.u32 v3, $0x10;
	v6 =	vld.idx.msk [tilespmem:v4+s12+$0x0], $0xffff  }
0x51: {  	[tilespmem:v7+s15+$0x0] =	vst.idx.add.f32.msk $0xffff, v8;
	v8 =	vand.u32 $0xFFFF, v55  }
0x52: {  	v5 =	vld [tilespmem:s23+$0xFFFFFFB0]  }
0x53: {  	v4 =	vld.idx.msk [tilespmem:v4+s14+$0x0], $0xffff  }
0x54: {  	[tilespmem:v7+s16+$0x0] =	vst.idx.add.f32.msk $0xffff, v9  }
0x55: {  	v9 =	vand.u32 $0xFFFF, v56;
	[tilespmem:v3+s15+$0x0] =	vst.idx.add.f32.msk $0xffff, v6  }
0x56: {  	v2 =	vshrl.u32 v55, $0x10;
	v6 =	vld.idx.msk [tilespmem:v8+s12+$0x0], $0xffff  }
0x57: {  	v7 =	vld [tilespmem:s23+$0xFFFFFFD0]  }
0x58: {  	[tilespmem:v3+s16+$0x0] =	vst.idx.add.f32.msk $0xffff, v4  }
0x59: {  	v8 =	vld.idx.msk [tilespmem:v8+s14+$0x0], $0xffff  }
0x5a: {  	v1 =	vshrl.u32 v56, $0x10;
	v4 =	vld.idx.msk [tilespmem:v9+s12+$0x0], $0xffff  }
0x5b: {  	[tilespmem:v2+s15+$0x0] =	vst.idx.add.f32.msk $0xffff, v6;
	v6 =	vand.u32 $0xFFFF, v5  }
0x5c: {  	v3 =	vld [tilespmem:s23+$0xFFFFFFE0]  }
0x5d: {  	v9 =	vld.idx.msk [tilespmem:v9+s14+$0x0], $0xffff  }
0x5e: {  	[tilespmem:v2+s16+$0x0] =	vst.idx.add.f32.msk $0xffff, v8  }
0x5f: {  	v8 =	vand.u32 $0xFFFF, v7;
	[tilespmem:v1+s15+$0x0] =	vst.idx.add.f32.msk $0xffff, v4  }
0x60: {  	v4 =	vshrl.u32 v5, $0x10;
	v5 =	vld.idx.msk [tilespmem:v6+s12+$0x0], $0xffff  }
0x61: {  	v60 =	vld [tilespmem:s23+$0x60]  }
0x62: {  	[tilespmem:v1+s16+$0x0] =	vst.idx.add.f32.msk $0xffff, v9  }
0x63: {  	v6 =	vld.idx.msk [tilespmem:v6+s14+$0x0], $0xffff  }
0x64: {  	v7 =	vshrl.u32 v7, $0x10;
	v9 =	vld.idx.msk [tilespmem:v8+s12+$0x0], $0xffff  }
0x65: {  	[tilespmem:v4+s15+$0x0] =	vst.idx.add.f32.msk $0xffff, v5;
	v5 =	vand.u32 $0xFFFF, v3  }
0x66: {  	v61 =	vld [tilespmem:s23+$0xA0]  }
0x67: {  	v8 =	vld.idx.msk [tilespmem:v8+s14+$0x0], $0xffff  }
0x68: {  	[tilespmem:v4+s16+$0x0] =	vst.idx.add.f32.msk $0xffff, v6  }
0x69: {  	v6 =	vand.u32 $0xFFFF, v57;
	[tilespmem:v7+s15+$0x0] =	vst.idx.add.f32.msk $0xffff, v9  }
0x6a: {  	v3 =	vshrl.u32 v3, $0x10;
	v9 =	vld.idx.msk [tilespmem:v5+s12+$0x0], $0xffff  }
0x6b: {  	v4 =	vld [tilespmem:s23+$0x10]  }
0x6c: {  	[tilespmem:v7+s16+$0x0] =	vst.idx.add.f32.msk $0xffff, v8  }
0x6d: {  	v5 =	vld.idx.msk [tilespmem:v5+s14+$0x0], $0xffff  }
0x6e: {  	v2 =	vshrl.u32 v57, $0x10;
	v8 =	vld.idx.msk [tilespmem:v6+s12+$0x0], $0xffff  }
0x6f: {  	[tilespmem:v3+s15+$0x0] =	vst.idx.add.f32.msk $0xffff, v9;
	v9 =	vand.u32 $0xFFFF, v58  }
0x70: {  	v7 =	vld [tilespmem:s23+$0x20]  }
0x71: {  	v6 =	vld.idx.msk [tilespmem:v6+s14+$0x0], $0xffff  }
0x72: {  	[tilespmem:v3+s16+$0x0] =	vst.idx.add.f32.msk $0xffff, v5  }
0x73: {  	v5 =	vand.u32 $0xFFFF, v4;
	[tilespmem:v2+s15+$0x0] =	vst.idx.add.f32.msk $0xffff, v8  }
0x74: {  	v1 =	vshrl.u32 v58, $0x10;
	v8 =	vld.idx.msk [tilespmem:v9+s12+$0x0], $0xffff  }
0x75: {  	v3 =	vld [tilespmem:s23+$0x30]  }
0x76: {  	[tilespmem:v2+s16+$0x0] =	vst.idx.add.f32.msk $0xffff, v6  }
0x77: {  	v9 =	vld.idx.msk [tilespmem:v9+s14+$0x0], $0xffff  }
0x78: {  	s24 =	simm.s32 $0x190;
	v4 =	vshrl.u32 v4, $0x10;
	v6 =	vld.idx.msk [tilespmem:v5+s12+$0x0], $0xffff  }
0x79: {  	s25 =	sand.u32 $0xFF0, s24;
	[tilespmem:v1+s15+$0x0] =	vst.idx.add.f32.msk $0xffff, v8;
	v8 =	vand.u32 $0xFFFF, v7  }
0x7a: {  	v14 =	vld [tilespmem:s25+$0x180]  }
0x7b: {  	v5 =	vld.idx.msk [tilespmem:v5+s14+$0x0], $0xffff  }
0x7c: {  	[tilespmem:v1+s16+$0x0] =	vst.idx.add.f32.msk $0xffff, v9  }
0x7d: {  	v9 =	vand.u32 $0xFFFF, v3;
	[tilespmem:v4+s15+$0x0] =	vst.idx.add.f32.msk $0xffff, v6  }
0x7e: {  	v6 =	vshrl.u32 v7, $0x10;
	v7 =	vld.idx.msk [tilespmem:v8+s12+$0x0], $0xffff  }
0x7f: {  	v12 =	vld [tilespmem:s25+$0x100]  }
0x80: {  	[tilespmem:v4+s16+$0x0] =	vst.idx.add.f32.msk $0xffff, v5  }
0x81: {  	v8 =	vld.idx.msk [tilespmem:v8+s14+$0x0], $0xffff  }
0x82: {  	v3 =	vshrl.u32 v3, $0x10;
	v5 =	vld.idx.msk [tilespmem:v9+s12+$0x0], $0xffff  }
0x83: {  	[tilespmem:v6+s15+$0x0] =	vst.idx.add.f32.msk $0xffff, v7;
	v7 =	vand.u32 $0xFFFF, v59  }
0x84: {  	v4 =	vld [tilespmem:s23+$0x70]  }
0x85: {  	v9 =	vld.idx.msk [tilespmem:v9+s14+$0x0], $0xffff  }
0x86: {  	[tilespmem:v6+s16+$0x0] =	vst.idx.add.f32.msk $0xffff, v8  }
0x87: {  	v8 =	vand.u32 $0xFFFF, v60;
	[tilespmem:v3+s15+$0x0] =	vst.idx.add.f32.msk $0xffff, v5  }
0x88: {  	v2 =	vshrl.u32 v59, $0x10;
	v5 =	vld.idx.msk [tilespmem:v7+s12+$0x0], $0xffff  }
0x89: {  	v6 =	vld [tilespmem:s23+$0x80]  }
0x8a: {  	[tilespmem:v3+s16+$0x0] =	vst.idx.add.f32.msk $0xffff, v9  }
0x8b: {  	v7 =	vld.idx.msk [tilespmem:v7+s14+$0x0], $0xffff  }
0x8c: {  	v1 =	vshrl.u32 v60, $0x10;
	v9 =	vld.idx.msk [tilespmem:v8+s12+$0x0], $0xffff  }
0x8d: {  	[tilespmem:v2+s15+$0x0] =	vst.idx.add.f32.msk $0xffff, v5;
	v5 =	vand.u32 $0xFFFF, v4  }
0x8e: {  	v3 =	vld [tilespmem:s23+$0x90]  }
0x8f: {  	v8 =	vld.idx.msk [tilespmem:v8+s14+$0x0], $0xffff  }
0x90: {  	[tilespmem:v2+s16+$0x0] =	vst.idx.add.f32.msk $0xffff, v7;
	v7 =	vand.u32 $0xFFFF, v6  }
0x91: {  	[tilespmem:v1+s15+$0x0] =	vst.idx.add.f32.msk $0xffff, v9  }
0x92: {  	v4 =	vshrl.u32 v4, $0x10;
	v9 =	vld.idx.msk [tilespmem:v5+s12+$0x0], $0xffff  }
0x93: {  	v5 =	vld.idx.msk [tilespmem:v5+s14+$0x0], $0xffff  }
0x94: {  	[tilespmem:v1+s16+$0x0] =	vst.idx.add.f32.msk $0xffff, v8  }
0x95: {  	v62 =	vshrl.u32 v6, $0x10;
	v6 =	vld.idx.msk [tilespmem:v7+s12+$0x0], $0xffff  }
0x96: {  	v8 =	vand.u32 $0xFFFF, v3;
	v7 =	vld.idx.msk [tilespmem:v7+s14+$0x0], $0xffff  }
0x97: {  	[tilespmem:v4+s15+$0x0] =	vst.idx.add.f32.msk $0xffff, v9  }
0x98: {  	[tilespmem:v4+s16+$0x0] =	vst.idx.add.f32.msk $0xffff, v5  }
0x99: {  	v9 =	vand.u32 $0xFFFF, v52;
	v4 =	vld [tilespmem:s31+$0x100]  }
0x9a: {  	[tilespmem:v62+s15+$0x0] =	vst.idx.add.f32.msk $0xffff, v6  }
0x9b: {  	v5 =	vand.u32 $0xFFFF, v61;
	v6 =	vld.idx.msk [tilespmem:v8+s12+$0x0], $0xffff  }
0x9c: {  	[tilespmem:v62+s16+$0x0] =	vst.idx.add.f32.msk $0xffff, v7  }
0x9d: {  	v3 =	vshrl.u32 v3, $0x10;
	v7 =	vld.idx.msk [tilespmem:v8+s14+$0x0], $0xffff  }
0x9e: {  	v63 =	vld.idx.msk [tilespmem:v9+s12+$0x0], $0xffff  }
0x9f: {  	v0 =	vshrl.u32 v52, $0x10;
	v10 =	vld.idx.msk [tilespmem:v9+s14+$0x0], $0xffff  }
0xa0: {  	v2 =	vshrl.u32 v61, $0x10;
	v8 =	vld.idx.msk [tilespmem:v5+s12+$0x0], $0xffff  }
0xa1: {  	v5 =	vld.idx.msk [tilespmem:v5+s14+$0x0], $0xffff  }
0xa2: {  	[tilespmem:v3+s15+$0x0] =	vst.idx.add.f32.msk $0xffff, v6  }
0xa3: {  	[tilespmem:v3+s16+$0x0] =	vst.idx.add.f32.msk $0xffff, v7;
	v3 =	vand.u32 $0xFFFF, v4  }
0xa4: {  	v9 =	vand.u32 $0xFFFF, v14;
	[tilespmem:v0+s15+$0x0] =	vst.idx.add.f32.msk $0xffff, v63  }
0xa5: {  	[tilespmem:v2+s15+$0x0] =	vst.idx.add.f32.msk $0xffff, v8  }
0xa6: {  	[tilespmem:v2+s16+$0x0] =	vst.idx.add.f32.msk $0xffff, v5  }
0xa7: {  	v5 =	vld [tilespmem:s25+$0x80]  }
0xa8: {  	v15 =	vshrl.u32 v4, $0x10;
	v13 =	vld.idx.msk [tilespmem:v3+s12+$0x0], $0xffff  }
0xa9: {  	v11 =	vld.idx.msk [tilespmem:v9+s12+$0x0], $0xffff  }
0xaa: {  	[tilespmem:v0+s16+$0x0] =	vst.idx.add.f32.msk $0xffff, v10  }
0xab: {  	v10 =	vld.idx.msk [tilespmem:v9+s14+$0x0], $0xffff  }
0xac: {  	v16 =	vshrl.u32 v12, $0x10;
	v18 =	vld.idx.msk [tilespmem:v3+s14+$0x0], $0xffff;
	v9 =	vand.u32 $0xFFFF, v5  }
0xad: {  	v19 =	vand.u32 $0xFFFF, v12;
	v12 =	vshrl.u32 v14, $0x10;
	v17 =	vshrl.u32 v5, $0x10;
	[tilespmem:v15+s15+$0x0] =	vst.idx.add.f32.msk $0xffff, v13;
	v5 =	vmovc v16  }
.LBB2_3:
0xae: {  	_ =	sdelay $0x2  }
0xaf: {  	v0 =	vld.idx.msk [tilespmem:v9+s12+$0x0], $0xffff  }
0xb0: {  	v51 =	vld.idx.msk [tilespmem:v9+s14+$0x0], $0xffff;
	s23 =	sadd.s32 $0x190, s23  }
0xb1: {  	[tilespmem:$0x1FFC0] =	vst v15;
	v15 =	vld [tilespmem:s23+$0xB0]  }
0xb2: {  	v13 =	vld [tilespmem:s23+$0xFFFFFF70]  }
0xb3: {  	v14 =	vld [tilespmem:s23+$0xFFFFFF80]  }
0xb4: {  	[tilespmem:$0x1FFA0] =	vst v17;
	v17 =	vld [tilespmem:s23+$0xFFFFFF90]  }
0xb5: {  	[tilespmem:$0x1FFD0] =	vst v18;
	v18 =	vld [tilespmem:s23+$0xFFFFFFA0]  }
0xb6: {  	[tilespmem:$0x1FFF0] =	vst v5;
	v5 =	vmov v19;
	v19 =	vld [tilespmem:s23+$0xFFFFFFB0]  }
0xb7: {  	v20 =	vld [tilespmem:s23+$0xFFFFFFD0]  }
0xb8: {  	v24 =	vld [tilespmem:s23+$0xFFFFFFE0]  }
0xb9: {  	v25 =	vld [tilespmem:s23+$0xFFFFFFF0]  }
0xba: {  	v27 =	vld [tilespmem:s23+$0x0]  }
0xbb: {  	v29 =	vld [tilespmem:s23+$0x10]  }
0xbc: {  	v53 =	vld [tilespmem:s23+$0x20]  }
0xbd: {  	v54 =	vld [tilespmem:s23+$0x30]  }
0xbe: {  	v55 =	vld [tilespmem:s23+$0x50]  }
0xbf: {  	v56 =	vld [tilespmem:s23+$0x60]  }
0xc0: {  	v57 =	vld [tilespmem:s23+$0x70]  }
0xc1: {  	v42 =	vld [tilespmem:s23+$0x80]  }
0xc2: {  	s24 =	sadd.s32 $0x190, s24;
	v44 =	vld [tilespmem:s23+$0x90]  }
0xc3: {  	s25 =	sand.u32 $0xFF0, s24;
	v46 =	vld [tilespmem:s23+$0xA0]  }
0xc4: {  	[tilespmem:$0x1FFE0] =	vst v16;
	v52 =	vld [tilespmem:s25+$0x180]  }
0xc5: {  	[tilespmem:v12+s15+$0x0] =	vst.idx.add.f32.msk $0xffff, v11;
	v16 =	vand.u32 $0xFFFF, v15  }
0xc6: {  	v11 =	vld [tilespmem:s23+$0xFFFFFF50]  }
0xc7: {  	[tilespmem:v12+s16+$0x0] =	vst.idx.add.f32.msk $0xffff, v10;
	v32 =	vand.u32 $0xFFFF, v14  }
0xc8: {  	v10 =	vld [tilespmem:s23+$0xFFFFFF40]  }
0xc9: {  	v12 =	vld [tilespmem:s23+$0xFFFFFF60];
	v33 =	vand.u32 $0xFFFF, v17  }
0xca: {  	v22 =	vshrl.u32 v15, $0x10;
	v15 =	vshrl.u32 v18, $0x10;
	v21 =	vld.idx.msk [tilespmem:v16+s12+$0x0], $0xffff  }
0xcb: {  	v34 =	vand.u32 $0xFFFF, v18;
	v35 =	vand.u32 $0xFFFF, v19;
	v18 =	vshrl.u32 v24, $0x10;
	v23 =	vld.idx.msk [tilespmem:v16+s14+$0x0], $0xffff  }
0xcc: {  	v37 =	vand.u32 $0xFFFF, v24;
	v24 =	vshrl.u32 v55, $0x10;
	v45 =	vand.u32 $0xFFFF, v55;
	v55 =	vld.idx.msk [tilespmem:v32+s12+$0x0], $0xffff  }
0xcd: {  	v36 =	vand.u32 $0xFFFF, v20;
	v38 =	vand.u32 $0xFFFF, v25;
	v48 =	vand.u32 $0xFFFF, v56;
	v32 =	vld.idx.msk [tilespmem:v32+s14+$0x0], $0xffff  }
0xce: {  	v16 =	vshrl.u32 v19, $0x10;
	v19 =	vshrl.u32 v25, $0x10;
	v25 =	vshrl.u32 v56, $0x10;
	v56 =	vld.idx.msk [tilespmem:v33+s12+$0x0], $0xffff  }
0xcf: {  	v33 =	vld.idx.msk [tilespmem:v33+s14+$0x0], $0xffff  }
0xd0: {  	v58 =	vld.idx.msk [tilespmem:v35+s12+$0x0], $0xffff  }
0xd1: {  	v35 =	vld.idx.msk [tilespmem:v35+s14+$0x0], $0xffff  }
0xd2: {  	v59 =	vld.idx.msk [tilespmem:v36+s12+$0x0], $0xffff  }
0xd3: {  	v39 =	vand.u32 $0xFFFF, v27;
	v36 =	vld.idx.msk [tilespmem:v36+s14+$0x0], $0xffff  }
0xd4: {  	v60 =	vld.idx.msk [tilespmem:v37+s12+$0x0], $0xffff  }
0xd5: {  	v40 =	vand.u32 $0xFFFF, v29;
	v37 =	vld.idx.msk [tilespmem:v37+s14+$0x0], $0xffff  }
0xd6: {  	v61 =	vld.idx.msk [tilespmem:v38+s12+$0x0], $0xffff  }
0xd7: {  	v41 =	vand.u32 $0xFFFF, v53;
	v38 =	vld.idx.msk [tilespmem:v38+s14+$0x0], $0xffff  }
0xd8: {  	v62 =	vld.idx.msk [tilespmem:v39+s12+$0x0], $0xffff  }
0xd9: {  	v43 =	vand.u32 $0xFFFF, v54;
	v39 =	vld.idx.msk [tilespmem:v39+s14+$0x0], $0xffff  }
0xda: {  	v63 =	vld.idx.msk [tilespmem:v40+s12+$0x0], $0xffff  }
0xdb: {  	v40 =	vld.idx.msk [tilespmem:v40+s14+$0x0], $0xffff  }
0xdc: {  	[tilespmem:$0x1FF90] =	vst v0;
	v0 =	vld.idx.msk [tilespmem:v41+s12+$0x0], $0xffff  }
0xdd: {  	v41 =	vld.idx.msk [tilespmem:v41+s14+$0x0], $0xffff  }
0xde: {  	v7 =	vld.idx.msk [tilespmem:v43+s12+$0x0], $0xffff  }
0xdf: {  	v50 =	vand.u32 $0xFFFF, v57;
	v43 =	vld.idx.msk [tilespmem:v43+s14+$0x0], $0xffff  }
0xe0: {  	v8 =	vld.idx.msk [tilespmem:v45+s12+$0x0], $0xffff  }
0xe1: {  	v28 =	vand.u32 $0xFFFF, v11;
	v45 =	vld.idx.msk [tilespmem:v45+s14+$0x0], $0xffff  }
0xe2: {  	v3 =	vld.idx.msk [tilespmem:v48+s12+$0x0], $0xffff  }
0xe3: {  	v26 =	vand.u32 $0xFFFF, v10;
	v48 =	vld.idx.msk [tilespmem:v48+s14+$0x0], $0xffff  }
0xe4: {  	v31 =	vand.u32 $0xFFFF, v13;
	v9 =	vshrl.u32 v10, $0x10;
	v10 =	vshrl.u32 v11, $0x10;
	v4 =	vld.idx.msk [tilespmem:v50+s12+$0x0], $0xffff  }
0xe5: {  	v11 =	vshrl.u32 v12, $0x10;
	v30 =	vand.u32 $0xFFFF, v12;
	v12 =	vshrl.u32 v13, $0x10;
	v50 =	vld.idx.msk [tilespmem:v50+s14+$0x0], $0xffff  }
0xe6: {  	[tilespmem:$0x1FFB0] =	vst v51;
	v13 =	vshrl.u32 v14, $0x10;
	v14 =	vshrl.u32 v17, $0x10;
	v17 =	vshrl.u32 v20, $0x10;
	v51 =	vld.idx.msk [tilespmem:v28+s12+$0x0], $0xffff  }
0xe7: {  	[tilespmem:$0x1FF80] =	vst v52;
	v20 =	vshrl.u32 v27, $0x10;
	v27 =	vshrl.u32 v42, $0x10;
	v42 =	vand.u32 $0xFFFF, v42;
	v52 =	vld.idx.msk [tilespmem:v28+s14+$0x0], $0xffff  }
0xe8: {  	v47 =	vld.idx.msk [tilespmem:v26+s12+$0x0], $0xffff  }
0xe9: {  	v49 =	vld.idx.msk [tilespmem:v26+s14+$0x0], $0xffff  }
0xea: {  	v26 =	vshrl.u32 v57, $0x10;
	v57 =	vld.idx.msk [tilespmem:v34+s12+$0x0], $0xffff  }
0xeb: {  	v34 =	vld.idx.msk [tilespmem:v34+s14+$0x0], $0xffff  }
0xec: {  	v2 =	vld.idx.msk [tilespmem:v42+s12+$0x0], $0xffff  }
0xed: {  	v42 =	vld.idx.msk [tilespmem:v42+s14+$0x0], $0xffff  }
0xee: {  	[tilespmem:v22+s15+$0x0] =	vst.idx.add.f32.msk $0xffff, v21  }
0xef: {  	[tilespmem:v13+s15+$0x0] =	vst.idx.add.f32.msk $0xffff, v55  }
0xf0: {  	[tilespmem:v14+s15+$0x0] =	vst.idx.add.f32.msk $0xffff, v56  }
0xf1: {  	[tilespmem:v16+s15+$0x0] =	vst.idx.add.f32.msk $0xffff, v58  }
0xf2: {  	[tilespmem:v17+s15+$0x0] =	vst.idx.add.f32.msk $0xffff, v59  }
0xf3: {  	[tilespmem:v18+s15+$0x0] =	vst.idx.add.f32.msk $0xffff, v60  }
0xf4: {  	[tilespmem:v19+s15+$0x0] =	vst.idx.add.f32.msk $0xffff, v61  }
0xf5: {  	[tilespmem:v20+s15+$0x0] =	vst.idx.add.f32.msk $0xffff, v62  }
0xf6: {  	[tilespmem:v24+s15+$0x0] =	vst.idx.add.f32.msk $0xffff, v8  }
0xf7: {  	[tilespmem:v25+s15+$0x0] =	vst.idx.add.f32.msk $0xffff, v3  }
0xf8: {  	v58 =	vld [tilespmem:s25+$0x80]  }
0xf9: {  	v59 =	vld [tilespmem:s25+$0x100]  }
0xfa: {  	v3 =	vld.idx.msk [tilespmem:v5+s12+$0x0], $0xffff  }
0xfb: {  	v61 =	vld [tilespmem:$0x1FFC0]  }
0xfc: {  	v62 =	vld [tilespmem:$0x1FFE0]  }
0xfd: {  	[tilespmem:v22+s16+$0x0] =	vst.idx.add.f32.msk $0xffff, v23  }
0xfe: {  	v22 =	vshrl.u32 v53, $0x10;
	v53 =	vld.idx.msk [tilespmem:v30+s12+$0x0], $0xffff  }
0xff: {  	v30 =	vld.idx.msk [tilespmem:v30+s14+$0x0], $0xffff  }
0x100: {  	v23 =	vshrl.u32 v54, $0x10;
	v54 =	vld.idx.msk [tilespmem:v31+s12+$0x0], $0xffff  }
0x101: {  	v31 =	vld.idx.msk [tilespmem:v31+s14+$0x0], $0xffff  }
0x102: {  	[tilespmem:v13+s16+$0x0] =	vst.idx.add.f32.msk $0xffff, v32  }
0x103: {  	[tilespmem:v14+s16+$0x0] =	vst.idx.add.f32.msk $0xffff, v33  }
0x104: {  	[tilespmem:v16+s16+$0x0] =	vst.idx.add.f32.msk $0xffff, v35  }
0x105: {  	[tilespmem:v17+s16+$0x0] =	vst.idx.add.f32.msk $0xffff, v36  }
0x106: {  	v28 =	vshrl.u32 v44, $0x10;
	v44 =	vand.u32 $0xFFFF, v44;
	[tilespmem:v18+s16+$0x0] =	vst.idx.add.f32.msk $0xffff, v37  }
0x107: {  	[tilespmem:v19+s16+$0x0] =	vst.idx.add.f32.msk $0xffff, v38  }
0x108: {  	[tilespmem:v20+s16+$0x0] =	vst.idx.add.f32.msk $0xffff, v39  }
0x109: {  	[tilespmem:v24+s16+$0x0] =	vst.idx.add.f32.msk $0xffff, v45  }
0x10a: {  	[tilespmem:v25+s16+$0x0] =	vst.idx.add.f32.msk $0xffff, v48  }
0x10b: {  	v6 =	vld.idx.msk [tilespmem:v44+s12+$0x0], $0xffff  }
0x10c: {  	v44 =	vld.idx.msk [tilespmem:v44+s14+$0x0], $0xffff  }
0x10d: {  	[tilespmem:v10+s15+$0x0] =	vst.idx.add.f32.msk $0xffff, v51  }
0x10e: {  	[tilespmem:v9+s15+$0x0] =	vst.idx.add.f32.msk $0xffff, v47  }
0x10f: {  	[tilespmem:v10+s16+$0x0] =	vst.idx.add.f32.msk $0xffff, v52  }
0x110: {  	v21 =	vshrl.u32 v29, $0x10;
	v29 =	vshrl.u32 v46, $0x10;
	v46 =	vand.u32 $0xFFFF, v46;
	[tilespmem:v15+s15+$0x0] =	vst.idx.add.f32.msk $0xffff, v57  }
0x111: {  	[tilespmem:v26+s15+$0x0] =	vst.idx.add.f32.msk $0xffff, v4  }
0x112: {  	[tilespmem:v27+s15+$0x0] =	vst.idx.add.f32.msk $0xffff, v2  }
0x113: {  	v4 =	vld.idx.msk [tilespmem:v5+s14+$0x0], $0xffff  }
0x114: {  	v5 =	vld [tilespmem:$0x1FF90]  }
0x115: {  	v1 =	vld.idx.msk [tilespmem:v46+s12+$0x0], $0xffff  }
0x116: {  	v46 =	vld.idx.msk [tilespmem:v46+s14+$0x0], $0xffff  }
0x117: {  	[tilespmem:v9+s16+$0x0] =	vst.idx.add.f32.msk $0xffff, v49  }
0x118: {  	[tilespmem:v15+s16+$0x0] =	vst.idx.add.f32.msk $0xffff, v34  }
0x119: {  	[tilespmem:v21+s15+$0x0] =	vst.idx.add.f32.msk $0xffff, v63  }
0x11a: {  	[tilespmem:v26+s16+$0x0] =	vst.idx.add.f32.msk $0xffff, v50  }
0x11b: {  	[tilespmem:v27+s16+$0x0] =	vst.idx.add.f32.msk $0xffff, v42  }
0x11c: {  	v63 =	vld [tilespmem:$0x1FFF0]  }
0x11d: {  	[tilespmem:v23+s15+$0x0] =	vst.idx.add.f32.msk $0xffff, v7  }
0x11e: {  	v7 =	vld [tilespmem:$0x1FFA0]  }
0x11f: {  	[tilespmem:v11+s15+$0x0] =	vst.idx.add.f32.msk $0xffff, v53  }
0x120: {  	[tilespmem:v12+s15+$0x0] =	vst.idx.add.f32.msk $0xffff, v54  }
0x121: {  	[tilespmem:v21+s16+$0x0] =	vst.idx.add.f32.msk $0xffff, v40  }
0x122: {  	[tilespmem:v22+s15+$0x0] =	vst.idx.add.f32.msk $0xffff, v0  }
0x123: {  	[tilespmem:v11+s16+$0x0] =	vst.idx.add.f32.msk $0xffff, v30  }
0x124: {  	[tilespmem:v28+s15+$0x0] =	vst.idx.add.f32.msk $0xffff, v6  }
0x125: {  	v6 =	vld [tilespmem:$0x1FF80]  }
0x126: {  	[tilespmem:v7+s15+$0x0] =	vst.idx.add.f32.msk $0xffff, v5  }
0x127: {  	v5 =	vld [tilespmem:$0x1FFB0]  }
0x128: {  	[tilespmem:v12+s16+$0x0] =	vst.idx.add.f32.msk $0xffff, v31  }
0x129: {  	[tilespmem:v22+s16+$0x0] =	vst.idx.add.f32.msk $0xffff, v41  }
0x12a: {  	[tilespmem:v23+s16+$0x0] =	vst.idx.add.f32.msk $0xffff, v43  }
0x12b: {  	[tilespmem:v28+s16+$0x0] =	vst.idx.add.f32.msk $0xffff, v44;
	v60 =	vand.u32 $0xFFFF, v6  }
0x12c: {  	[tilespmem:v7+s16+$0x0] =	vst.idx.add.f32.msk $0xffff, v5  }
0x12d: {  	v5 =	vld [tilespmem:$0x1FFD0]  }
0x12e: {  	p0 =	slt.u32 s24, $0xE10;
	[tilespmem:v29+s15+$0x0] =	vst.idx.add.f32.msk $0xffff, v1  }
.Ltmp0:
0x12f: {  	[tilespmem:v29+s16+$0x0] =	vst.idx.add.f32.msk $0xffff, v46;
	(pc) =	sbr.rel @p0 .LBB2_3-.Ltmp0, $4  }
0x130: {  	v11 =	vld.idx.msk [tilespmem:v60+s12+$0x0], $0xffff  }
0x131: {  	v10 =	vld.idx.msk [tilespmem:v60+s14+$0x0], $0xffff  }
0x132: {  	v9 =	vand.u32 $0xFFFF, v58;
	v17 =	vshrl.u32 v58, $0x10;
	v16 =	vshrl.u32 v59, $0x10;
	[tilespmem:v61+s16+$0x0] =	vst.idx.add.f32.msk $0xffff, v5  }
0x133: {  	v19 =	vand.u32 $0xFFFF, v59;
	v15 =	vmovc v62;
	v18 =	vmovc v4;
	v12 =	vshrl.u32 v6, $0x10;
	v5 =	vmov v16;
	[tilespmem:v63+s15+$0x0] =	vst.idx.add.f32.msk $0xffff, v3  }
0x134: {  	_ =	sdelay $0x3  }
0x135: {  	v46 =	vld.idx.msk [tilespmem:v9+s12+$0x0], $0xffff  }
0x136: {  	v47 =	vld.idx.msk [tilespmem:v19+s12+$0x0], $0xffff  }
0x137: {  	v48 =	vld.idx.msk [tilespmem:v19+s14+$0x0], $0xffff  }
0x138: {  	s23 =	sadd.s32 $0x190, s23;
	[tilespmem:v15+s16+$0x0] =	vst.idx.add.f32.msk $0xffff, v18  }
0x139: {  	v0 =	vld [tilespmem:s23+$0xB0]  }
0x13a: {  	v2 =	vld [tilespmem:s23+$0xFFFFFF40]  }
0x13b: {  	[tilespmem:v12+s15+$0x0] =	vst.idx.add.f32.msk $0xffff, v11  }
0x13c: {  	v3 =	vld [tilespmem:s23+$0xFFFFFF50]  }
0x13d: {  	v7 =	vld [tilespmem:s23+$0xFFFFFF60]  }
0x13e: {  	v8 =	vld [tilespmem:s23+$0xFFFFFF70]  }
0x13f: {  	v11 =	vld [tilespmem:s23+$0xFFFFFF80]  }
0x140: {  	v32 =	vld [tilespmem:s23+$0xFFFFFFB0]  }
0x141: {  	v39 =	vld [tilespmem:s23+$0x50];
	v1 =	vand.u32 $0xFFFF, v0  }
0x142: {  	v41 =	vld [tilespmem:s23+$0x60]  }
0x143: {  	v42 =	vld [tilespmem:s23+$0x70]  }
0x144: {  	v43 =	vld [tilespmem:s23+$0xA0];
	v6 =	vand.u32 $0xFFFF, v2  }
0x145: {  	[tilespmem:v12+s16+$0x0] =	vst.idx.add.f32.msk $0xffff, v10;
	v29 =	vand.u32 $0xFFFF, v7  }
0x146: {  	v0 =	vshrl.u32 v0, $0x10;
	v4 =	vld.idx.msk [tilespmem:v1+s12+$0x0], $0xffff  }
0x147: {  	[tilespmem:v5+s15+$0x0] =	vst.idx.add.f32.msk $0xffff, v47  }
0x148: {  	v10 =	vand.u32 $0xFFFF, v3;
	v1 =	vld.idx.msk [tilespmem:v1+s14+$0x0], $0xffff  }
0x149: {  	v28 =	vld.idx.msk [tilespmem:v6+s14+$0x0], $0xffff  }
0x14a: {  	v31 =	vld.idx.msk [tilespmem:v29+s12+$0x0], $0xffff  }
0x14b: {  	[tilespmem:v0+s15+$0x0] =	vst.idx.add.f32.msk $0xffff, v4  }
0x14c: {  	v7 =	vshrl.u32 v7, $0x10;
	v4 =	vld.idx.msk [tilespmem:v6+s12+$0x0], $0xffff  }
0x14d: {  	v30 =	vand.u32 $0xFFFF, v8;
	v6 =	vld.idx.msk [tilespmem:v10+s12+$0x0], $0xffff  }
0x14e: {  	v2 =	vshrl.u32 v2, $0x10;
	v10 =	vld.idx.msk [tilespmem:v10+s14+$0x0], $0xffff  }
0x14f: {  	[tilespmem:v0+s16+$0x0] =	vst.idx.add.f32.msk $0xffff, v1  }
0x150: {  	v3 =	vshrl.u32 v3, $0x10;
	v1 =	vld.idx.msk [tilespmem:v29+s14+$0x0], $0xffff  }
0x151: {  	[tilespmem:v7+s15+$0x0] =	vst.idx.add.f32.msk $0xffff, v31  }
0x152: {  	v0 =	vld.idx.msk [tilespmem:v30+s14+$0x0], $0xffff  }
0x153: {  	[tilespmem:v2+s15+$0x0] =	vst.idx.add.f32.msk $0xffff, v4  }
0x154: {  	v4 =	vld [tilespmem:s23+$0xFFFFFF90]  }
0x155: {  	[tilespmem:v3+s15+$0x0] =	vst.idx.add.f32.msk $0xffff, v6  }
0x156: {  	[tilespmem:v3+s16+$0x0] =	vst.idx.add.f32.msk $0xffff, v10;
	v3 =	vand.u32 $0xFFFF, v11  }
0x157: {  	v8 =	vshrl.u32 v8, $0x10;
	v10 =	vld.idx.msk [tilespmem:v30+s12+$0x0], $0xffff  }
0x158: {  	v6 =	vld [tilespmem:s23+$0xFFFFFFA0]  }
0x159: {  	[tilespmem:v2+s16+$0x0] =	vst.idx.add.f32.msk $0xffff, v28  }
0x15a: {  	[tilespmem:v7+s16+$0x0] =	vst.idx.add.f32.msk $0xffff, v1  }
0x15b: {  	v33 =	vand.u32 $0xFFFF, v4;
	v7 =	vld.idx.msk [tilespmem:v3+s12+$0x0], $0xffff  }
0x15c: {  	[tilespmem:v8+s15+$0x0] =	vst.idx.add.f32.msk $0xffff, v10  }
0x15d: {  	v34 =	vand.u32 $0xFFFF, v6;
	v10 =	vld [tilespmem:s23+$0xFFFFFFD0]  }
0x15e: {  	v11 =	vshrl.u32 v11, $0x10;
	v3 =	vld.idx.msk [tilespmem:v3+s14+$0x0], $0xffff  }
0x15f: {  	[tilespmem:v8+s16+$0x0] =	vst.idx.add.f32.msk $0xffff, v0  }
0x160: {  	v8 =	vld.idx.msk [tilespmem:v33+s12+$0x0], $0xffff  }
0x161: {  	v1 =	vld.idx.msk [tilespmem:v33+s14+$0x0], $0xffff  }
0x162: {  	v4 =	vshrl.u32 v4, $0x10;
	v0 =	vld.idx.msk [tilespmem:v34+s14+$0x0], $0xffff  }
0x163: {  	[tilespmem:v11+s15+$0x0] =	vst.idx.add.f32.msk $0xffff, v7  }
0x164: {  	v7 =	vld [tilespmem:s23+$0xFFFFFFE0]  }
0x165: {  	v35 =	vand.u32 $0xFFFF, v10;
	[tilespmem:v11+s16+$0x0] =	vst.idx.add.f32.msk $0xffff, v3  }
0x166: {  	v3 =	vand.u32 $0xFFFF, v32;
	v11 =	vld.idx.msk [tilespmem:v34+s12+$0x0], $0xffff  }
0x167: {  	v6 =	vshrl.u32 v6, $0x10;
	[tilespmem:v4+s15+$0x0] =	vst.idx.add.f32.msk $0xffff, v8  }
0x168: {  	v8 =	vld [tilespmem:s23+$0xFFFFFFF0]  }
0x169: {  	[tilespmem:v4+s16+$0x0] =	vst.idx.add.f32.msk $0xffff, v1  }
0x16a: {  	v1 =	vld.idx.msk [tilespmem:v35+s14+$0x0], $0xffff  }
0x16b: {  	v4 =	vld.idx.msk [tilespmem:v3+s12+$0x0], $0xffff  }
0x16c: {  	v36 =	vand.u32 $0xFFFF, v7;
	[tilespmem:v6+s15+$0x0] =	vst.idx.add.f32.msk $0xffff, v11  }
0x16d: {  	v2 =	vshrl.u32 v32, $0x10;
	v11 =	vld [tilespmem:s23+$0x0]  }
0x16e: {  	v3 =	vld.idx.msk [tilespmem:v3+s14+$0x0], $0xffff  }
0x16f: {  	[tilespmem:v6+s16+$0x0] =	vst.idx.add.f32.msk $0xffff, v0  }
0x170: {  	v6 =	vld.idx.msk [tilespmem:v35+s12+$0x0], $0xffff  }
0x171: {  	v10 =	vshrl.u32 v10, $0x10;
	v0 =	vld.idx.msk [tilespmem:v36+s14+$0x0], $0xffff  }
0x172: {  	[tilespmem:v2+s15+$0x0] =	vst.idx.add.f32.msk $0xffff, v4  }
0x173: {  	[tilespmem:v2+s16+$0x0] =	vst.idx.add.f32.msk $0xffff, v3  }
0x174: {  	v7 =	vshrl.u32 v7, $0x10;
	v3 =	vld.idx.msk [tilespmem:v36+s12+$0x0], $0xffff  }
0x175: {  	v37 =	vand.u32 $0xFFFF, v8;
	v4 =	vld [tilespmem:s23+$0x10]  }
0x176: {  	[tilespmem:v10+s15+$0x0] =	vst.idx.add.f32.msk $0xffff, v6  }
0x177: {  	v6 =	vld [tilespmem:s23+$0x20]  }
0x178: {  	[tilespmem:v10+s16+$0x0] =	vst.idx.add.f32.msk $0xffff, v1  }
0x179: {  	[tilespmem:v7+s15+$0x0] =	vst.idx.add.f32.msk $0xffff, v3;
	v3 =	vand.u32 $0xFFFF, v11  }
0x17a: {  	v8 =	vshrl.u32 v8, $0x10;
	v38 =	vld.idx.msk [tilespmem:v37+s12+$0x0], $0xffff  }
0x17b: {  	v2 =	vld.idx.msk [tilespmem:v37+s14+$0x0], $0xffff  }
0x17c: {  	v10 =	vld [tilespmem:s23+$0x30]  }
0x17d: {  	[tilespmem:v7+s16+$0x0] =	vst.idx.add.f32.msk $0xffff, v0;
	v7 =	vand.u32 $0xFFFF, v4  }
0x17e: {  	v40 =	vshrl.u32 v11, $0x10;
	v11 =	vld.idx.msk [tilespmem:v3+s12+$0x0], $0xffff  }
0x17f: {  	[tilespmem:v8+s15+$0x0] =	vst.idx.add.f32.msk $0xffff, v38  }
0x180: {  	[tilespmem:v8+s16+$0x0] =	vst.idx.add.f32.msk $0xffff, v2  }
0x181: {  	v3 =	vld.idx.msk [tilespmem:v3+s14+$0x0], $0xffff  }
0x182: {  	v4 =	vshrl.u32 v4, $0x10;
	v8 =	vld.idx.msk [tilespmem:v7+s12+$0x0], $0xffff  }
0x183: {  	[tilespmem:v40+s15+$0x0] =	vst.idx.add.f32.msk $0xffff, v11;
	v11 =	vand.u32 $0xFFFF, v6  }
0x184: {  	v7 =	vld.idx.msk [tilespmem:v7+s14+$0x0], $0xffff  }
0x185: {  	[tilespmem:v16+s16+$0x0] =	vst.idx.add.f32.msk $0xffff, v48  }
0x186: {  	[tilespmem:v40+s16+$0x0] =	vst.idx.add.f32.msk $0xffff, v3  }
0x187: {  	v3 =	vand.u32 $0xFFFF, v10;
	[tilespmem:v4+s15+$0x0] =	vst.idx.add.f32.msk $0xffff, v8  }
0x188: {  	v6 =	vshrl.u32 v6, $0x10;
	v8 =	vld.idx.msk [tilespmem:v11+s12+$0x0], $0xffff  }
0x189: {  	[tilespmem:v4+s16+$0x0] =	vst.idx.add.f32.msk $0xffff, v7  }
0x18a: {  	v11 =	vld.idx.msk [tilespmem:v11+s14+$0x0], $0xffff  }
0x18b: {  	v4 =	vld [tilespmem:s23+$0x80]  }
0x18c: {  	v7 =	vshrl.u32 v10, $0x10;
	v10 =	vld.idx.msk [tilespmem:v3+s12+$0x0], $0xffff  }
0x18d: {  	[tilespmem:v6+s15+$0x0] =	vst.idx.add.f32.msk $0xffff, v8;
	v8 =	vand.u32 $0xFFFF, v39  }
0x18e: {  	v3 =	vld.idx.msk [tilespmem:v3+s14+$0x0], $0xffff  }
0x18f: {  	[tilespmem:v6+s16+$0x0] =	vst.idx.add.f32.msk $0xffff, v11  }
0x190: {  	v6 =	vld [tilespmem:s23+$0x90];
	v11 =	vand.u32 $0xFFFF, v41  }
0x191: {  	[tilespmem:v7+s15+$0x0] =	vst.idx.add.f32.msk $0xffff, v10  }
0x192: {  	v0 =	vshrl.u32 v39, $0x10;
	v10 =	vld.idx.msk [tilespmem:v8+s12+$0x0], $0xffff  }
0x193: {  	[tilespmem:v7+s16+$0x0] =	vst.idx.add.f32.msk $0xffff, v3;
	v3 =	vand.u32 $0xFFFF, v42  }
0x194: {  	v7 =	vld.idx.msk [tilespmem:v8+s14+$0x0], $0xffff  }
0x195: {  	v8 =	vld.idx.msk [tilespmem:v11+s12+$0x0], $0xffff  }
0x196: {  	v2 =	vshrl.u32 v41, $0x10;
	v11 =	vld.idx.msk [tilespmem:v11+s14+$0x0], $0xffff  }
0x197: {  	[tilespmem:v0+s15+$0x0] =	vst.idx.add.f32.msk $0xffff, v10  }
0x198: {  	v1 =	vshrl.u32 v42, $0x10;
	v10 =	vld.idx.msk [tilespmem:v3+s12+$0x0], $0xffff  }
0x199: {  	[tilespmem:v0+s16+$0x0] =	vst.idx.add.f32.msk $0xffff, v7;
	v7 =	vand.u32 $0xFFFF, v4  }
0x19a: {  	v3 =	vld.idx.msk [tilespmem:v3+s14+$0x0], $0xffff  }
0x19b: {  	[tilespmem:v2+s15+$0x0] =	vst.idx.add.f32.msk $0xffff, v8  }
0x19c: {  	v44 =	vand.u32 $0xFFFF, v6;
	[tilespmem:v2+s16+$0x0] =	vst.idx.add.f32.msk $0xffff, v11  }
0x19d: {  	[tilespmem:v1+s15+$0x0] =	vst.idx.add.f32.msk $0xffff, v10  }
0x19e: {  	v45 =	vand.u32 $0xFFFF, v43;
	v8 =	vld.idx.msk [tilespmem:v7+s12+$0x0], $0xffff  }
0x19f: {  	v4 =	vshrl.u32 v4, $0x10;
	[tilespmem:v1+s16+$0x0] =	vst.idx.add.f32.msk $0xffff, v3  }
0x1a0: {  	v3 =	vld.idx.msk [tilespmem:v7+s14+$0x0], $0xffff  }
0x1a1: {  	s22 =	sadd.s32 $0x2, s22;
	v6 =	vshrl.u32 v6, $0x10;
	v7 =	vld.idx.msk [tilespmem:v44+s12+$0x0], $0xffff  }
0x1a2: {  	p0 =	seq.s32 s22, $0x50;
	v2 =	vld.idx.msk [tilespmem:v44+s14+$0x0], $0xffff  }
0x1a3: {  	s22 =	simm.s32 @p0 $0x0;
	v1 =	vld.idx.msk [tilespmem:v45+s14+$0x0], $0xffff  }
0x1a4: {  	s22 =	sadd.s32 s4, s22;
	[tilespmem:v4+s15+$0x0] =	vst.idx.add.f32.msk $0xffff, v8  }
0x1a5: {  	s29 =	smulhi.u32 $0x66666667, s22;
	v8 =	vld.idx.msk [tilespmem:v45+s12+$0x0], $0xffff  }
0x1a6: {  	v0 =	vshrl.u32 v43, $0x10;
	[tilespmem:v6+s15+$0x0] =	vst.idx.add.f32.msk $0xffff, v7  }
0x1a7: {  	s23 =	sshrl.u32 s29, $0x5;
	[tilespmem:v4+s16+$0x0] =	vst.idx.add.f32.msk $0xffff, v3  }
0x1a8: {  	s23 =	smul.u32 $0x50, s23;
	v3 =	vld.idx.msk [tilespmem:v9+s14+$0x0], $0xffff  }
0x1a9: {  	[tilespmem:v6+s16+$0x0] =	vst.idx.add.f32.msk $0xffff, v2  }
0x1aa: {  	s22 =	ssub.s32 s22, s23;
	[tilespmem:v17+s15+$0x0] =	vst.idx.add.f32.msk $0xffff, v46  }
0x1ab: {  	s22 =	smul.u32 $0x1F4, s22;
	[tilespmem:v0+s15+$0x0] =	vst.idx.add.f32.msk $0xffff, v8  }
0x1ac: {  	[tilespmem:v0+s16+$0x0] =	vst.idx.add.f32.msk $0xffff, v1  }
0x1ad: {  	s22 =	sadd.s32 s3, s22;
	[tilespmem:v17+s16+$0x0] =	vst.idx.add.f32.msk $0xffff, v3  }
0x1ae: {  	[tilespmem:s2], [sflag:$0x1] =	stream.linear.gather [hbm4b:s22+s2], $0xFA0, $0x38;
	[tilespmem:$0xC000] =	vst v63  }
0x1af: {  	_ =	swait.ge [sflag:s19], $0xFA0  }
0x1b0: {  	s30 =	simm.s32 $0x0;
	[sflag:s19] =	ssyncset.done $0x0  }
0x1b1: {  	s31 =	sand.u32 $0xFF0, s30;
	[sflag:s19] =	ssyncadd.s32 $0xFFFFF060  }
0x1b2: {  	v49 =	vld [tilespmem:s31+$0x1180];
	_ =	sdelay $0x4  }
0x1b3: {  	v50 =	vand.u32 $0xFFFF, v49  }
0x1b4: {  	s22 =	simm.s32 $0x10C0  }
0x1b5: {  	v51 =	vld [tilespmem:s22+$0xB0]  }
0x1b6: {  	v5 =	vld [tilespmem:s22+$0xFFFFFF40]  }
0x1b7: {  	v52 =	vld [tilespmem:s31+$0x1080]  }
0x1b8: {  	v4 =	vshrl.u32 v49, $0x10;
	v3 =	vld.idx.msk [tilespmem:v50+s12+$0x0], $0xffff  }
0x1b9: {  	v1 =	vld.idx.msk [tilespmem:v50+s14+$0x0], $0xffff  }
0x1ba: {  	v53 =	vld [tilespmem:s22+$0xFFFFFF50];
	v6 =	vand.u32 $0xFFFF, v51  }
0x1bb: {  	v7 =	vld [tilespmem:s22+$0xFFFFFF60]  }
0x1bc: {  	v8 =	vld [tilespmem:s22+$0xFFFFFF70]  }
0x1bd: {  	[tilespmem:v4+s15+$0x0] =	vst.idx.add.f32.msk $0xffff, v3  }
0x1be: {  	v3 =	vand.u32 $0xFFFF, v5;
	[tilespmem:v4+s16+$0x0] =	vst.idx.add.f32.msk $0xffff, v1  }
0x1bf: {  	v2 =	vshrl.u32 v51, $0x10;
	v4 =	vld.idx.msk [tilespmem:v6+s12+$0x0], $0xffff  }
0x1c0: {  	v55 =	vld [tilespmem:s22+$0xFFFFFF90]  }
0x1c1: {  	v56 =	vld [tilespmem:s22+$0xFFFFFFA0]  }
0x1c2: {  	v6 =	vld.idx.msk [tilespmem:v6+s14+$0x0], $0xffff  }
0x1c3: {  	v5 =	vshrl.u32 v5, $0x10;
	v9 =	vld.idx.msk [tilespmem:v3+s12+$0x0], $0xffff  }
0x1c4: {  	[tilespmem:v2+s15+$0x0] =	vst.idx.add.f32.msk $0xffff, v4;
	v4 =	vand.u32 $0xFFFF, v53  }
0x1c5: {  	v57 =	vld [tilespmem:s22+$0xFFFFFFF0]  }
0x1c6: {  	v54 =	vld.idx.msk [tilespmem:v3+s14+$0x0], $0xffff  }
0x1c7: {  	[tilespmem:v2+s16+$0x0] =	vst.idx.add.f32.msk $0xffff, v6  }
0x1c8: {  	v6 =	vand.u32 $0xFFFF, v7;
	[tilespmem:v5+s15+$0x0] =	vst.idx.add.f32.msk $0xffff, v9  }
0x1c9: {  	v1 =	vshrl.u32 v53, $0x10;
	v9 =	vld.idx.msk [tilespmem:v4+s12+$0x0], $0xffff  }
0x1ca: {  	v3 =	vld [tilespmem:s22+$0xFFFFFF80]  }
0x1cb: {  	v4 =	vld.idx.msk [tilespmem:v4+s14+$0x0], $0xffff  }
0x1cc: {  	[tilespmem:v5+s16+$0x0] =	vst.idx.add.f32.msk $0xffff, v54  }
0x1cd: {  	v5 =	vshrl.u32 v7, $0x10;
	v7 =	vld.idx.msk [tilespmem:v6+s12+$0x0], $0xffff  }
0x1ce: {  	[tilespmem:v1+s15+$0x0] =	vst.idx.add.f32.msk $0xffff, v9;
	v9 =	vand.u32 $0xFFFF, v8  }
0x1cf: {  	v58 =	vld [tilespmem:s22+$0x0]  }
0x1d0: {  	v6 =	vld.idx.msk [tilespmem:v6+s14+$0x0], $0xffff  }
0x1d1: {  	[tilespmem:v1+s16+$0x0] =	vst.idx.add.f32.msk $0xffff, v4  }
0x1d2: {  	v4 =	vand.u32 $0xFFFF, v3;
	[tilespmem:v5+s15+$0x0] =	vst.idx.add.f32.msk $0xffff, v7  }
0x1d3: {  	v7 =	vshrl.u32 v8, $0x10;
	v8 =	vld.idx.msk [tilespmem:v9+s12+$0x0], $0xffff  }
0x1d4: {  	v59 =	vld [tilespmem:s22+$0x50]  }
0x1d5: {  	[tilespmem:v5+s16+$0x0] =	vst.idx.add.f32.msk $0xffff, v6  }
0x1d6: {  	v9 =	vld.idx.msk [tilespmem:v9+s14+$0x0], $0xffff  }
0x1d7: {  	v3 =	vshrl.u32 v3, $0x10;
	v6 =	vld.idx.msk [tilespmem:v4+s12+$0x0], $0xffff  }
0x1d8: {  	[tilespmem:v7+s15+$0x0] =	vst.idx.add.f32.msk $0xffff, v8;
	v8 =	vand.u32 $0xFFFF, v55  }
0x1d9: {  	v5 =	vld [tilespmem:s22+$0xFFFFFFB0]  }
0x1da: {  	v4 =	vld.idx.msk [tilespmem:v4+s14+$0x0], $0xffff  }
0x1db: {  	[tilespmem:v7+s16+$0x0] =	vst.idx.add.f32.msk $0xffff, v9  }
0x1dc: {  	v9 =	vand.u32 $0xFFFF, v56;
	[tilespmem:v3+s15+$0x0] =	vst.idx.add.f32.msk $0xffff, v6  }
0x1dd: {  	v2 =	vshrl.u32 v55, $0x10;
	v6 =	vld.idx.msk [tilespmem:v8+s12+$0x0], $0xffff  }
0x1de: {  	v7 =	vld [tilespmem:s22+$0xFFFFFFD0]  }
0x1df: {  	[tilespmem:v3+s16+$0x0] =	vst.idx.add.f32.msk $0xffff, v4  }
0x1e0: {  	v8 =	vld.idx.msk [tilespmem:v8+s14+$0x0], $0xffff  }
0x1e1: {  	v1 =	vshrl.u32 v56, $0x10;
	v4 =	vld.idx.msk [tilespmem:v9+s12+$0x0], $0xffff  }
0x1e2: {  	[tilespmem:v2+s15+$0x0] =	vst.idx.add.f32.msk $0xffff, v6;
	v6 =	vand.u32 $0xFFFF, v5  }
0x1e3: {  	v3 =	vld [tilespmem:s22+$0xFFFFFFE0]  }
0x1e4: {  	v9 =	vld.idx.msk [tilespmem:v9+s14+$0x0], $0xffff  }
0x1e5: {  	[tilespmem:v2+s16+$0x0] =	vst.idx.add.f32.msk $0xffff, v8  }
0x1e6: {  	v8 =	vand.u32 $0xFFFF, v7;
	[tilespmem:v1+s15+$0x0] =	vst.idx.add.f32.msk $0xffff, v4  }
0x1e7: {  	v4 =	vshrl.u32 v5, $0x10;
	v5 =	vld.idx.msk [tilespmem:v6+s12+$0x0], $0xffff  }
0x1e8: {  	v60 =	vld [tilespmem:s22+$0x60]  }
0x1e9: {  	[tilespmem:v1+s16+$0x0] =	vst.idx.add.f32.msk $0xffff, v9  }
0x1ea: {  	v6 =	vld.idx.msk [tilespmem:v6+s14+$0x0], $0xffff  }
0x1eb: {  	v7 =	vshrl.u32 v7, $0x10;
	v9 =	vld.idx.msk [tilespmem:v8+s12+$0x0], $0xffff  }
0x1ec: {  	[tilespmem:v4+s15+$0x0] =	vst.idx.add.f32.msk $0xffff, v5;
	v5 =	vand.u32 $0xFFFF, v3  }
0x1ed: {  	v61 =	vld [tilespmem:s22+$0xA0]  }
0x1ee: {  	v8 =	vld.idx.msk [tilespmem:v8+s14+$0x0], $0xffff  }
0x1ef: {  	[tilespmem:v4+s16+$0x0] =	vst.idx.add.f32.msk $0xffff, v6  }
0x1f0: {  	v6 =	vand.u32 $0xFFFF, v57;
	[tilespmem:v7+s15+$0x0] =	vst.idx.add.f32.msk $0xffff, v9  }
0x1f1: {  	v3 =	vshrl.u32 v3, $0x10;
	v9 =	vld.idx.msk [tilespmem:v5+s12+$0x0], $0xffff  }
0x1f2: {  	v4 =	vld [tilespmem:s22+$0x10]  }
0x1f3: {  	[tilespmem:v7+s16+$0x0] =	vst.idx.add.f32.msk $0xffff, v8  }
0x1f4: {  	v5 =	vld.idx.msk [tilespmem:v5+s14+$0x0], $0xffff  }
0x1f5: {  	v2 =	vshrl.u32 v57, $0x10;
	v8 =	vld.idx.msk [tilespmem:v6+s12+$0x0], $0xffff  }
0x1f6: {  	[tilespmem:v3+s15+$0x0] =	vst.idx.add.f32.msk $0xffff, v9;
	v9 =	vand.u32 $0xFFFF, v58  }
0x1f7: {  	v7 =	vld [tilespmem:s22+$0x20]  }
0x1f8: {  	v6 =	vld.idx.msk [tilespmem:v6+s14+$0x0], $0xffff  }
0x1f9: {  	[tilespmem:v3+s16+$0x0] =	vst.idx.add.f32.msk $0xffff, v5  }
0x1fa: {  	v5 =	vand.u32 $0xFFFF, v4;
	[tilespmem:v2+s15+$0x0] =	vst.idx.add.f32.msk $0xffff, v8  }
0x1fb: {  	v1 =	vshrl.u32 v58, $0x10;
	v8 =	vld.idx.msk [tilespmem:v9+s12+$0x0], $0xffff  }
0x1fc: {  	v3 =	vld [tilespmem:s22+$0x30]  }
0x1fd: {  	[tilespmem:v2+s16+$0x0] =	vst.idx.add.f32.msk $0xffff, v6  }
0x1fe: {  	v9 =	vld.idx.msk [tilespmem:v9+s14+$0x0], $0xffff  }
0x1ff: {  	s23 =	simm.s32 $0x190;
	v4 =	vshrl.u32 v4, $0x10;
	v6 =	vld.idx.msk [tilespmem:v5+s12+$0x0], $0xffff  }
0x200: {  	s24 =	sand.u32 $0xFF0, s23;
	[tilespmem:v1+s15+$0x0] =	vst.idx.add.f32.msk $0xffff, v8;
	v8 =	vand.u32 $0xFFFF, v7  }
0x201: {  	v14 =	vld [tilespmem:s24+$0x1180]  }
0x202: {  	v5 =	vld.idx.msk [tilespmem:v5+s14+$0x0], $0xffff  }
0x203: {  	[tilespmem:v1+s16+$0x0] =	vst.idx.add.f32.msk $0xffff, v9  }
0x204: {  	v9 =	vand.u32 $0xFFFF, v3;
	[tilespmem:v4+s15+$0x0] =	vst.idx.add.f32.msk $0xffff, v6  }
0x205: {  	v6 =	vshrl.u32 v7, $0x10;
	v7 =	vld.idx.msk [tilespmem:v8+s12+$0x0], $0xffff  }
0x206: {  	v12 =	vld [tilespmem:s24+$0x1100]  }
0x207: {  	[tilespmem:v4+s16+$0x0] =	vst.idx.add.f32.msk $0xffff, v5  }
0x208: {  	v8 =	vld.idx.msk [tilespmem:v8+s14+$0x0], $0xffff  }
0x209: {  	v3 =	vshrl.u32 v3, $0x10;
	v5 =	vld.idx.msk [tilespmem:v9+s12+$0x0], $0xffff  }
0x20a: {  	[tilespmem:v6+s15+$0x0] =	vst.idx.add.f32.msk $0xffff, v7;
	v7 =	vand.u32 $0xFFFF, v59  }
0x20b: {  	v4 =	vld [tilespmem:s22+$0x70]  }
0x20c: {  	v9 =	vld.idx.msk [tilespmem:v9+s14+$0x0], $0xffff  }
0x20d: {  	[tilespmem:v6+s16+$0x0] =	vst.idx.add.f32.msk $0xffff, v8  }
0x20e: {  	v8 =	vand.u32 $0xFFFF, v60;
	[tilespmem:v3+s15+$0x0] =	vst.idx.add.f32.msk $0xffff, v5  }
0x20f: {  	v2 =	vshrl.u32 v59, $0x10;
	v5 =	vld.idx.msk [tilespmem:v7+s12+$0x0], $0xffff  }
0x210: {  	v6 =	vld [tilespmem:s22+$0x80]  }
0x211: {  	[tilespmem:v3+s16+$0x0] =	vst.idx.add.f32.msk $0xffff, v9  }
0x212: {  	v7 =	vld.idx.msk [tilespmem:v7+s14+$0x0], $0xffff  }
0x213: {  	v1 =	vshrl.u32 v60, $0x10;
	v9 =	vld.idx.msk [tilespmem:v8+s12+$0x0], $0xffff  }
0x214: {  	[tilespmem:v2+s15+$0x0] =	vst.idx.add.f32.msk $0xffff, v5;
	v5 =	vand.u32 $0xFFFF, v4  }
0x215: {  	v3 =	vld [tilespmem:s22+$0x90]  }
0x216: {  	v8 =	vld.idx.msk [tilespmem:v8+s14+$0x0], $0xffff  }
0x217: {  	[tilespmem:v2+s16+$0x0] =	vst.idx.add.f32.msk $0xffff, v7;
	v7 =	vand.u32 $0xFFFF, v6  }
0x218: {  	[tilespmem:v1+s15+$0x0] =	vst.idx.add.f32.msk $0xffff, v9  }
0x219: {  	v4 =	vshrl.u32 v4, $0x10;
	v9 =	vld.idx.msk [tilespmem:v5+s12+$0x0], $0xffff  }
0x21a: {  	v5 =	vld.idx.msk [tilespmem:v5+s14+$0x0], $0xffff  }
0x21b: {  	[tilespmem:v1+s16+$0x0] =	vst.idx.add.f32.msk $0xffff, v8  }
0x21c: {  	v62 =	vshrl.u32 v6, $0x10;
	v6 =	vld.idx.msk [tilespmem:v7+s12+$0x0], $0xffff  }
0x21d: {  	v8 =	vand.u32 $0xFFFF, v3;
	v7 =	vld.idx.msk [tilespmem:v7+s14+$0x0], $0xffff  }
0x21e: {  	[tilespmem:v4+s15+$0x0] =	vst.idx.add.f32.msk $0xffff, v9  }
0x21f: {  	[tilespmem:v4+s16+$0x0] =	vst.idx.add.f32.msk $0xffff, v5  }
0x220: {  	v9 =	vand.u32 $0xFFFF, v52;
	v4 =	vld [tilespmem:s31+$0x1100]  }
0x221: {  	[tilespmem:v62+s15+$0x0] =	vst.idx.add.f32.msk $0xffff, v6  }
0x222: {  	v5 =	vand.u32 $0xFFFF, v61;
	v6 =	vld.idx.msk [tilespmem:v8+s12+$0x0], $0xffff  }
0x223: {  	[tilespmem:v62+s16+$0x0] =	vst.idx.add.f32.msk $0xffff, v7  }
0x224: {  	v3 =	vshrl.u32 v3, $0x10;
	v7 =	vld.idx.msk [tilespmem:v8+s14+$0x0], $0xffff  }
0x225: {  	v63 =	vld.idx.msk [tilespmem:v9+s12+$0x0], $0xffff  }
0x226: {  	v0 =	vshrl.u32 v52, $0x10;
	v10 =	vld.idx.msk [tilespmem:v9+s14+$0x0], $0xffff  }
0x227: {  	v2 =	vshrl.u32 v61, $0x10;
	v8 =	vld.idx.msk [tilespmem:v5+s12+$0x0], $0xffff  }
0x228: {  	v5 =	vld.idx.msk [tilespmem:v5+s14+$0x0], $0xffff  }
0x229: {  	[tilespmem:v3+s15+$0x0] =	vst.idx.add.f32.msk $0xffff, v6  }
0x22a: {  	[tilespmem:v3+s16+$0x0] =	vst.idx.add.f32.msk $0xffff, v7;
	v3 =	vand.u32 $0xFFFF, v4  }
0x22b: {  	v9 =	vand.u32 $0xFFFF, v14;
	[tilespmem:v0+s15+$0x0] =	vst.idx.add.f32.msk $0xffff, v63  }
0x22c: {  	[tilespmem:v2+s15+$0x0] =	vst.idx.add.f32.msk $0xffff, v8  }
0x22d: {  	[tilespmem:v2+s16+$0x0] =	vst.idx.add.f32.msk $0xffff, v5  }
0x22e: {  	v5 =	vld [tilespmem:s24+$0x1080]  }
0x22f: {  	v15 =	vshrl.u32 v4, $0x10;
	v13 =	vld.idx.msk [tilespmem:v3+s12+$0x0], $0xffff  }
0x230: {  	v11 =	vld.idx.msk [tilespmem:v9+s12+$0x0], $0xffff  }
0x231: {  	[tilespmem:v0+s16+$0x0] =	vst.idx.add.f32.msk $0xffff, v10  }
0x232: {  	v10 =	vld.idx.msk [tilespmem:v9+s14+$0x0], $0xffff  }
0x233: {  	v16 =	vshrl.u32 v12, $0x10;
	v18 =	vld.idx.msk [tilespmem:v3+s14+$0x0], $0xffff;
	v9 =	vand.u32 $0xFFFF, v5  }
0x234: {  	v19 =	vand.u32 $0xFFFF, v12;
	v12 =	vshrl.u32 v14, $0x10;
	v17 =	vshrl.u32 v5, $0x10;
	[tilespmem:v15+s15+$0x0] =	vst.idx.add.f32.msk $0xffff, v13;
	v5 =	vmovc v16  }
.LBB2_5:
0x235: {  	_ =	sdelay $0x2  }
0x236: {  	v0 =	vld.idx.msk [tilespmem:v9+s12+$0x0], $0xffff  }
0x237: {  	v51 =	vld.idx.msk [tilespmem:v9+s14+$0x0], $0xffff;
	s22 =	sadd.s32 $0x190, s22  }
0x238: {  	[tilespmem:$0x1FF40] =	vst v15;
	v15 =	vld [tilespmem:s22+$0xB0]  }
0x239: {  	v13 =	vld [tilespmem:s22+$0xFFFFFF70]  }
0x23a: {  	v14 =	vld [tilespmem:s22+$0xFFFFFF80]  }
0x23b: {  	[tilespmem:$0x1FF20] =	vst v17;
	v17 =	vld [tilespmem:s22+$0xFFFFFF90]  }
0x23c: {  	[tilespmem:$0x1FF50] =	vst v18;
	v18 =	vld [tilespmem:s22+$0xFFFFFFA0]  }
0x23d: {  	[tilespmem:$0x1FF70] =	vst v5;
	v5 =	vmov v19;
	v19 =	vld [tilespmem:s22+$0xFFFFFFB0]  }
0x23e: {  	v20 =	vld [tilespmem:s22+$0xFFFFFFD0]  }
0x23f: {  	v24 =	vld [tilespmem:s22+$0xFFFFFFE0]  }
0x240: {  	v25 =	vld [tilespmem:s22+$0xFFFFFFF0]  }
0x241: {  	v27 =	vld [tilespmem:s22+$0x0]  }
0x242: {  	v29 =	vld [tilespmem:s22+$0x10]  }
0x243: {  	v53 =	vld [tilespmem:s22+$0x20]  }
0x244: {  	v54 =	vld [tilespmem:s22+$0x30]  }
0x245: {  	v55 =	vld [tilespmem:s22+$0x50]  }
0x246: {  	v56 =	vld [tilespmem:s22+$0x60]  }
0x247: {  	v57 =	vld [tilespmem:s22+$0x70]  }
0x248: {  	v42 =	vld [tilespmem:s22+$0x80]  }
0x249: {  	s23 =	sadd.s32 $0x190, s23;
	v44 =	vld [tilespmem:s22+$0x90]  }
0x24a: {  	s24 =	sand.u32 $0xFF0, s23;
	v46 =	vld [tilespmem:s22+$0xA0]  }
0x24b: {  	[tilespmem:$0x1FF60] =	vst v16;
	v52 =	vld [tilespmem:s24+$0x1180]  }
0x24c: {  	[tilespmem:v12+s15+$0x0] =	vst.idx.add.f32.msk $0xffff, v11;
	v16 =	vand.u32 $0xFFFF, v15  }
0x24d: {  	v11 =	vld [tilespmem:s22+$0xFFFFFF50]  }
0x24e: {  	[tilespmem:v12+s16+$0x0] =	vst.idx.add.f32.msk $0xffff, v10;
	v32 =	vand.u32 $0xFFFF, v14  }
0x24f: {  	v10 =	vld [tilespmem:s22+$0xFFFFFF40]  }
0x250: {  	v12 =	vld [tilespmem:s22+$0xFFFFFF60];
	v33 =	vand.u32 $0xFFFF, v17  }
0x251: {  	v22 =	vshrl.u32 v15, $0x10;
	v15 =	vshrl.u32 v18, $0x10;
	v21 =	vld.idx.msk [tilespmem:v16+s12+$0x0], $0xffff  }
0x252: {  	v34 =	vand.u32 $0xFFFF, v18;
	v35 =	vand.u32 $0xFFFF, v19;
	v18 =	vshrl.u32 v24, $0x10;
	v23 =	vld.idx.msk [tilespmem:v16+s14+$0x0], $0xffff  }
0x253: {  	v37 =	vand.u32 $0xFFFF, v24;
	v24 =	vshrl.u32 v55, $0x10;
	v45 =	vand.u32 $0xFFFF, v55;
	v55 =	vld.idx.msk [tilespmem:v32+s12+$0x0], $0xffff  }
0x254: {  	v36 =	vand.u32 $0xFFFF, v20;
	v38 =	vand.u32 $0xFFFF, v25;
	v48 =	vand.u32 $0xFFFF, v56;
	v32 =	vld.idx.msk [tilespmem:v32+s14+$0x0], $0xffff  }
0x255: {  	v16 =	vshrl.u32 v19, $0x10;
	v19 =	vshrl.u32 v25, $0x10;
	v25 =	vshrl.u32 v56, $0x10;
	v56 =	vld.idx.msk [tilespmem:v33+s12+$0x0], $0xffff  }
0x256: {  	v33 =	vld.idx.msk [tilespmem:v33+s14+$0x0], $0xffff  }
0x257: {  	v58 =	vld.idx.msk [tilespmem:v35+s12+$0x0], $0xffff  }
0x258: {  	v35 =	vld.idx.msk [tilespmem:v35+s14+$0x0], $0xffff  }
0x259: {  	v59 =	vld.idx.msk [tilespmem:v36+s12+$0x0], $0xffff  }
0x25a: {  	v39 =	vand.u32 $0xFFFF, v27;
	v36 =	vld.idx.msk [tilespmem:v36+s14+$0x0], $0xffff  }
0x25b: {  	v60 =	vld.idx.msk [tilespmem:v37+s12+$0x0], $0xffff  }
0x25c: {  	v40 =	vand.u32 $0xFFFF, v29;
	v37 =	vld.idx.msk [tilespmem:v37+s14+$0x0], $0xffff  }
0x25d: {  	v61 =	vld.idx.msk [tilespmem:v38+s12+$0x0], $0xffff  }
0x25e: {  	v41 =	vand.u32 $0xFFFF, v53;
	v38 =	vld.idx.msk [tilespmem:v38+s14+$0x0], $0xffff  }
0x25f: {  	v62 =	vld.idx.msk [tilespmem:v39+s12+$0x0], $0xffff  }
0x260: {  	v43 =	vand.u32 $0xFFFF, v54;
	v39 =	vld.idx.msk [tilespmem:v39+s14+$0x0], $0xffff  }
0x261: {  	v63 =	vld.idx.msk [tilespmem:v40+s12+$0x0], $0xffff  }
0x262: {  	v40 =	vld.idx.msk [tilespmem:v40+s14+$0x0], $0xffff  }
0x263: {  	[tilespmem:$0x1FF10] =	vst v0;
	v0 =	vld.idx.msk [tilespmem:v41+s12+$0x0], $0xffff  }
0x264: {  	v41 =	vld.idx.msk [tilespmem:v41+s14+$0x0], $0xffff  }
0x265: {  	v7 =	vld.idx.msk [tilespmem:v43+s12+$0x0], $0xffff  }
0x266: {  	v50 =	vand.u32 $0xFFFF, v57;
	v43 =	vld.idx.msk [tilespmem:v43+s14+$0x0], $0xffff  }
0x267: {  	v8 =	vld.idx.msk [tilespmem:v45+s12+$0x0], $0xffff  }
0x268: {  	v28 =	vand.u32 $0xFFFF, v11;
	v45 =	vld.idx.msk [tilespmem:v45+s14+$0x0], $0xffff  }
0x269: {  	v3 =	vld.idx.msk [tilespmem:v48+s12+$0x0], $0xffff  }
0x26a: {  	v26 =	vand.u32 $0xFFFF, v10;
	v48 =	vld.idx.msk [tilespmem:v48+s14+$0x0], $0xffff  }
0x26b: {  	v31 =	vand.u32 $0xFFFF, v13;
	v9 =	vshrl.u32 v10, $0x10;
	v10 =	vshrl.u32 v11, $0x10;
	v4 =	vld.idx.msk [tilespmem:v50+s12+$0x0], $0xffff  }
0x26c: {  	v11 =	vshrl.u32 v12, $0x10;
	v30 =	vand.u32 $0xFFFF, v12;
	v12 =	vshrl.u32 v13, $0x10;
	v50 =	vld.idx.msk [tilespmem:v50+s14+$0x0], $0xffff  }
0x26d: {  	[tilespmem:$0x1FF30] =	vst v51;
	v13 =	vshrl.u32 v14, $0x10;
	v14 =	vshrl.u32 v17, $0x10;
	v17 =	vshrl.u32 v20, $0x10;
	v51 =	vld.idx.msk [tilespmem:v28+s12+$0x0], $0xffff  }
0x26e: {  	[tilespmem:$0x1FF00] =	vst v52;
	v20 =	vshrl.u32 v27, $0x10;
	v27 =	vshrl.u32 v42, $0x10;
	v42 =	vand.u32 $0xFFFF, v42;
	v52 =	vld.idx.msk [tilespmem:v28+s14+$0x0], $0xffff  }
0x26f: {  	v47 =	vld.idx.msk [tilespmem:v26+s12+$0x0], $0xffff  }
0x270: {  	v49 =	vld.idx.msk [tilespmem:v26+s14+$0x0], $0xffff  }
0x271: {  	v26 =	vshrl.u32 v57, $0x10;
	v57 =	vld.idx.msk [tilespmem:v34+s12+$0x0], $0xffff  }
0x272: {  	v34 =	vld.idx.msk [tilespmem:v34+s14+$0x0], $0xffff  }
0x273: {  	v2 =	vld.idx.msk [tilespmem:v42+s12+$0x0], $0xffff  }
0x274: {  	v42 =	vld.idx.msk [tilespmem:v42+s14+$0x0], $0xffff  }
0x275: {  	[tilespmem:v22+s15+$0x0] =	vst.idx.add.f32.msk $0xffff, v21  }
0x276: {  	[tilespmem:v13+s15+$0x0] =	vst.idx.add.f32.msk $0xffff, v55  }
0x277: {  	[tilespmem:v14+s15+$0x0] =	vst.idx.add.f32.msk $0xffff, v56  }
0x278: {  	[tilespmem:v16+s15+$0x0] =	vst.idx.add.f32.msk $0xffff, v58  }
0x279: {  	[tilespmem:v17+s15+$0x0] =	vst.idx.add.f32.msk $0xffff, v59  }
0x27a: {  	[tilespmem:v18+s15+$0x0] =	vst.idx.add.f32.msk $0xffff, v60  }
0x27b: {  	[tilespmem:v19+s15+$0x0] =	vst.idx.add.f32.msk $0xffff, v61  }
0x27c: {  	[tilespmem:v20+s15+$0x0] =	vst.idx.add.f32.msk $0xffff, v62  }
0x27d: {  	[tilespmem:v24+s15+$0x0] =	vst.idx.add.f32.msk $0xffff, v8  }
0x27e: {  	[tilespmem:v25+s15+$0x0] =	vst.idx.add.f32.msk $0xffff, v3  }
0x27f: {  	v58 =	vld [tilespmem:s24+$0x1080]  }
0x280: {  	v59 =	vld [tilespmem:s24+$0x1100]  }
0x281: {  	v3 =	vld.idx.msk [tilespmem:v5+s12+$0x0], $0xffff  }
0x282: {  	v61 =	vld [tilespmem:$0x1FF40]  }
0x283: {  	v62 =	vld [tilespmem:$0x1FF60]  }
0x284: {  	[tilespmem:v22+s16+$0x0] =	vst.idx.add.f32.msk $0xffff, v23  }
0x285: {  	v22 =	vshrl.u32 v53, $0x10;
	v53 =	vld.idx.msk [tilespmem:v30+s12+$0x0], $0xffff  }
0x286: {  	v30 =	vld.idx.msk [tilespmem:v30+s14+$0x0], $0xffff  }
0x287: {  	v23 =	vshrl.u32 v54, $0x10;
	v54 =	vld.idx.msk [tilespmem:v31+s12+$0x0], $0xffff  }
0x288: {  	v31 =	vld.idx.msk [tilespmem:v31+s14+$0x0], $0xffff  }
0x289: {  	[tilespmem:v13+s16+$0x0] =	vst.idx.add.f32.msk $0xffff, v32  }
0x28a: {  	[tilespmem:v14+s16+$0x0] =	vst.idx.add.f32.msk $0xffff, v33  }
0x28b: {  	[tilespmem:v16+s16+$0x0] =	vst.idx.add.f32.msk $0xffff, v35  }
0x28c: {  	[tilespmem:v17+s16+$0x0] =	vst.idx.add.f32.msk $0xffff, v36  }
0x28d: {  	v28 =	vshrl.u32 v44, $0x10;
	v44 =	vand.u32 $0xFFFF, v44;
	[tilespmem:v18+s16+$0x0] =	vst.idx.add.f32.msk $0xffff, v37  }
0x28e: {  	[tilespmem:v19+s16+$0x0] =	vst.idx.add.f32.msk $0xffff, v38  }
0x28f: {  	[tilespmem:v20+s16+$0x0] =	vst.idx.add.f32.msk $0xffff, v39  }
0x290: {  	[tilespmem:v24+s16+$0x0] =	vst.idx.add.f32.msk $0xffff, v45  }
0x291: {  	[tilespmem:v25+s16+$0x0] =	vst.idx.add.f32.msk $0xffff, v48  }
0x292: {  	v6 =	vld.idx.msk [tilespmem:v44+s12+$0x0], $0xffff  }
0x293: {  	v44 =	vld.idx.msk [tilespmem:v44+s14+$0x0], $0xffff  }
0x294: {  	[tilespmem:v10+s15+$0x0] =	vst.idx.add.f32.msk $0xffff, v51  }
0x295: {  	[tilespmem:v9+s15+$0x0] =	vst.idx.add.f32.msk $0xffff, v47  }
0x296: {  	[tilespmem:v10+s16+$0x0] =	vst.idx.add.f32.msk $0xffff, v52  }
0x297: {  	v21 =	vshrl.u32 v29, $0x10;
	v29 =	vshrl.u32 v46, $0x10;
	v46 =	vand.u32 $0xFFFF, v46;
	[tilespmem:v15+s15+$0x0] =	vst.idx.add.f32.msk $0xffff, v57  }
0x298: {  	[tilespmem:v26+s15+$0x0] =	vst.idx.add.f32.msk $0xffff, v4  }
0x299: {  	[tilespmem:v27+s15+$0x0] =	vst.idx.add.f32.msk $0xffff, v2  }
0x29a: {  	v4 =	vld.idx.msk [tilespmem:v5+s14+$0x0], $0xffff  }
0x29b: {  	v5 =	vld [tilespmem:$0x1FF10]  }
0x29c: {  	v1 =	vld.idx.msk [tilespmem:v46+s12+$0x0], $0xffff  }
0x29d: {  	v46 =	vld.idx.msk [tilespmem:v46+s14+$0x0], $0xffff  }
0x29e: {  	[tilespmem:v9+s16+$0x0] =	vst.idx.add.f32.msk $0xffff, v49  }
0x29f: {  	[tilespmem:v15+s16+$0x0] =	vst.idx.add.f32.msk $0xffff, v34  }
0x2a0: {  	[tilespmem:v21+s15+$0x0] =	vst.idx.add.f32.msk $0xffff, v63  }
0x2a1: {  	[tilespmem:v26+s16+$0x0] =	vst.idx.add.f32.msk $0xffff, v50  }
0x2a2: {  	[tilespmem:v27+s16+$0x0] =	vst.idx.add.f32.msk $0xffff, v42  }
0x2a3: {  	v63 =	vld [tilespmem:$0x1FF70]  }
0x2a4: {  	[tilespmem:v23+s15+$0x0] =	vst.idx.add.f32.msk $0xffff, v7  }
0x2a5: {  	v7 =	vld [tilespmem:$0x1FF20]  }
0x2a6: {  	[tilespmem:v11+s15+$0x0] =	vst.idx.add.f32.msk $0xffff, v53  }
0x2a7: {  	[tilespmem:v12+s15+$0x0] =	vst.idx.add.f32.msk $0xffff, v54  }
0x2a8: {  	[tilespmem:v21+s16+$0x0] =	vst.idx.add.f32.msk $0xffff, v40  }
0x2a9: {  	[tilespmem:v22+s15+$0x0] =	vst.idx.add.f32.msk $0xffff, v0  }
0x2aa: {  	[tilespmem:v11+s16+$0x0] =	vst.idx.add.f32.msk $0xffff, v30  }
0x2ab: {  	[tilespmem:v28+s15+$0x0] =	vst.idx.add.f32.msk $0xffff, v6  }
0x2ac: {  	v6 =	vld [tilespmem:$0x1FF00]  }
0x2ad: {  	[tilespmem:v7+s15+$0x0] =	vst.idx.add.f32.msk $0xffff, v5  }
0x2ae: {  	v5 =	vld [tilespmem:$0x1FF30]  }
0x2af: {  	[tilespmem:v12+s16+$0x0] =	vst.idx.add.f32.msk $0xffff, v31  }
0x2b0: {  	[tilespmem:v22+s16+$0x0] =	vst.idx.add.f32.msk $0xffff, v41  }
0x2b1: {  	[tilespmem:v23+s16+$0x0] =	vst.idx.add.f32.msk $0xffff, v43  }
0x2b2: {  	[tilespmem:v28+s16+$0x0] =	vst.idx.add.f32.msk $0xffff, v44;
	v60 =	vand.u32 $0xFFFF, v6  }
0x2b3: {  	[tilespmem:v7+s16+$0x0] =	vst.idx.add.f32.msk $0xffff, v5  }
0x2b4: {  	v5 =	vld [tilespmem:$0x1FF50]  }
0x2b5: {  	p0 =	slt.u32 s23, $0xE10;
	[tilespmem:v29+s15+$0x0] =	vst.idx.add.f32.msk $0xffff, v1  }
.Ltmp1:
0x2b6: {  	[tilespmem:v29+s16+$0x0] =	vst.idx.add.f32.msk $0xffff, v46;
	(pc) =	sbr.rel @p0 .LBB2_5-.Ltmp1, $4  }
0x2b7: {  	v11 =	vld.idx.msk [tilespmem:v60+s12+$0x0], $0xffff  }
0x2b8: {  	v10 =	vld.idx.msk [tilespmem:v60+s14+$0x0], $0xffff  }
0x2b9: {  	v9 =	vand.u32 $0xFFFF, v58;
	v17 =	vshrl.u32 v58, $0x10;
	v16 =	vshrl.u32 v59, $0x10;
	[tilespmem:v61+s16+$0x0] =	vst.idx.add.f32.msk $0xffff, v5  }
0x2ba: {  	v19 =	vand.u32 $0xFFFF, v59;
	v15 =	vmovc v62;
	v18 =	vmovc v4;
	v12 =	vshrl.u32 v6, $0x10;
	v5 =	vmov v16;
	[tilespmem:v63+s15+$0x0] =	vst.idx.add.f32.msk $0xffff, v3  }
0x2bb: {  	_ =	sdelay $0x3  }
0x2bc: {  	s22 =	sadd.s32 $0x190, s22;
	[tilespmem:v15+s16+$0x0] =	vst.idx.add.f32.msk $0xffff, v18  }
0x2bd: {  	v0 =	vld [tilespmem:s22+$0xB0]  }
0x2be: {  	v2 =	vld [tilespmem:s22+$0xFFFFFF40]  }
0x2bf: {  	[tilespmem:v12+s15+$0x0] =	vst.idx.add.f32.msk $0xffff, v11  }
0x2c0: {  	v3 =	vld [tilespmem:s22+$0xFFFFFF50]  }
0x2c1: {  	v7 =	vld [tilespmem:s22+$0xFFFFFF60]  }
0x2c2: {  	v8 =	vld [tilespmem:s22+$0xFFFFFF70]  }
0x2c3: {  	v46 =	vld [tilespmem:s22+$0xFFFFFF80]  }
0x2c4: {  	v50 =	vld [tilespmem:s22+$0xFFFFFF90]  }
0x2c5: {  	v53 =	vld [tilespmem:s22+$0xFFFFFFA0]  }
0x2c6: {  	v56 =	vld [tilespmem:s22+$0xFFFFFFB0]  }
0x2c7: {  	v59 =	vld [tilespmem:s22+$0xFFFFFFD0]  }
0x2c8: {  	v62 =	vld [tilespmem:s22+$0xFFFFFFE0]  }
0x2c9: {  	v13 =	vld [tilespmem:s22+$0xFFFFFFF0]  }
0x2ca: {  	v21 =	vld [tilespmem:s22+$0x0]  }
0x2cb: {  	v24 =	vld [tilespmem:s22+$0x10]  }
0x2cc: {  	v27 =	vld [tilespmem:s22+$0x20]  }
0x2cd: {  	v30 =	vld [tilespmem:s22+$0x30]  }
0x2ce: {  	v31 =	vld [tilespmem:s22+$0x50];
	v1 =	vand.u32 $0xFFFF, v0  }
0x2cf: {  	v35 =	vld [tilespmem:s22+$0x60]  }
0x2d0: {  	v38 =	vld [tilespmem:s22+$0x70];
	v6 =	vand.u32 $0xFFFF, v2  }
0x2d1: {  	v41 =	vld [tilespmem:s22+$0x80]  }
0x2d2: {  	[tilespmem:v12+s16+$0x0] =	vst.idx.add.f32.msk $0xffff, v10;
	v44 =	vand.u32 $0xFFFF, v3  }
0x2d3: {  	v4 =	vld.idx.msk [tilespmem:v1+s12+$0x0], $0xffff  }
0x2d4: {  	v48 =	vand.u32 $0xFFFF, v7;
	v1 =	vld.idx.msk [tilespmem:v1+s14+$0x0], $0xffff  }
0x2d5: {  	v51 =	vand.u32 $0xFFFF, v8;
	v45 =	vld.idx.msk [tilespmem:v6+s12+$0x0], $0xffff  }
0x2d6: {  	v54 =	vand.u32 $0xFFFF, v46;
	v47 =	vld.idx.msk [tilespmem:v6+s14+$0x0], $0xffff  }
0x2d7: {  	v57 =	vand.u32 $0xFFFF, v50;
	v49 =	vld.idx.msk [tilespmem:v44+s12+$0x0], $0xffff  }
0x2d8: {  	v60 =	vand.u32 $0xFFFF, v53;
	v10 =	vld.idx.msk [tilespmem:v44+s14+$0x0], $0xffff  }
0x2d9: {  	v63 =	vand.u32 $0xFFFF, v56;
	v52 =	vld.idx.msk [tilespmem:v48+s12+$0x0], $0xffff  }
0x2da: {  	v14 =	vand.u32 $0xFFFF, v59;
	v55 =	vld.idx.msk [tilespmem:v51+s12+$0x0], $0xffff  }
0x2db: {  	v22 =	vand.u32 $0xFFFF, v62;
	v58 =	vld.idx.msk [tilespmem:v54+s12+$0x0], $0xffff  }
0x2dc: {  	v25 =	vand.u32 $0xFFFF, v13;
	v61 =	vld.idx.msk [tilespmem:v57+s12+$0x0], $0xffff  }
0x2dd: {  	v29 =	vand.u32 $0xFFFF, v21;
	v12 =	vld.idx.msk [tilespmem:v60+s12+$0x0], $0xffff  }
0x2de: {  	v32 =	vand.u32 $0xFFFF, v24;
	v20 =	vld.idx.msk [tilespmem:v63+s12+$0x0], $0xffff  }
0x2df: {  	v37 =	vand.u32 $0xFFFF, v27;
	v23 =	vld.idx.msk [tilespmem:v14+s12+$0x0], $0xffff  }
0x2e0: {  	v39 =	vand.u32 $0xFFFF, v30;
	v26 =	vld.idx.msk [tilespmem:v22+s12+$0x0], $0xffff  }
0x2e1: {  	v0 =	vshrl.u32 v0, $0x10;
	v28 =	vld.idx.msk [tilespmem:v25+s12+$0x0], $0xffff  }
0x2e2: {  	v2 =	vshrl.u32 v2, $0x10;
	v34 =	vld.idx.msk [tilespmem:v29+s12+$0x0], $0xffff  }
0x2e3: {  	v3 =	vshrl.u32 v3, $0x10;
	v36 =	vld.idx.msk [tilespmem:v32+s12+$0x0], $0xffff  }
0x2e4: {  	v40 =	vld.idx.msk [tilespmem:v37+s12+$0x0], $0xffff  }
0x2e5: {  	v43 =	vld.idx.msk [tilespmem:v39+s12+$0x0], $0xffff;
	v44 =	vand.u32 $0xFFFF, v31  }
0x2e6: {  	v11 =	vshrl.u32 v46, $0x10;
	v46 =	vand.u32 $0xFFFF, v35;
	[tilespmem:v0+s15+$0x0] =	vst.idx.add.f32.msk $0xffff, v4  }
0x2e7: {  	[tilespmem:v2+s15+$0x0] =	vst.idx.add.f32.msk $0xffff, v45  }
0x2e8: {  	[tilespmem:v3+s15+$0x0] =	vst.idx.add.f32.msk $0xffff, v49  }
0x2e9: {  	v45 =	vld [tilespmem:s22+$0x90]  }
0x2ea: {  	v49 =	vld.idx.msk [tilespmem:v44+s14+$0x0], $0xffff  }
0x2eb: {  	v7 =	vshrl.u32 v7, $0x10;
	v4 =	vshrl.u32 v50, $0x10;
	v50 =	vld.idx.msk [tilespmem:v46+s12+$0x0], $0xffff  }
0x2ec: {  	[tilespmem:v0+s16+$0x0] =	vst.idx.add.f32.msk $0xffff, v1  }
0x2ed: {  	v8 =	vshrl.u32 v8, $0x10;
	[tilespmem:v2+s16+$0x0] =	vst.idx.add.f32.msk $0xffff, v47  }
0x2ee: {  	v1 =	vld.idx.msk [tilespmem:v48+s14+$0x0], $0xffff  }
0x2ef: {  	[tilespmem:v3+s16+$0x0] =	vst.idx.add.f32.msk $0xffff, v10  }
0x2f0: {  	[tilespmem:v7+s15+$0x0] =	vst.idx.add.f32.msk $0xffff, v52  }
0x2f1: {  	v0 =	vld.idx.msk [tilespmem:v51+s14+$0x0], $0xffff  }
0x2f2: {  	v6 =	vshrl.u32 v53, $0x10;
	v53 =	vand.u32 $0xFFFF, v41;
	[tilespmem:v8+s15+$0x0] =	vst.idx.add.f32.msk $0xffff, v55  }
0x2f3: {  	v3 =	vld.idx.msk [tilespmem:v54+s14+$0x0], $0xffff  }
0x2f4: {  	[tilespmem:v11+s15+$0x0] =	vst.idx.add.f32.msk $0xffff, v58  }
0x2f5: {  	v47 =	vld.idx.msk [tilespmem:v44+s12+$0x0], $0xffff  }
0x2f6: {  	v52 =	vld [tilespmem:s22+$0xA0]  }
0x2f7: {  	v55 =	vld.idx.msk [tilespmem:v53+s12+$0x0], $0xffff  }
0x2f8: {  	[tilespmem:v7+s16+$0x0] =	vst.idx.add.f32.msk $0xffff, v1  }
0x2f9: {  	[tilespmem:v8+s16+$0x0] =	vst.idx.add.f32.msk $0xffff, v0  }
0x2fa: {  	v1 =	vld.idx.msk [tilespmem:v57+s14+$0x0], $0xffff  }
0x2fb: {  	v2 =	vshrl.u32 v56, $0x10;
	[tilespmem:v11+s16+$0x0] =	vst.idx.add.f32.msk $0xffff, v3  }
0x2fc: {  	[tilespmem:v4+s15+$0x0] =	vst.idx.add.f32.msk $0xffff, v61  }
0x2fd: {  	v48 =	vand.u32 $0xFFFF, v38;
	v0 =	vld.idx.msk [tilespmem:v60+s14+$0x0], $0xffff  }
0x2fe: {  	[tilespmem:v6+s15+$0x0] =	vst.idx.add.f32.msk $0xffff, v12  }
0x2ff: {  	v3 =	vld.idx.msk [tilespmem:v63+s14+$0x0], $0xffff  }
0x300: {  	[tilespmem:v2+s15+$0x0] =	vst.idx.add.f32.msk $0xffff, v20  }
0x301: {  	v11 =	vld.idx.msk [tilespmem:v37+s14+$0x0], $0xffff  }
0x302: {  	v51 =	vld.idx.msk [tilespmem:v48+s12+$0x0], $0xffff  }
0x303: {  	v54 =	vand.u32 $0xFFFF, v45;
	v57 =	vld.idx.msk [tilespmem:v53+s14+$0x0], $0xffff  }
0x304: {  	v60 =	vld.idx.msk [tilespmem:v9+s12+$0x0], $0xffff  }
0x305: {  	v61 =	vld.idx.msk [tilespmem:v9+s14+$0x0], $0xffff  }
0x306: {  	v7 =	vshrl.u32 v62, $0x10;
	v62 =	vld.idx.msk [tilespmem:v19+s12+$0x0], $0xffff  }
0x307: {  	v63 =	vld.idx.msk [tilespmem:v19+s14+$0x0], $0xffff  }
0x308: {  	v10 =	vshrl.u32 v59, $0x10;
	v58 =	vld.idx.msk [tilespmem:v54+s12+$0x0], $0xffff  }
0x309: {  	[tilespmem:v4+s16+$0x0] =	vst.idx.add.f32.msk $0xffff, v1  }
0x30a: {  	[tilespmem:v6+s16+$0x0] =	vst.idx.add.f32.msk $0xffff, v0  }
0x30b: {  	v1 =	vld.idx.msk [tilespmem:v14+s14+$0x0], $0xffff  }
0x30c: {  	v8 =	vshrl.u32 v13, $0x10;
	[tilespmem:v2+s16+$0x0] =	vst.idx.add.f32.msk $0xffff, v3  }
0x30d: {  	[tilespmem:v10+s15+$0x0] =	vst.idx.add.f32.msk $0xffff, v23  }
0x30e: {  	v33 =	vshrl.u32 v21, $0x10;
	v0 =	vld.idx.msk [tilespmem:v22+s14+$0x0], $0xffff  }
0x30f: {  	v56 =	vand.u32 $0xFFFF, v52;
	[tilespmem:v7+s15+$0x0] =	vst.idx.add.f32.msk $0xffff, v26  }
0x310: {  	v2 =	vld.idx.msk [tilespmem:v25+s14+$0x0], $0xffff  }
0x311: {  	[tilespmem:v8+s15+$0x0] =	vst.idx.add.f32.msk $0xffff, v28  }
0x312: {  	v3 =	vld.idx.msk [tilespmem:v29+s14+$0x0], $0xffff  }
0x313: {  	[tilespmem:v33+s15+$0x0] =	vst.idx.add.f32.msk $0xffff, v34  }
0x314: {  	v59 =	vld.idx.msk [tilespmem:v56+s12+$0x0], $0xffff  }
0x315: {  	[tilespmem:v17+s15+$0x0] =	vst.idx.add.f32.msk $0xffff, v60  }
0x316: {  	[tilespmem:v5+s15+$0x0] =	vst.idx.add.f32.msk $0xffff, v62  }
0x317: {  	[tilespmem:v17+s16+$0x0] =	vst.idx.add.f32.msk $0xffff, v61  }
0x318: {  	[tilespmem:v16+s16+$0x0] =	vst.idx.add.f32.msk $0xffff, v63  }
0x319: {  	v4 =	vshrl.u32 v24, $0x10;
	[tilespmem:v10+s16+$0x0] =	vst.idx.add.f32.msk $0xffff, v1  }
0x31a: {  	v6 =	vshrl.u32 v27, $0x10;
	[tilespmem:v7+s16+$0x0] =	vst.idx.add.f32.msk $0xffff, v0  }
0x31b: {  	[tilespmem:v8+s16+$0x0] =	vst.idx.add.f32.msk $0xffff, v2  }
0x31c: {  	v42 =	vshrl.u32 v30, $0x10;
	v7 =	vld.idx.msk [tilespmem:v32+s14+$0x0], $0xffff  }
0x31d: {  	[tilespmem:v33+s16+$0x0] =	vst.idx.add.f32.msk $0xffff, v3  }
0x31e: {  	[tilespmem:v4+s15+$0x0] =	vst.idx.add.f32.msk $0xffff, v36  }
0x31f: {  	[tilespmem:v6+s15+$0x0] =	vst.idx.add.f32.msk $0xffff, v40  }
0x320: {  	v3 =	vld.idx.msk [tilespmem:v39+s14+$0x0], $0xffff  }
0x321: {  	[tilespmem:v42+s15+$0x0] =	vst.idx.add.f32.msk $0xffff, v43;
	v0 =	vshrl.u32 v31, $0x10  }
0x322: {  	[tilespmem:v6+s16+$0x0] =	vst.idx.add.f32.msk $0xffff, v11  }
0x323: {  	v2 =	vshrl.u32 v35, $0x10;
	v11 =	vld.idx.msk [tilespmem:v46+s14+$0x0], $0xffff  }
0x324: {  	v1 =	vshrl.u32 v38, $0x10;
	[tilespmem:v4+s16+$0x0] =	vst.idx.add.f32.msk $0xffff, v7  }
0x325: {  	[tilespmem:v42+s16+$0x0] =	vst.idx.add.f32.msk $0xffff, v3  }
0x326: {  	[tilespmem:v0+s15+$0x0] =	vst.idx.add.f32.msk $0xffff, v47  }
0x327: {  	v3 =	vld.idx.msk [tilespmem:v48+s14+$0x0], $0xffff  }
0x328: {  	v6 =	vshrl.u32 v45, $0x10;
	[tilespmem:v2+s15+$0x0] =	vst.idx.add.f32.msk $0xffff, v50  }
0x329: {  	[tilespmem:v1+s15+$0x0] =	vst.idx.add.f32.msk $0xffff, v51  }
0x32a: {  	[tilespmem:v0+s16+$0x0] =	vst.idx.add.f32.msk $0xffff, v49  }
0x32b: {  	v4 =	vshrl.u32 v41, $0x10;
	[tilespmem:v2+s16+$0x0] =	vst.idx.add.f32.msk $0xffff, v11  }
0x32c: {  	v2 =	vld.idx.msk [tilespmem:v54+s14+$0x0], $0xffff  }
0x32d: {  	[tilespmem:v6+s15+$0x0] =	vst.idx.add.f32.msk $0xffff, v58  }
0x32e: {  	s21 =	sadd.s32 $0x1, s21;
	v0 =	vshrl.u32 v52, $0x10;
	[tilespmem:v1+s16+$0x0] =	vst.idx.add.f32.msk $0xffff, v3  }
0x32f: {  	p0 =	sne.s32 s21, $0x28;
	v1 =	vld.idx.msk [tilespmem:v56+s14+$0x0], $0xffff  }
.Ltmp2:
0x330: {  	[tilespmem:v4+s15+$0x0] =	vst.idx.add.f32.msk $0xffff, v55;
	(pc) =	sbr.rel @p0 .LBB2_2-.Ltmp2, $4  }
0x331: {  	[tilespmem:v4+s16+$0x0] =	vst.idx.add.f32.msk $0xffff, v57  }
0x332: {  	[tilespmem:v6+s16+$0x0] =	vst.idx.add.f32.msk $0xffff, v2  }
0x333: {  	[tilespmem:v0+s15+$0x0] =	vst.idx.add.f32.msk $0xffff, v59  }
0x334: {  	[tilespmem:v0+s16+$0x0] =	vst.idx.add.f32.msk $0xffff, v1  }
0x335: {  	_ =	swait.ge [sflag:s18], $0xFA0  }
0x336: {  	[sflag:s18] =	ssyncset.done $0x0  }
0x337: {  	[sflag:s18] =	ssyncadd.s32 $0xFFFFF060  }
0x338: {  	[hbm4b:s9+s2] =	stream.linear.scatter [tilespmem:s15], [sflag:$0x3], $0x2800, $0x38;
	[tilespmem:$0xC000] =	vst v63  }
0x339: {  	s20 =	sadd.s32 $0x1, s20;
	_ =	swait.ge [sflag:s13], $0x2800  }
0x33a: {  	p0 =	sne.s32 s20, s11;
	[sflag:s13] =	ssyncset.done $0x0  }
.Ltmp3:
0x33b: {  	[sflag:s13] =	ssyncadd.s32 $0xFFFFD800;
	(pc) =	sbr.rel @p0 .LBB2_1-.Ltmp3, $4  }
0x33c: {  	[hbm4b:s10+s2] =	stream.linear.scatter [tilespmem:s16], [sflag:$0x3], $0x2800, $0x38;
	[tilespmem:$0xC000] =	vst v63  }
0x33d: {  	_ =	swait.ge [sflag:s13], $0x2800  }
0x33e: {  	[sflag:s13] =	ssyncset.done $0x0  }
0x33f: {  	[sflag:s13] =	ssyncadd.s32 $0xFFFFD800  }
0x340: {  	_ =	sfence.sel $0x180000  }
0x341: {  	[bflag:$0x0] =	sbarrier.arrive $0xFFFF  }
0x342: {  	p0 =	sne.s32 s1, $0x0;
	_ =	strace $0x9000004A  }
0x343: {  	s0 =	sadd.s32 @!p0 $0x100000, s0;
	[bflag:$0x2] =	sbarrier.arrive $0xFFFF  }
0x344: {  	[sflag:s0] =	ssyncadd.tile.s32 @!p0 $0x1;
	_ =	shalt  }
.Lfunc_end2:
_tile_overlayer_lowered:
.L_overlay_start_2:
0x345: {  	(tag) =	ssettag $0x2  }
0x346: {  	s0 =	rddreg [dreg:$0x0];
	s2 =	stileid.u32  }
0x347: {  	s1 =	rddreg [dreg:$0x1];
	p0 =	sne.s32 s2, $0x0  }
0x348: {  	s3 =	rddreg [dreg:$0x2];
	[bflag:$0x3] =	sbarrier.arrive $0xFFFF;
	s2 =	simm.s32 @!p0 $0x1C03  }
0x349: {  	[timem:s3], [sflag:s2] =	dma.local @!p0 [hbm:s0], s1  }
0x34a: {  	s0 =	simm.s32 @!p0 $0x3  }
0x34b: {  	_ =	swait.ge @!p0 [sflag:s0], s1  }
0x34c: {  	s1 =	ssub.s32 @!p0 $0x0, s1;
	[sflag:s0] =	ssyncset.done @!p0 $0x0  }
0x34d: {  	[sflag:s0] =	ssyncadd.s32 @!p0 s1  }
0x34e: {  	[bflag:$0x3] =	sbarrier.arrive $0xFFFF  }
0x34f: {  	_ =	shalt  }

// kernel: kernel.14.cloned.1.call-start
scs
__scs_entry_jumppad:
0x0: {  	(pc) =	sbr.rel $0x88, $3  }
0x1: {  	(tag) =	ssettag $0x0;
	lr =	simm.s32 $0x1  }
0x2: {  	[smem:$0x3F99] =	sst lr;
	_ =	strace $0xD0000000  }
0x3: {  	_ = 	snop  }
0x4: {  	_ = 	snop  }
0x5: {  	_ = 	snop  }
0x6: {  	_ = 	snop  }
0x7: {  	_ = 	snop  }
__scs_overlays_trampoline_lowered:
0x8: {  	[smem:$0x3FA8] =	sst s0  }
0x9: {  	[smem:$0x3FA9] =	sst s1  }
0xa: {  	[smem:$0x3FAA] =	sst s2  }
0xb: {  	[smem:$0x3FAB] =	sst s3  }
0xc: {  	[smem:$0x3FAC] =	sst s4  }
0xd: {  	[smem:$0x3FAD] =	sst s5  }
0xe: {  	[smem:$0x3FAE] =	sst s6  }
0xf: {  	[smem:$0x3FAF] =	sst s7  }
0x10: {  	[smem:$0x3FB0] =	sst s8  }
0x11: {  	[smem:$0x3FB1] =	sst s9;
	s0 =	simm.s32 @!p0 $0x0  }
0x12: {  	s1 =	sld [smem:$0x3F97];
	s0 =	simm.s32 @p0 $0x1  }
0x13: {  	[smem:$0x3FB2] =	sst s0;
	s0 =	simm.s32 @!p1 $0x0  }
0x14: {  	s2 =	sld [smem:$0x3F96];
	s0 =	simm.s32 @p1 $0x1  }
0x15: {  	[smem:$0x3FB3] =	sst s0;
	s0 =	simm.s32 @!p2 $0x0  }
0x16: {  	s3 =	sld [smem:$0x3FDB];
	s0 =	simm.s32 @p2 $0x1  }
0x17: {  	s4 =	simm.s32 $0x1BF5;
	[smem:$0x3FB5] =	sst s0  }
0x18: {  	s0 =	sld [smem:$0x3F98];
	_ =	swait.ge [sflag:s4], $0x0  }
0x19: {  	s7 =	sld [smem:$0x3F99]  }
0x1a: {  	s8 =	sadd.s32 $0xFFFFE003, lr  }
0x1b: {  	s9 =	sadd.s32 $0xFFFFFEF7, lr;
	s5 =	simm.s32 $0xFFFFFFFF;
	p2 =	slt.u32 s8, $0xFFFFF086  }
0x1c: {  	p1 =	slt.u32 s9, $0xF7A;
	s5 =	simm.s32 @!p2 $0x0  }
0x1d: {  	s5 =	simm.s32 @p1 $0x1;
	p0 =	seq.s32 s7, s2  }
0x1e: {  	s7 =	smul.u32 @!p0 $0xF7A, s2;
	p2 =	seq.s32 @!p0 s5, $0x0  }
0x1f: {  	s9 =	smul.u32 $0xF7A, s1;
	s8 =	simm.s32 @!p0 $0x1BF5;
	p2 =	por !p2, p0  }
0x20: {  	[sflag:s8] =	ssyncset.s32 @!p0 $0xFFFFF086;
	s6 =	sadd.s32 @!p0 s3, s7;
	s7 =	simm.s32 @!p0 $0x108  }
0x21: {  	s3 =	sadd.s32 s3, s9;
	s6 =	sadd.s32 @!p0 $0x88, s6;
	s7 =	simm.s32 @p2 $0x1082  }
0x22: {  	[simem:s7], [sflag:s8] =	dma.local @!p0 [hbm:s6], $0xF7A  }
0x23: {  	s9 =	sor.u32 $0xD0000000, s2;
	s6 =	simm.s32 $0x108;
	_ =	swait.ge @!p0 [sflag:s8], $0x0  }
0x24: {  	s3 =	sadd.s32 $0x88, s3;
	s6 =	simm.s32 @!p1 $0x1082;
	[sflag:s4] =	ssyncset.s32 $0xFFFFF086  }
0x25: {  	[simem:s6], [sflag:s4] =	dma.local [hbm:s3], $0xF7A  }
0x26: {  	[smem:$0x3F99] =	sst s1;
	(tag) =	ssettag s2;
	_ =	strace s9  }
0x27: {  	s1 =	sld [smem:$0x3FA9]  }
0x28: {  	s2 =	sld [smem:$0x3FAA]  }
0x29: {  	s4 =	sld [smem:$0x3FAC]  }
0x2a: {  	p0 =	seq.s32 s5, $0x0;
	s5 =	sld [smem:$0x3FAD]  }
0x2b: {  	s6 =	sld [smem:$0x3FAE]  }
0x2c: {  	s7 =	sld [smem:$0x3FAF]  }
0x2d: {  	s3 =	simm.s32 $0x108;
	s8 =	sld [smem:$0x3FB0]  }
0x2e: {  	s3 =	simm.s32 @!p0 $0x1082;
	s9 =	sld [smem:$0x3FB1]  }
0x2f: {  	lr =	sadd.s32 s0, s3;
	s0 =	sld [smem:$0x3FA8]  }
0x30: {  	s3 =	sld [smem:$0x3FAB]  }
0x31: {  	[smem:$0x3FB4] =	sst s10  }
0x32: {  	s10 =	sld [smem:$0x3FB2];
	_ =	sdelay $0x3  }
0x33: {  	p0 =	seq.s32 s10, $0x1;
	s10 =	sld [smem:$0x3FB4];
	_ =	sdelay $0x3  }
0x34: {  	[smem:$0x3FB4] =	sst s10  }
0x35: {  	s10 =	sld [smem:$0x3FB3];
	_ =	sdelay $0x3  }
0x36: {  	p1 =	seq.s32 s10, $0x1;
	s10 =	sld [smem:$0x3FB4];
	_ =	sdelay $0x3  }
0x37: {  	[smem:$0x3FB4] =	sst s10  }
0x38: {  	s10 =	sld [smem:$0x3FB5]  }
0x39: {  	_ = 	snop;
	(pc) =	sbr.ind lr, $3  }
0x3a: {  	_ = 	snop  }
0x3b: {  	_ = 	snop  }
0x3c: {  	p2 =	seq.s32 s10, $0x1;
	s10 =	sld [smem:$0x3FB4]  }
0x3d: {  	_ =	shalt  }
0x3e: {  	_ =	shalt  }
0x3f: {  	_ =	shalt  }
0x40: {  	_ =	shalt  }
0x41: {  	_ =	shalt  }
0x42: {  	_ =	shalt  }
0x43: {  	_ =	shalt  }
0x44: {  	_ =	shalt  }
0x45: {  	_ =	shalt  }
0x46: {  	_ =	shalt  }
0x47: {  	_ =	shalt  }
0x48: {  	_ =	shalt  }
0x49: {  	_ =	shalt  }
0x4a: {  	_ =	shalt  }
0x4b: {  	_ =	shalt  }
0x4c: {  	_ =	shalt  }
0x4d: {  	_ =	shalt  }
0x4e: {  	_ =	shalt  }
0x4f: {  	_ =	shalt  }
0x50: {  	_ =	shalt  }
0x51: {  	_ =	shalt  }
0x52: {  	_ =	shalt  }
0x53: {  	_ =	shalt  }
0x54: {  	_ =	shalt  }
0x55: {  	_ =	shalt  }
0x56: {  	_ =	shalt  }
0x57: {  	_ =	shalt  }
0x58: {  	_ =	shalt  }
0x59: {  	_ =	shalt  }
0x5a: {  	_ =	shalt  }
0x5b: {  	_ =	shalt  }
0x5c: {  	_ =	shalt  }
0x5d: {  	_ =	shalt  }
0x5e: {  	_ =	shalt  }
0x5f: {  	_ =	shalt  }
0x60: {  	_ =	shalt  }
0x61: {  	_ =	shalt  }
0x62: {  	_ =	shalt  }
0x63: {  	_ =	shalt  }
0x64: {  	_ =	shalt  }
0x65: {  	_ =	shalt  }
0x66: {  	_ =	shalt  }
0x67: {  	_ =	shalt  }
0x68: {  	_ =	shalt  }
0x69: {  	_ =	shalt  }
0x6a: {  	_ =	shalt  }
0x6b: {  	_ =	shalt  }
0x6c: {  	_ =	shalt  }
0x6d: {  	_ =	shalt  }
0x6e: {  	_ =	shalt  }
0x6f: {  	_ =	shalt  }
0x70: {  	_ =	shalt  }
0x71: {  	_ =	shalt  }
0x72: {  	_ =	shalt  }
0x73: {  	_ =	shalt  }
0x74: {  	_ =	shalt  }
0x75: {  	_ =	shalt  }
0x76: {  	_ =	shalt  }
0x77: {  	_ =	shalt  }
0x78: {  	_ =	shalt  }
0x79: {  	_ =	shalt  }
0x7a: {  	_ =	shalt  }
0x7b: {  	_ =	shalt  }
0x7c: {  	_ =	shalt  }
0x7d: {  	_ =	shalt  }
0x7e: {  	_ =	shalt  }
0x7f: {  	_ =	shalt  }
0x80: {  	_ =	shalt  }
0x81: {  	_ =	shalt  }
0x82: {  	_ =	shalt  }
0x83: {  	_ =	shalt  }
0x84: {  	_ =	shalt  }
0x85: {  	_ =	shalt  }
0x86: {  	_ =	shalt  }
0x87: {  	_ =	shalt  }
.Lfunc_end0:
.L_simem_size_0:
called_computation.2_lowered:
.L_overlay_start_0:
0x88: {  	s2 =	sld [smem:$0x3FD9]  }
0x89: {  	s3 =	sld [smem:$0x3FFE];
	_ =	sdelay $0x1  }
0x8a: {  	s1 =	srdreg.scid  }
0x8b: {  	s0 =	sand.u32 $0x1, s1  }
0x8c: {  	s16 =	sshll.u32 s0, $0xA;
	s2 =	sadd.s32 s3, s2  }
0x8d: {  	s2 =	sadd.s32 s2, s16  }
0x8e: {  	[smem:$0x3FC0] =	sst s2  }
0x8f: {  	_ = 	snop  }
0x90: {  	(tm) =	ssettm $0x1  }
0x91: {  	s17 =	sld [smem:$0x3FFB];
	_ =	sdelay $0x3  }
0x92: {  	_ =	strace s17  }
0x93: {  	s2 =	sld [smem:$0x3FFC];
	_ =	sdelay $0x3  }
0x94: {  	_ =	strace s2  }
0x95: {  	s2 =	sld [smem:$0x3FFD];
	_ =	sdelay $0x3  }
0x96: {  	_ =	strace s2  }
0x97: {  	_ =	strace $0x8FFFFFFF  }
0x98: {  	s18 =	sld [smem:$0x3FDB];
	_ =	sdelay $0x1  }
0x99: {  	s19 =	simm.s32 $_scs_section_size  }
0x9a: {  	s4 =	simm.s32 $_size__tile_overlayer_lowered;
	s5 =	simm.s32 $_tile_overlayer_lowered  }
0x9b: {  	s22 =	simm.s32 $0x1BFF;
	s21 =	sshll.u32 s5, $0x1;
	s2 =	sadd.s32 s19, s18  }
0x9c: {  	s6 =	simm.s32 $0x0;
	s20 =	sshll.u32 s4, $0x1;
	s4 =	sadd.s32 s21, s2  }
0x9d: {  	[timem:s6], [sflag:s22] =	dma.local [hbm:s4], s20  }
0x9e: {  	_ =	swait.ge [sflag:s22], s20  }
0x9f: {  	s3 =	ssub.s32 $0x0, s20;
	[sflag:s22] =	ssyncset.done $0x0  }
0xa0: {  	[sflag:s22] =	ssyncadd.s32 s3;
	_ =	sdelay $0x1  }
0xa1: {  	s23 =	simm.s32 $0x1B8B  }
0xa2: {  	_ =	swait.ge [sflag:s23], $0x1  }
0xa3: {  	[sflag:s23] =	ssyncset.done $0x0  }
0xa4: {  	s25 =	simm.s32 $0x1B8E;
	s24 =	sld [smem:$0x3FFE];
	[sflag:s23] =	ssyncadd.s32 $0xFFFFFFFF  }
0xa5: {  	s26 =	simm.s32 $execute0_lowered;
	[smem:$0x3FD2] =	sst s25  }
0xa6: {  	s4 =	sshll.u32 s26, $0x1;
	_ =	strace $0x8000004C;
	[dreg:$0x1] =	wrdreg $0xFFFFFFFF  }
0xa7: {  	s28 =	simm.s32 $_size_execute0_lowered;
	s2 =	sadd.s32 s2, s4;
	[dreg:$0x0] =	wrdreg $0x0  }
0xa8: {  	s4 =	sshll.u32 s28, $0x1;
	[dreg:$0x2] =	wrdreg s2  }
0xa9: {  	[dreg:$0x3] =	wrdreg s4  }
0xaa: {  	[dreg:$0x4] =	wrdreg $0xC0  }
0xab: {  	_ =	task [dreg:s6], $0x5FFFF  }
0xac: {  	[dreg:$0x1] =	wrdreg $0xFFFFFFFF  }
0xad: {  	[dreg:$0x0] =	wrdreg $0x60  }
0xae: {  	[dreg:$0x2] =	wrdreg s24  }
0xaf: {  	[dreg:$0x3] =	wrdreg $0x9  }
0xb0: {  	_ =	task.clear_ibuf [dreg:s6], $0x4FFFF;
	_ =	strace $0x9000004C  }
0xb1: {  	s29 =	simm.s32 $0x9;
	_ =	strace $0x8000004E  }
0xb2: {  	_ =	swait.ge [sflag:s29], $0x1  }
0xb3: {  	[sflag:s29] =	ssyncadd.s32 $0xFFFFFFFF  }
0xb4: {  	_ =	strace $0x9000004E  }
0xb5: {  	_ =	sfence  }
0xb6: {  	s30 =	sld [smem:$0x0];
	_ =	sdelay $0x2  }
0xb7: {  	s31 =	sshll.u32 s1, $0xD;
	s1 =	sshrl.u32 s1, $0x2  }
0xb8: {  	s3 =	sand.u32 $0x4000, s31;
	s1 =	sadd.s32 s1, s30  }
0xb9: {  	s0 =	sor.u32 s3, s0;
	s1 =	sshll.u32 s1, $0x11  }
0xba: {  	s0 =	sor.u32 s1, s0  }
0xbb: {  	s0 =	sadd.s32 $0x8F2B, s0  }
0xbc: {  	[sflag:s0] =	ssyncadd.remote.s32 $0x1  }
0xbd: {  	_ =	sfence.sel $0xFFFF  }
0xbe: {  	[dreg:$0x0] =	wrdreg $0xFFFFFFFF;
	(pc) =	sbr.abs _section_cstart, $3  }
0xbf: {  	[dreg:$0x1] =	wrdreg $0xFFFFFFFF  }
0xc0: {  	_ =	task.clear_ibuf [dreg:s6], $0x2FFFF;
	_ =	strace $0x9FFFFFFF  }
0xc1: {  	(tm) =	ssettm $0x7FFFFFFF  }
tec
execute0_lowered:
.L_overlay_start_1:
0x0: {  	(tag) =	ssettag $0x1  }
0x1: {  	s4 =	rddreg [dreg:$0x0];
	s1 =	srdreg.scid  }
0x2: {  	s0 =	rddreg [dreg:$0x1];
	s2 =	simm.s32 $0x0;
	s14 =	simm.s32 $0x4800  }
0x3: {  	s15 =	simm.s32 $0x7000;
	s16 =	simm.s32 $0x9800;
	s5 =	sand.u32 $0x1, s1  }
0x4: {  	s17 =	simm.s32 $0x1000;
	s1 =	stileid.u32;
	s3 =	sshll.u32 s5, $0x4  }
0x5: {  	s18 =	simm.s32 $0x1;
	s19 =	simm.s32 $0x2;
	s6 =	sor.u32 s1, s3  }
0x6: {  	s20 =	simm.s32 $0x0;
	[smem:$0x7FF] =	sst s2;
	s7 =	smul.u32 $0x50, s6  }
0x7: {  	s8 =	sadd.s32 $0xBC00, s4;
	s10 =	sadd.s32 $0x1FC00, s4;
	s6 =	smul.u32 $0x5000, s6  }
0x8: {  	_ =	strace $0x8000004D;
	s5 =	ssub.s32 $0x2, s5;
	s3 =	sadd.s32 $0x1E00, s4  }
0x9: {  	s31 =	sshrl.u32 s5, $0x1;
	s4 =	sshrl.u32 s7, $0x5;
	s9 =	sshrl.u32 s6, $0x3  }
0xa: {  	s12 =	ssub.s32 s5, s31;
	s11 =	smul.u32 $0x1F4, s4;
	s13 =	sadd.s32 $0x500, s9  }
0xb: {  	s5 =	sadd.s32 s8, s9;
	s9 =	sadd.s32 s10, s9;
	s6 =	sadd.s32 s8, s13  }
0xc: {  	s8 =	sadd.s32 $0x1, s4;
	s10 =	sadd.s32 s10, s13;
	s13 =	simm.s32 $0x3  }
0xd: {  	s7 =	sadd.s32 s3, s11;
	s11 =	smax.u32 s12, $0x1;
	s12 =	simm.s32 $0x2000  }
.LBB2_1:
0xe: {  	[tilespmem:s12], [sflag:$0x3] =	stream.linear.gather [hbm4b:s5+s2], $0x2800, $0x38;
	[tilespmem:$0xC000] =	vst v63  }
0xf: {  	_ =	swait.ge [sflag:s13], $0x2800  }
0x10: {  	[sflag:s13] =	ssyncset.done $0x0  }
0x11: {  	[sflag:s13] =	ssyncadd.s32 $0xFFFFD800  }
0x12: {  	[tilespmem:s14], [sflag:$0x3] =	stream.linear.gather [hbm4b:s6+s2], $0x2800, $0x38;
	[tilespmem:$0xC000] =	vst v63  }
0x13: {  	_ =	swait.ge [sflag:s13], $0x2800  }
0x14: {  	[sflag:s13] =	ssyncset.done $0x0  }
0x15: {  	[sflag:s13] =	ssyncadd.s32 $0xFFFFD800  }
0x16: {  	[tilespmem:s15], [sflag:$0x3] =	stream.linear.gather [hbm4b:s5+s2], $0x2800, $0x38;
	[tilespmem:$0xC000] =	vst v63  }
0x17: {  	_ =	swait.ge [sflag:s13], $0x2800  }
0x18: {  	[sflag:s13] =	ssyncset.done $0x0  }
0x19: {  	[sflag:s13] =	ssyncadd.s32 $0xFFFFD800  }
0x1a: {  	[tilespmem:s16], [sflag:$0x3] =	stream.linear.gather [hbm4b:s6+s2], $0x2800, $0x38;
	[tilespmem:$0xC000] =	vst v63  }
0x1b: {  	_ =	swait.ge [sflag:s13], $0x2800  }
0x1c: {  	[sflag:s13] =	ssyncset.done $0x0  }
0x1d: {  	s21 =	simm.s32 $0x0;
	[sflag:s13] =	ssyncadd.s32 $0xFFFFD800  }
0x1e: {  	[tilespmem:s2], [sflag:$0x1] =	stream.linear.gather [hbm4b:s7+s2], $0xFA0, $0x38;
	[tilespmem:$0xC000] =	vst v63  }
.LBB2_2:
0x1f: {  	s22 =	sshll.u32 s21, $0x1  }
0x20: {  	s23 =	sadd.s32 s22, s8  }
0x21: {  	s24 =	smulhi.u32 $0x66666667, s23;
	_ =	sdelay $0x1  }
0x22: {  	s24 =	sshrl.u32 s24, $0x5  }
0x23: {  	s24 =	smul.u32 $0x50, s24;
	_ =	sdelay $0x1  }
0x24: {  	s23 =	ssub.s32 s23, s24  }
0x25: {  	s23 =	smul.u32 $0x1F4, s23;
	_ =	sdelay $0x1  }
0x26: {  	s23 =	sadd.s32 s3, s23  }
0x27: {  	[tilespmem:s17], [sflag:$0x2] =	stream.linear.gather [hbm4b:s23+s2], $0xFA0, $0x38;
	[tilespmem:$0xC000] =	vst v63  }
0x28: {  	_ =	swait.ge [sflag:s18], $0xFA0  }
0x29: {  	s30 =	simm.s32 $0x0;
	[sflag:s18] =	ssyncset.done $0x0  }
0x2a: {  	s31 =	sand.u32 $0xFF0, s30;
	[sflag:s18] =	ssyncadd.s32 $0xFFFFF060  }
0x2b: {  	v0 =	vld [tilespmem:s31+$0x180];
	_ =	sdelay $0x4  }
0x2c: {  	v1 =	vand.u32 $0xFFFF, v0  }
0x2d: {  	s23 =	simm.s32 $0xC0  }
0x2e: {  	v2 =	vld [tilespmem:s23+$0xB0]  }
0x2f: {  	v5 =	vld [tilespmem:s23+$0xFFFFFF40]  }
0x30: {  	v52 =	vld [tilespmem:s31+$0x80]  }
0x31: {  	v4 =	vshrl.u32 v0, $0x10;
	v3 =	vld.idx.msk [tilespmem:v1+s12+$0x0], $0xffff  }
0x32: {  	v1 =	vld.idx.msk [tilespmem:v1+s14+$0x0], $0xffff  }
0x33: {  	v53 =	vld [tilespmem:s23+$0xFFFFFF50];
	v6 =	vand.u32 $0xFFFF, v2  }
0x34: {  	v7 =	vld [tilespmem:s23+$0xFFFFFF60]  }
0x35: {  	v8 =	vld [tilespmem:s23+$0xFFFFFF70]  }
0x36: {  	[tilespmem:v4+s15+$0x0] =	vst.idx.add.f32.msk $0xffff, v3  }
0x37: {  	v3 =	vand.u32 $0xFFFF, v5;
	[tilespmem:v4+s16+$0x0] =	vst.idx.add.f32.msk $0xffff, v1  }
0x38: {  	v2 =	vshrl.u32 v2, $0x10;
	v4 =	vld.idx.msk [tilespmem:v6+s12+$0x0], $0xffff  }
0x39: {  	v55 =	vld [tilespmem:s23+$0xFFFFFF90]  }
0x3a: {  	v56 =	vld [tilespmem:s23+$0xFFFFFFA0]  }
0x3b: {  	v6 =	vld.idx.msk [tilespmem:v6+s14+$0x0], $0xffff  }
0x3c: {  	v5 =	vshrl.u32 v5, $0x10;
	v9 =	vld.idx.msk [tilespmem:v3+s12+$0x0], $0xffff  }
0x3d: {  	[tilespmem:v2+s15+$0x0] =	vst.idx.add.f32.msk $0xffff, v4;
	v4 =	vand.u32 $0xFFFF, v53  }
0x3e: {  	v57 =	vld [tilespmem:s23+$0xFFFFFFF0]  }
0x3f: {  	v54 =	vld.idx.msk [tilespmem:v3+s14+$0x0], $0xffff  }
0x40: {  	[tilespmem:v2+s16+$0x0] =	vst.idx.add.f32.msk $0xffff, v6  }
0x41: {  	v6 =	vand.u32 $0xFFFF, v7;
	[tilespmem:v5+s15+$0x0] =	vst.idx.add.f32.msk $0xffff, v9  }
0x42: {  	v1 =	vshrl.u32 v53, $0x10;
	v9 =	vld.idx.msk [tilespmem:v4+s12+$0x0], $0xffff  }
0x43: {  	v3 =	vld [tilespmem:s23+$0xFFFFFF80]  }
0x44: {  	v4 =	vld.idx.msk [tilespmem:v4+s14+$0x0], $0xffff  }
0x45: {  	[tilespmem:v5+s16+$0x0] =	vst.idx.add.f32.msk $0xffff, v54  }
0x46: {  	v5 =	vshrl.u32 v7, $0x10;
	v7 =	vld.idx.msk [tilespmem:v6+s12+$0x0], $0xffff  }
0x47: {  	[tilespmem:v1+s15+$0x0] =	vst.idx.add.f32.msk $0xffff, v9;
	v9 =	vand.u32 $0xFFFF, v8  }
0x48: {  	v58 =	vld [tilespmem:s23+$0x0]  }
0x49: {  	v6 =	vld.idx.msk [tilespmem:v6+s14+$0x0], $0xffff  }
0x4a: {  	[tilespmem:v1+s16+$0x0] =	vst.idx.add.f32.msk $0xffff, v4  }
0x4b: {  	v4 =	vand.u32 $0xFFFF, v3;
	[tilespmem:v5+s15+$0x0] =	vst.idx.add.f32.msk $0xffff, v7  }
0x4c: {  	v7 =	vshrl.u32 v8, $0x10;
	v8 =	vld.idx.msk [tilespmem:v9+s12+$0x0], $0xffff  }
0x4d: {  	v59 =	vld [tilespmem:s23+$0x50]  }
0x4e: {  	[tilespmem:v5+s16+$0x0] =	vst.idx.add.f32.msk $0xffff, v6  }
0x4f: {  	v9 =	vld.idx.msk [tilespmem:v9+s14+$0x0], $0xffff  }
0x50: {  	v3 =	vshrl.u32 v3, $0x10;
	v6 =	vld.idx.msk [tilespmem:v4+s12+$0x0], $0xffff  }
0x51: {  	[tilespmem:v7+s15+$0x0] =	vst.idx.add.f32.msk $0xffff, v8;
	v8 =	vand.u32 $0xFFFF, v55  }
0x52: {  	v5 =	vld [tilespmem:s23+$0xFFFFFFB0]  }
0x53: {  	v4 =	vld.idx.msk [tilespmem:v4+s14+$0x0], $0xffff  }
0x54: {  	[tilespmem:v7+s16+$0x0] =	vst.idx.add.f32.msk $0xffff, v9  }
0x55: {  	v9 =	vand.u32 $0xFFFF, v56;
	[tilespmem:v3+s15+$0x0] =	vst.idx.add.f32.msk $0xffff, v6  }
0x56: {  	v2 =	vshrl.u32 v55, $0x10;
	v6 =	vld.idx.msk [tilespmem:v8+s12+$0x0], $0xffff  }
0x57: {  	v7 =	vld [tilespmem:s23+$0xFFFFFFD0]  }
0x58: {  	[tilespmem:v3+s16+$0x0] =	vst.idx.add.f32.msk $0xffff, v4  }
0x59: {  	v8 =	vld.idx.msk [tilespmem:v8+s14+$0x0], $0xffff  }
0x5a: {  	v1 =	vshrl.u32 v56, $0x10;
	v4 =	vld.idx.msk [tilespmem:v9+s12+$0x0], $0xffff  }
0x5b: {  	[tilespmem:v2+s15+$0x0] =	vst.idx.add.f32.msk $0xffff, v6;
	v6 =	vand.u32 $0xFFFF, v5  }
0x5c: {  	v3 =	vld [tilespmem:s23+$0xFFFFFFE0]  }
0x5d: {  	v9 =	vld.idx.msk [tilespmem:v9+s14+$0x0], $0xffff  }
0x5e: {  	[tilespmem:v2+s16+$0x0] =	vst.idx.add.f32.msk $0xffff, v8  }
0x5f: {  	v8 =	vand.u32 $0xFFFF, v7;
	[tilespmem:v1+s15+$0x0] =	vst.idx.add.f32.msk $0xffff, v4  }
0x60: {  	v4 =	vshrl.u32 v5, $0x10;
	v5 =	vld.idx.msk [tilespmem:v6+s12+$0x0], $0xffff  }
0x61: {  	v60 =	vld [tilespmem:s23+$0x60]  }
0x62: {  	[tilespmem:v1+s16+$0x0] =	vst.idx.add.f32.msk $0xffff, v9  }
0x63: {  	v6 =	vld.idx.msk [tilespmem:v6+s14+$0x0], $0xffff  }
0x64: {  	v7 =	vshrl.u32 v7, $0x10;
	v9 =	vld.idx.msk [tilespmem:v8+s12+$0x0], $0xffff  }
0x65: {  	[tilespmem:v4+s15+$0x0] =	vst.idx.add.f32.msk $0xffff, v5;
	v5 =	vand.u32 $0xFFFF, v3  }
0x66: {  	v61 =	vld [tilespmem:s23+$0xA0]  }
0x67: {  	v8 =	vld.idx.msk [tilespmem:v8+s14+$0x0], $0xffff  }
0x68: {  	[tilespmem:v4+s16+$0x0] =	vst.idx.add.f32.msk $0xffff, v6  }
0x69: {  	v6 =	vand.u32 $0xFFFF, v57;
	[tilespmem:v7+s15+$0x0] =	vst.idx.add.f32.msk $0xffff, v9  }
0x6a: {  	v3 =	vshrl.u32 v3, $0x10;
	v9 =	vld.idx.msk [tilespmem:v5+s12+$0x0], $0xffff  }
0x6b: {  	v4 =	vld [tilespmem:s23+$0x10]  }
0x6c: {  	[tilespmem:v7+s16+$0x0] =	vst.idx.add.f32.msk $0xffff, v8  }
0x6d: {  	v5 =	vld.idx.msk [tilespmem:v5+s14+$0x0], $0xffff  }
0x6e: {  	v2 =	vshrl.u32 v57, $0x10;
	v8 =	vld.idx.msk [tilespmem:v6+s12+$0x0], $0xffff  }
0x6f: {  	[tilespmem:v3+s15+$0x0] =	vst.idx.add.f32.msk $0xffff, v9;
	v9 =	vand.u32 $0xFFFF, v58  }
0x70: {  	v7 =	vld [tilespmem:s23+$0x20]  }
0x71: {  	v6 =	vld.idx.msk [tilespmem:v6+s14+$0x0], $0xffff  }
0x72: {  	[tilespmem:v3+s16+$0x0] =	vst.idx.add.f32.msk $0xffff, v5  }
0x73: {  	v5 =	vand.u32 $0xFFFF, v4;
	[tilespmem:v2+s15+$0x0] =	vst.idx.add.f32.msk $0xffff, v8  }
0x74: {  	v1 =	vshrl.u32 v58, $0x10;
	v8 =	vld.idx.msk [tilespmem:v9+s12+$0x0], $0xffff  }
0x75: {  	v3 =	vld [tilespmem:s23+$0x30]  }
0x76: {  	[tilespmem:v2+s16+$0x0] =	vst.idx.add.f32.msk $0xffff, v6  }
0x77: {  	v9 =	vld.idx.msk [tilespmem:v9+s14+$0x0], $0xffff  }
0x78: {  	s24 =	simm.s32 $0x190;
	v4 =	vshrl.u32 v4, $0x10;
	v6 =	vld.idx.msk [tilespmem:v5+s12+$0x0], $0xffff  }
0x79: {  	s25 =	sand.u32 $0xFF0, s24;
	[tilespmem:v1+s15+$0x0] =	vst.idx.add.f32.msk $0xffff, v8;
	v8 =	vand.u32 $0xFFFF, v7  }
0x7a: {  	v14 =	vld [tilespmem:s25+$0x180]  }
0x7b: {  	v5 =	vld.idx.msk [tilespmem:v5+s14+$0x0], $0xffff  }
0x7c: {  	[tilespmem:v1+s16+$0x0] =	vst.idx.add.f32.msk $0xffff, v9  }
0x7d: {  	v9 =	vand.u32 $0xFFFF, v3;
	[tilespmem:v4+s15+$0x0] =	vst.idx.add.f32.msk $0xffff, v6  }
0x7e: {  	v6 =	vshrl.u32 v7, $0x10;
	v7 =	vld.idx.msk [tilespmem:v8+s12+$0x0], $0xffff  }
0x7f: {  	v12 =	vld [tilespmem:s25+$0x100]  }
0x80: {  	[tilespmem:v4+s16+$0x0] =	vst.idx.add.f32.msk $0xffff, v5  }
0x81: {  	v8 =	vld.idx.msk [tilespmem:v8+s14+$0x0], $0xffff  }
0x82: {  	v3 =	vshrl.u32 v3, $0x10;
	v5 =	vld.idx.msk [tilespmem:v9+s12+$0x0], $0xffff  }
0x83: {  	[tilespmem:v6+s15+$0x0] =	vst.idx.add.f32.msk $0xffff, v7;
	v7 =	vand.u32 $0xFFFF, v59  }
0x84: {  	v4 =	vld [tilespmem:s23+$0x70]  }
0x85: {  	v9 =	vld.idx.msk [tilespmem:v9+s14+$0x0], $0xffff  }
0x86: {  	[tilespmem:v6+s16+$0x0] =	vst.idx.add.f32.msk $0xffff, v8  }
0x87: {  	v8 =	vand.u32 $0xFFFF, v60;
	[tilespmem:v3+s15+$0x0] =	vst.idx.add.f32.msk $0xffff, v5  }
0x88: {  	v2 =	vshrl.u32 v59, $0x10;
	v5 =	vld.idx.msk [tilespmem:v7+s12+$0x0], $0xffff  }
0x89: {  	v6 =	vld [tilespmem:s23+$0x80]  }
0x8a: {  	[tilespmem:v3+s16+$0x0] =	vst.idx.add.f32.msk $0xffff, v9  }
0x8b: {  	v7 =	vld.idx.msk [tilespmem:v7+s14+$0x0], $0xffff  }
0x8c: {  	v1 =	vshrl.u32 v60, $0x10;
	v9 =	vld.idx.msk [tilespmem:v8+s12+$0x0], $0xffff  }
0x8d: {  	[tilespmem:v2+s15+$0x0] =	vst.idx.add.f32.msk $0xffff, v5;
	v5 =	vand.u32 $0xFFFF, v4  }
0x8e: {  	v3 =	vld [tilespmem:s23+$0x90]  }
0x8f: {  	v8 =	vld.idx.msk [tilespmem:v8+s14+$0x0], $0xffff  }
0x90: {  	[tilespmem:v2+s16+$0x0] =	vst.idx.add.f32.msk $0xffff, v7;
	v7 =	vand.u32 $0xFFFF, v6  }
0x91: {  	[tilespmem:v1+s15+$0x0] =	vst.idx.add.f32.msk $0xffff, v9  }
0x92: {  	v4 =	vshrl.u32 v4, $0x10;
	v9 =	vld.idx.msk [tilespmem:v5+s12+$0x0], $0xffff  }
0x93: {  	v5 =	vld.idx.msk [tilespmem:v5+s14+$0x0], $0xffff  }
0x94: {  	[tilespmem:v1+s16+$0x0] =	vst.idx.add.f32.msk $0xffff, v8  }
0x95: {  	v62 =	vshrl.u32 v6, $0x10;
	v6 =	vld.idx.msk [tilespmem:v7+s12+$0x0], $0xffff  }
0x96: {  	v8 =	vand.u32 $0xFFFF, v3;
	v7 =	vld.idx.msk [tilespmem:v7+s14+$0x0], $0xffff  }
0x97: {  	[tilespmem:v4+s15+$0x0] =	vst.idx.add.f32.msk $0xffff, v9  }
0x98: {  	[tilespmem:v4+s16+$0x0] =	vst.idx.add.f32.msk $0xffff, v5  }
0x99: {  	v9 =	vand.u32 $0xFFFF, v52;
	v4 =	vld [tilespmem:s31+$0x100]  }
0x9a: {  	[tilespmem:v62+s15+$0x0] =	vst.idx.add.f32.msk $0xffff, v6  }
0x9b: {  	v5 =	vand.u32 $0xFFFF, v61;
	v6 =	vld.idx.msk [tilespmem:v8+s12+$0x0], $0xffff  }
0x9c: {  	[tilespmem:v62+s16+$0x0] =	vst.idx.add.f32.msk $0xffff, v7  }
0x9d: {  	v3 =	vshrl.u32 v3, $0x10;
	v7 =	vld.idx.msk [tilespmem:v8+s14+$0x0], $0xffff  }
0x9e: {  	v63 =	vld.idx.msk [tilespmem:v9+s12+$0x0], $0xffff  }
0x9f: {  	v0 =	vshrl.u32 v52, $0x10;
	v10 =	vld.idx.msk [tilespmem:v9+s14+$0x0], $0xffff  }
0xa0: {  	v2 =	vshrl.u32 v61, $0x10;
	v8 =	vld.idx.msk [tilespmem:v5+s12+$0x0], $0xffff  }
0xa1: {  	v5 =	vld.idx.msk [tilespmem:v5+s14+$0x0], $0xffff  }
0xa2: {  	[tilespmem:v3+s15+$0x0] =	vst.idx.add.f32.msk $0xffff, v6  }
0xa3: {  	[tilespmem:v3+s16+$0x0] =	vst.idx.add.f32.msk $0xffff, v7;
	v3 =	vand.u32 $0xFFFF, v4  }
0xa4: {  	v9 =	vand.u32 $0xFFFF, v14;
	[tilespmem:v0+s15+$0x0] =	vst.idx.add.f32.msk $0xffff, v63  }
0xa5: {  	[tilespmem:v2+s15+$0x0] =	vst.idx.add.f32.msk $0xffff, v8  }
0xa6: {  	[tilespmem:v2+s16+$0x0] =	vst.idx.add.f32.msk $0xffff, v5  }
0xa7: {  	v5 =	vld [tilespmem:s25+$0x80]  }
0xa8: {  	v15 =	vshrl.u32 v4, $0x10;
	v13 =	vld.idx.msk [tilespmem:v3+s12+$0x0], $0xffff  }
0xa9: {  	v11 =	vld.idx.msk [tilespmem:v9+s12+$0x0], $0xffff  }
0xaa: {  	[tilespmem:v0+s16+$0x0] =	vst.idx.add.f32.msk $0xffff, v10  }
0xab: {  	v10 =	vld.idx.msk [tilespmem:v9+s14+$0x0], $0xffff  }
0xac: {  	v16 =	vshrl.u32 v12, $0x10;
	v18 =	vld.idx.msk [tilespmem:v3+s14+$0x0], $0xffff;
	v9 =	vand.u32 $0xFFFF, v5  }
0xad: {  	v19 =	vand.u32 $0xFFFF, v12;
	v12 =	vshrl.u32 v14, $0x10;
	v17 =	vshrl.u32 v5, $0x10;
	[tilespmem:v15+s15+$0x0] =	vst.idx.add.f32.msk $0xffff, v13;
	v5 =	vmovc v16  }
.LBB2_3:
0xae: {  	_ =	sdelay $0x2  }
0xaf: {  	v0 =	vld.idx.msk [tilespmem:v9+s12+$0x0], $0xffff  }
0xb0: {  	v51 =	vld.idx.msk [tilespmem:v9+s14+$0x0], $0xffff;
	s23 =	sadd.s32 $0x190, s23  }
0xb1: {  	[tilespmem:$0x1FFC0] =	vst v15;
	v15 =	vld [tilespmem:s23+$0xB0]  }
0xb2: {  	v13 =	vld [tilespmem:s23+$0xFFFFFF70]  }
0xb3: {  	v14 =	vld [tilespmem:s23+$0xFFFFFF80]  }
0xb4: {  	[tilespmem:$0x1FFA0] =	vst v17;
	v17 =	vld [tilespmem:s23+$0xFFFFFF90]  }
0xb5: {  	[tilespmem:$0x1FFD0] =	vst v18;
	v18 =	vld [tilespmem:s23+$0xFFFFFFA0]  }
0xb6: {  	[tilespmem:$0x1FFF0] =	vst v5;
	v5 =	vmov v19;
	v19 =	vld [tilespmem:s23+$0xFFFFFFB0]  }
0xb7: {  	v20 =	vld [tilespmem:s23+$0xFFFFFFD0]  }
0xb8: {  	v24 =	vld [tilespmem:s23+$0xFFFFFFE0]  }
0xb9: {  	v25 =	vld [tilespmem:s23+$0xFFFFFFF0]  }
0xba: {  	v27 =	vld [tilespmem:s23+$0x0]  }
0xbb: {  	v29 =	vld [tilespmem:s23+$0x10]  }
0xbc: {  	v53 =	vld [tilespmem:s23+$0x20]  }
0xbd: {  	v54 =	vld [tilespmem:s23+$0x30]  }
0xbe: {  	v55 =	vld [tilespmem:s23+$0x50]  }
0xbf: {  	v56 =	vld [tilespmem:s23+$0x60]  }
0xc0: {  	v57 =	vld [tilespmem:s23+$0x70]  }
0xc1: {  	v42 =	vld [tilespmem:s23+$0x80]  }
0xc2: {  	s24 =	sadd.s32 $0x190, s24;
	v44 =	vld [tilespmem:s23+$0x90]  }
0xc3: {  	s25 =	sand.u32 $0xFF0, s24;
	v46 =	vld [tilespmem:s23+$0xA0]  }
0xc4: {  	[tilespmem:$0x1FFE0] =	vst v16;
	v52 =	vld [tilespmem:s25+$0x180]  }
0xc5: {  	[tilespmem:v12+s15+$0x0] =	vst.idx.add.f32.msk $0xffff, v11;
	v16 =	vand.u32 $0xFFFF, v15  }
0xc6: {  	v11 =	vld [tilespmem:s23+$0xFFFFFF50]  }
0xc7: {  	[tilespmem:v12+s16+$0x0] =	vst.idx.add.f32.msk $0xffff, v10;
	v32 =	vand.u32 $0xFFFF, v14  }
0xc8: {  	v10 =	vld [tilespmem:s23+$0xFFFFFF40]  }
0xc9: {  	v12 =	vld [tilespmem:s23+$0xFFFFFF60];
	v33 =	vand.u32 $0xFFFF, v17  }
0xca: {  	v22 =	vshrl.u32 v15, $0x10;
	v15 =	vshrl.u32 v18, $0x10;
	v21 =	vld.idx.msk [tilespmem:v16+s12+$0x0], $0xffff  }
0xcb: {  	v34 =	vand.u32 $0xFFFF, v18;
	v35 =	vand.u32 $0xFFFF, v19;
	v18 =	vshrl.u32 v24, $0x10;
	v23 =	vld.idx.msk [tilespmem:v16+s14+$0x0], $0xffff  }
0xcc: {  	v37 =	vand.u32 $0xFFFF, v24;
	v24 =	vshrl.u32 v55, $0x10;
	v45 =	vand.u32 $0xFFFF, v55;
	v55 =	vld.idx.msk [tilespmem:v32+s12+$0x0], $0xffff  }
0xcd: {  	v36 =	vand.u32 $0xFFFF, v20;
	v38 =	vand.u32 $0xFFFF, v25;
	v48 =	vand.u32 $0xFFFF, v56;
	v32 =	vld.idx.msk [tilespmem:v32+s14+$0x0], $0xffff  }
0xce: {  	v16 =	vshrl.u32 v19, $0x10;
	v19 =	vshrl.u32 v25, $0x10;
	v25 =	vshrl.u32 v56, $0x10;
	v56 =	vld.idx.msk [tilespmem:v33+s12+$0x0], $0xffff  }
0xcf: {  	v33 =	vld.idx.msk [tilespmem:v33+s14+$0x0], $0xffff  }
0xd0: {  	v58 =	vld.idx.msk [tilespmem:v35+s12+$0x0], $0xffff  }
0xd1: {  	v35 =	vld.idx.msk [tilespmem:v35+s14+$0x0], $0xffff  }
0xd2: {  	v59 =	vld.idx.msk [tilespmem:v36+s12+$0x0], $0xffff  }
0xd3: {  	v39 =	vand.u32 $0xFFFF, v27;
	v36 =	vld.idx.msk [tilespmem:v36+s14+$0x0], $0xffff  }
0xd4: {  	v60 =	vld.idx.msk [tilespmem:v37+s12+$0x0], $0xffff  }
0xd5: {  	v40 =	vand.u32 $0xFFFF, v29;
	v37 =	vld.idx.msk [tilespmem:v37+s14+$0x0], $0xffff  }
0xd6: {  	v61 =	vld.idx.msk [tilespmem:v38+s12+$0x0], $0xffff  }
0xd7: {  	v41 =	vand.u32 $0xFFFF, v53;
	v38 =	vld.idx.msk [tilespmem:v38+s14+$0x0], $0xffff  }
0xd8: {  	v62 =	vld.idx.msk [tilespmem:v39+s12+$0x0], $0xffff  }
0xd9: {  	v43 =	vand.u32 $0xFFFF, v54;
	v39 =	vld.idx.msk [tilespmem:v39+s14+$0x0], $0xffff  }
0xda: {  	v63 =	vld.idx.msk [tilespmem:v40+s12+$0x0], $0xffff  }
0xdb: {  	v40 =	vld.idx.msk [tilespmem:v40+s14+$0x0], $0xffff  }
0xdc: {  	[tilespmem:$0x1FF90] =	vst v0;
	v0 =	vld.idx.msk [tilespmem:v41+s12+$0x0], $0xffff  }
0xdd: {  	v41 =	vld.idx.msk [tilespmem:v41+s14+$0x0], $0xffff  }
0xde: {  	v7 =	vld.idx.msk [tilespmem:v43+s12+$0x0], $0xffff  }
0xdf: {  	v50 =	vand.u32 $0xFFFF, v57;
	v43 =	vld.idx.msk [tilespmem:v43+s14+$0x0], $0xffff  }
0xe0: {  	v8 =	vld.idx.msk [tilespmem:v45+s12+$0x0], $0xffff  }
0xe1: {  	v28 =	vand.u32 $0xFFFF, v11;
	v45 =	vld.idx.msk [tilespmem:v45+s14+$0x0], $0xffff  }
0xe2: {  	v3 =	vld.idx.msk [tilespmem:v48+s12+$0x0], $0xffff  }
0xe3: {  	v26 =	vand.u32 $0xFFFF, v10;
	v48 =	vld.idx.msk [tilespmem:v48+s14+$0x0], $0xffff  }
0xe4: {  	v31 =	vand.u32 $0xFFFF, v13;
	v9 =	vshrl.u32 v10, $0x10;
	v10 =	vshrl.u32 v11, $0x10;
	v4 =	vld.idx.msk [tilespmem:v50+s12+$0x0], $0xffff  }
0xe5: {  	v11 =	vshrl.u32 v12, $0x10;
	v30 =	vand.u32 $0xFFFF, v12;
	v12 =	vshrl.u32 v13, $0x10;
	v50 =	vld.idx.msk [tilespmem:v50+s14+$0x0], $0xffff  }
0xe6: {  	[tilespmem:$0x1FFB0] =	vst v51;
	v13 =	vshrl.u32 v14, $0x10;
	v14 =	vshrl.u32 v17, $0x10;
	v17 =	vshrl.u32 v20, $0x10;
	v51 =	vld.idx.msk [tilespmem:v28+s12+$0x0], $0xffff  }
0xe7: {  	[tilespmem:$0x1FF80] =	vst v52;
	v20 =	vshrl.u32 v27, $0x10;
	v27 =	vshrl.u32 v42, $0x10;
	v42 =	vand.u32 $0xFFFF, v42;
	v52 =	vld.idx.msk [tilespmem:v28+s14+$0x0], $0xffff  }
0xe8: {  	v47 =	vld.idx.msk [tilespmem:v26+s12+$0x0], $0xffff  }
0xe9: {  	v49 =	vld.idx.msk [tilespmem:v26+s14+$0x0], $0xffff  }
0xea: {  	v26 =	vshrl.u32 v57, $0x10;
	v57 =	vld.idx.msk [tilespmem:v34+s12+$0x0], $0xffff  }
0xeb: {  	v34 =	vld.idx.msk [tilespmem:v34+s14+$0x0], $0xffff  }
0xec: {  	v2 =	vld.idx.msk [tilespmem:v42+s12+$0x0], $0xffff  }
0xed: {  	v42 =	vld.idx.msk [tilespmem:v42+s14+$0x0], $0xffff  }
0xee: {  	[tilespmem:v22+s15+$0x0] =	vst.idx.add.f32.msk $0xffff, v21  }
0xef: {  	[tilespmem:v13+s15+$0x0] =	vst.idx.add.f32.msk $0xffff, v55  }
0xf0: {  	[tilespmem:v14+s15+$0x0] =	vst.idx.add.f32.msk $0xffff, v56  }
0xf1: {  	[tilespmem:v16+s15+$0x0] =	vst.idx.add.f32.msk $0xffff, v58  }
0xf2: {  	[tilespmem:v17+s15+$0x0] =	vst.idx.add.f32.msk $0xffff, v59  }
0xf3: {  	[tilespmem:v18+s15+$0x0] =	vst.idx.add.f32.msk $0xffff, v60  }
0xf4: {  	[tilespmem:v19+s15+$0x0] =	vst.idx.add.f32.msk $0xffff, v61  }
0xf5: {  	[tilespmem:v20+s15+$0x0] =	vst.idx.add.f32.msk $0xffff, v62  }
0xf6: {  	[tilespmem:v24+s15+$0x0] =	vst.idx.add.f32.msk $0xffff, v8  }
0xf7: {  	[tilespmem:v25+s15+$0x0] =	vst.idx.add.f32.msk $0xffff, v3  }
0xf8: {  	v58 =	vld [tilespmem:s25+$0x80]  }
0xf9: {  	v59 =	vld [tilespmem:s25+$0x100]  }
0xfa: {  	v3 =	vld.idx.msk [tilespmem:v5+s12+$0x0], $0xffff  }
0xfb: {  	v61 =	vld [tilespmem:$0x1FFC0]  }
0xfc: {  	v62 =	vld [tilespmem:$0x1FFE0]  }
0xfd: {  	[tilespmem:v22+s16+$0x0] =	vst.idx.add.f32.msk $0xffff, v23  }
0xfe: {  	v22 =	vshrl.u32 v53, $0x10;
	v53 =	vld.idx.msk [tilespmem:v30+s12+$0x0], $0xffff  }
0xff: {  	v30 =	vld.idx.msk [tilespmem:v30+s14+$0x0], $0xffff  }
0x100: {  	v23 =	vshrl.u32 v54, $0x10;
	v54 =	vld.idx.msk [tilespmem:v31+s12+$0x0], $0xffff  }
0x101: {  	v31 =	vld.idx.msk [tilespmem:v31+s14+$0x0], $0xffff  }
0x102: {  	[tilespmem:v13+s16+$0x0] =	vst.idx.add.f32.msk $0xffff, v32  }
0x103: {  	[tilespmem:v14+s16+$0x0] =	vst.idx.add.f32.msk $0xffff, v33  }
0x104: {  	[tilespmem:v16+s16+$0x0] =	vst.idx.add.f32.msk $0xffff, v35  }
0x105: {  	[tilespmem:v17+s16+$0x0] =	vst.idx.add.f32.msk $0xffff, v36  }
0x106: {  	v28 =	vshrl.u32 v44, $0x10;
	v44 =	vand.u32 $0xFFFF, v44;
	[tilespmem:v18+s16+$0x0] =	vst.idx.add.f32.msk $0xffff, v37  }
0x107: {  	[tilespmem:v19+s16+$0x0] =	vst.idx.add.f32.msk $0xffff, v38  }
0x108: {  	[tilespmem:v20+s16+$0x0] =	vst.idx.add.f32.msk $0xffff, v39  }
0x109: {  	[tilespmem:v24+s16+$0x0] =	vst.idx.add.f32.msk $0xffff, v45  }
0x10a: {  	[tilespmem:v25+s16+$0x0] =	vst.idx.add.f32.msk $0xffff, v48  }
0x10b: {  	v6 =	vld.idx.msk [tilespmem:v44+s12+$0x0], $0xffff  }
0x10c: {  	v44 =	vld.idx.msk [tilespmem:v44+s14+$0x0], $0xffff  }
0x10d: {  	[tilespmem:v10+s15+$0x0] =	vst.idx.add.f32.msk $0xffff, v51  }
0x10e: {  	[tilespmem:v9+s15+$0x0] =	vst.idx.add.f32.msk $0xffff, v47  }
0x10f: {  	[tilespmem:v10+s16+$0x0] =	vst.idx.add.f32.msk $0xffff, v52  }
0x110: {  	v21 =	vshrl.u32 v29, $0x10;
	v29 =	vshrl.u32 v46, $0x10;
	v46 =	vand.u32 $0xFFFF, v46;
	[tilespmem:v15+s15+$0x0] =	vst.idx.add.f32.msk $0xffff, v57  }
0x111: {  	[tilespmem:v26+s15+$0x0] =	vst.idx.add.f32.msk $0xffff, v4  }
0x112: {  	[tilespmem:v27+s15+$0x0] =	vst.idx.add.f32.msk $0xffff, v2  }
0x113: {  	v4 =	vld.idx.msk [tilespmem:v5+s14+$0x0], $0xffff  }
0x114: {  	v5 =	vld [tilespmem:$0x1FF90]  }
0x115: {  	v1 =	vld.idx.msk [tilespmem:v46+s12+$0x0], $0xffff  }
0x116: {  	v46 =	vld.idx.msk [tilespmem:v46+s14+$0x0], $0xffff  }
0x117: {  	[tilespmem:v9+s16+$0x0] =	vst.idx.add.f32.msk $0xffff, v49  }
0x118: {  	[tilespmem:v15+s16+$0x0] =	vst.idx.add.f32.msk $0xffff, v34  }
0x119: {  	[tilespmem:v21+s15+$0x0] =	vst.idx.add.f32.msk $0xffff, v63  }
0x11a: {  	[tilespmem:v26+s16+$0x0] =	vst.idx.add.f32.msk $0xffff, v50  }
0x11b: {  	[tilespmem:v27+s16+$0x0] =	vst.idx.add.f32.msk $0xffff, v42  }
0x11c: {  	v63 =	vld [tilespmem:$0x1FFF0]  }
0x11d: {  	[tilespmem:v23+s15+$0x0] =	vst.idx.add.f32.msk $0xffff, v7  }
0x11e: {  	v7 =	vld [tilespmem:$0x1FFA0]  }
0x11f: {  	[tilespmem:v11+s15+$0x0] =	vst.idx.add.f32.msk $0xffff, v53  }
0x120: {  	[tilespmem:v12+s15+$0x0] =	vst.idx.add.f32.msk $0xffff, v54  }
0x121: {  	[tilespmem:v21+s16+$0x0] =	vst.idx.add.f32.msk $0xffff, v40  }
0x122: {  	[tilespmem:v22+s15+$0x0] =	vst.idx.add.f32.msk $0xffff, v0  }
0x123: {  	[tilespmem:v11+s16+$0x0] =	vst.idx.add.f32.msk $0xffff, v30  }
0x124: {  	[tilespmem:v28+s15+$0x0] =	vst.idx.add.f32.msk $0xffff, v6  }
0x125: {  	v6 =	vld [tilespmem:$0x1FF80]  }
0x126: {  	[tilespmem:v7+s15+$0x0] =	vst.idx.add.f32.msk $0xffff, v5  }
0x127: {  	v5 =	vld [tilespmem:$0x1FFB0]  }
0x128: {  	[tilespmem:v12+s16+$0x0] =	vst.idx.add.f32.msk $0xffff, v31  }
0x129: {  	[tilespmem:v22+s16+$0x0] =	vst.idx.add.f32.msk $0xffff, v41  }
0x12a: {  	[tilespmem:v23+s16+$0x0] =	vst.idx.add.f32.msk $0xffff, v43  }
0x12b: {  	[tilespmem:v28+s16+$0x0] =	vst.idx.add.f32.msk $0xffff, v44;
	v60 =	vand.u32 $0xFFFF, v6  }
0x12c: {  	[tilespmem:v7+s16+$0x0] =	vst.idx.add.f32.msk $0xffff, v5  }
0x12d: {  	v5 =	vld [tilespmem:$0x1FFD0]  }
0x12e: {  	p0 =	slt.u32 s24, $0xE10;
	[tilespmem:v29+s15+$0x0] =	vst.idx.add.f32.msk $0xffff, v1  }
.Ltmp0:
0x12f: {  	[tilespmem:v29+s16+$0x0] =	vst.idx.add.f32.msk $0xffff, v46;
	(pc) =	sbr.rel @p0 .LBB2_3-.Ltmp0, $4  }
0x130: {  	v11 =	vld.idx.msk [tilespmem:v60+s12+$0x0], $0xffff  }
0x131: {  	v10 =	vld.idx.msk [tilespmem:v60+s14+$0x0], $0xffff  }
0x132: {  	v9 =	vand.u32 $0xFFFF, v58;
	v17 =	vshrl.u32 v58, $0x10;
	v16 =	vshrl.u32 v59, $0x10;
	[tilespmem:v61+s16+$0x0] =	vst.idx.add.f32.msk $0xffff, v5  }
0x133: {  	v19 =	vand.u32 $0xFFFF, v59;
	v15 =	vmovc v62;
	v18 =	vmovc v4;
	v12 =	vshrl.u32 v6, $0x10;
	v5 =	vmov v16;
	[tilespmem:v63+s15+$0x0] =	vst.idx.add.f32.msk $0xffff, v3  }
0x134: {  	_ =	sdelay $0x3  }
0x135: {  	v46 =	vld.idx.msk [tilespmem:v9+s12+$0x0], $0xffff  }
0x136: {  	v47 =	vld.idx.msk [tilespmem:v19+s12+$0x0], $0xffff  }
0x137: {  	v48 =	vld.idx.msk [tilespmem:v19+s14+$0x0], $0xffff  }
0x138: {  	s23 =	sadd.s32 $0x190, s23;
	[tilespmem:v15+s16+$0x0] =	vst.idx.add.f32.msk $0xffff, v18  }
0x139: {  	v0 =	vld [tilespmem:s23+$0xB0]  }
0x13a: {  	v2 =	vld [tilespmem:s23+$0xFFFFFF40]  }
0x13b: {  	[tilespmem:v12+s15+$0x0] =	vst.idx.add.f32.msk $0xffff, v11  }
0x13c: {  	v3 =	vld [tilespmem:s23+$0xFFFFFF50]  }
0x13d: {  	v7 =	vld [tilespmem:s23+$0xFFFFFF60]  }
0x13e: {  	v8 =	vld [tilespmem:s23+$0xFFFFFF70]  }
0x13f: {  	v11 =	vld [tilespmem:s23+$0xFFFFFF80]  }
0x140: {  	v32 =	vld [tilespmem:s23+$0xFFFFFFB0]  }
0x141: {  	v39 =	vld [tilespmem:s23+$0x50];
	v1 =	vand.u32 $0xFFFF, v0  }
0x142: {  	v41 =	vld [tilespmem:s23+$0x60]  }
0x143: {  	v42 =	vld [tilespmem:s23+$0x70]  }
0x144: {  	v43 =	vld [tilespmem:s23+$0xA0];
	v6 =	vand.u32 $0xFFFF, v2  }
0x145: {  	[tilespmem:v12+s16+$0x0] =	vst.idx.add.f32.msk $0xffff, v10;
	v29 =	vand.u32 $0xFFFF, v7  }
0x146: {  	v0 =	vshrl.u32 v0, $0x10;
	v4 =	vld.idx.msk [tilespmem:v1+s12+$0x0], $0xffff  }
0x147: {  	[tilespmem:v5+s15+$0x0] =	vst.idx.add.f32.msk $0xffff, v47  }
0x148: {  	v10 =	vand.u32 $0xFFFF, v3;
	v1 =	vld.idx.msk [tilespmem:v1+s14+$0x0], $0xffff  }
0x149: {  	v28 =	vld.idx.msk [tilespmem:v6+s14+$0x0], $0xffff  }
0x14a: {  	v31 =	vld.idx.msk [tilespmem:v29+s12+$0x0], $0xffff  }
0x14b: {  	[tilespmem:v0+s15+$0x0] =	vst.idx.add.f32.msk $0xffff, v4  }
0x14c: {  	v7 =	vshrl.u32 v7, $0x10;
	v4 =	vld.idx.msk [tilespmem:v6+s12+$0x0], $0xffff  }
0x14d: {  	v30 =	vand.u32 $0xFFFF, v8;
	v6 =	vld.idx.msk [tilespmem:v10+s12+$0x0], $0xffff  }
0x14e: {  	v2 =	vshrl.u32 v2, $0x10;
	v10 =	vld.idx.msk [tilespmem:v10+s14+$0x0], $0xffff  }
0x14f: {  	[tilespmem:v0+s16+$0x0] =	vst.idx.add.f32.msk $0xffff, v1  }
0x150: {  	v3 =	vshrl.u32 v3, $0x10;
	v1 =	vld.idx.msk [tilespmem:v29+s14+$0x0], $0xffff  }
0x151: {  	[tilespmem:v7+s15+$0x0] =	vst.idx.add.f32.msk $0xffff, v31  }
0x152: {  	v0 =	vld.idx.msk [tilespmem:v30+s14+$0x0], $0xffff  }
0x153: {  	[tilespmem:v2+s15+$0x0] =	vst.idx.add.f32.msk $0xffff, v4  }
0x154: {  	v4 =	vld [tilespmem:s23+$0xFFFFFF90]  }
0x155: {  	[tilespmem:v3+s15+$0x0] =	vst.idx.add.f32.msk $0xffff, v6  }
0x156: {  	[tilespmem:v3+s16+$0x0] =	vst.idx.add.f32.msk $0xffff, v10;
	v3 =	vand.u32 $0xFFFF, v11  }
0x157: {  	v8 =	vshrl.u32 v8, $0x10;
	v10 =	vld.idx.msk [tilespmem:v30+s12+$0x0], $0xffff  }
0x158: {  	v6 =	vld [tilespmem:s23+$0xFFFFFFA0]  }
0x159: {  	[tilespmem:v2+s16+$0x0] =	vst.idx.add.f32.msk $0xffff, v28  }
0x15a: {  	[tilespmem:v7+s16+$0x0] =	vst.idx.add.f32.msk $0xffff, v1  }
0x15b: {  	v33 =	vand.u32 $0xFFFF, v4;
	v7 =	vld.idx.msk [tilespmem:v3+s12+$0x0], $0xffff  }
0x15c: {  	[tilespmem:v8+s15+$0x0] =	vst.idx.add.f32.msk $0xffff, v10  }
0x15d: {  	v34 =	vand.u32 $0xFFFF, v6;
	v10 =	vld [tilespmem:s23+$0xFFFFFFD0]  }
0x15e: {  	v11 =	vshrl.u32 v11, $0x10;
	v3 =	vld.idx.msk [tilespmem:v3+s14+$0x0], $0xffff  }
0x15f: {  	[tilespmem:v8+s16+$0x0] =	vst.idx.add.f32.msk $0xffff, v0  }
0x160: {  	v8 =	vld.idx.msk [tilespmem:v33+s12+$0x0], $0xffff  }
0x161: {  	v1 =	vld.idx.msk [tilespmem:v33+s14+$0x0], $0xffff  }
0x162: {  	v4 =	vshrl.u32 v4, $0x10;
	v0 =	vld.idx.msk [tilespmem:v34+s14+$0x0], $0xffff  }
0x163: {  	[tilespmem:v11+s15+$0x0] =	vst.idx.add.f32.msk $0xffff, v7  }
0x164: {  	v7 =	vld [tilespmem:s23+$0xFFFFFFE0]  }
0x165: {  	v35 =	vand.u32 $0xFFFF, v10;
	[tilespmem:v11+s16+$0x0] =	vst.idx.add.f32.msk $0xffff, v3  }
0x166: {  	v3 =	vand.u32 $0xFFFF, v32;
	v11 =	vld.idx.msk [tilespmem:v34+s12+$0x0], $0xffff  }
0x167: {  	v6 =	vshrl.u32 v6, $0x10;
	[tilespmem:v4+s15+$0x0] =	vst.idx.add.f32.msk $0xffff, v8  }
0x168: {  	v8 =	vld [tilespmem:s23+$0xFFFFFFF0]  }
0x169: {  	[tilespmem:v4+s16+$0x0] =	vst.idx.add.f32.msk $0xffff, v1  }
0x16a: {  	v1 =	vld.idx.msk [tilespmem:v35+s14+$0x0], $0xffff  }
0x16b: {  	v4 =	vld.idx.msk [tilespmem:v3+s12+$0x0], $0xffff  }
0x16c: {  	v36 =	vand.u32 $0xFFFF, v7;
	[tilespmem:v6+s15+$0x0] =	vst.idx.add.f32.msk $0xffff, v11  }
0x16d: {  	v2 =	vshrl.u32 v32, $0x10;
	v11 =	vld [tilespmem:s23+$0x0]  }
0x16e: {  	v3 =	vld.idx.msk [tilespmem:v3+s14+$0x0], $0xffff  }
0x16f: {  	[tilespmem:v6+s16+$0x0] =	vst.idx.add.f32.msk $0xffff, v0  }
0x170: {  	v6 =	vld.idx.msk [tilespmem:v35+s12+$0x0], $0xffff  }
0x171: {  	v10 =	vshrl.u32 v10, $0x10;
	v0 =	vld.idx.msk [tilespmem:v36+s14+$0x0], $0xffff  }
0x172: {  	[tilespmem:v2+s15+$0x0] =	vst.idx.add.f32.msk $0xffff, v4  }
0x173: {  	[tilespmem:v2+s16+$0x0] =	vst.idx.add.f32.msk $0xffff, v3  }
0x174: {  	v7 =	vshrl.u32 v7, $0x10;
	v3 =	vld.idx.msk [tilespmem:v36+s12+$0x0], $0xffff  }
0x175: {  	v37 =	vand.u32 $0xFFFF, v8;
	v4 =	vld [tilespmem:s23+$0x10]  }
0x176: {  	[tilespmem:v10+s15+$0x0] =	vst.idx.add.f32.msk $0xffff, v6  }
0x177: {  	v6 =	vld [tilespmem:s23+$0x20]  }
0x178: {  	[tilespmem:v10+s16+$0x0] =	vst.idx.add.f32.msk $0xffff, v1  }
0x179: {  	[tilespmem:v7+s15+$0x0] =	vst.idx.add.f32.msk $0xffff, v3;
	v3 =	vand.u32 $0xFFFF, v11  }
0x17a: {  	v8 =	vshrl.u32 v8, $0x10;
	v38 =	vld.idx.msk [tilespmem:v37+s12+$0x0], $0xffff  }
0x17b: {  	v2 =	vld.idx.msk [tilespmem:v37+s14+$0x0], $0xffff  }
0x17c: {  	v10 =	vld [tilespmem:s23+$0x30]  }
0x17d: {  	[tilespmem:v7+s16+$0x0] =	vst.idx.add.f32.msk $0xffff, v0;
	v7 =	vand.u32 $0xFFFF, v4  }
0x17e: {  	v40 =	vshrl.u32 v11, $0x10;
	v11 =	vld.idx.msk [tilespmem:v3+s12+$0x0], $0xffff  }
0x17f: {  	[tilespmem:v8+s15+$0x0] =	vst.idx.add.f32.msk $0xffff, v38  }
0x180: {  	[tilespmem:v8+s16+$0x0] =	vst.idx.add.f32.msk $0xffff, v2  }
0x181: {  	v3 =	vld.idx.msk [tilespmem:v3+s14+$0x0], $0xffff  }
0x182: {  	v4 =	vshrl.u32 v4, $0x10;
	v8 =	vld.idx.msk [tilespmem:v7+s12+$0x0], $0xffff  }
0x183: {  	[tilespmem:v40+s15+$0x0] =	vst.idx.add.f32.msk $0xffff, v11;
	v11 =	vand.u32 $0xFFFF, v6  }
0x184: {  	v7 =	vld.idx.msk [tilespmem:v7+s14+$0x0], $0xffff  }
0x185: {  	[tilespmem:v16+s16+$0x0] =	vst.idx.add.f32.msk $0xffff, v48  }
0x186: {  	[tilespmem:v40+s16+$0x0] =	vst.idx.add.f32.msk $0xffff, v3  }
0x187: {  	v3 =	vand.u32 $0xFFFF, v10;
	[tilespmem:v4+s15+$0x0] =	vst.idx.add.f32.msk $0xffff, v8  }
0x188: {  	v6 =	vshrl.u32 v6, $0x10;
	v8 =	vld.idx.msk [tilespmem:v11+s12+$0x0], $0xffff  }
0x189: {  	[tilespmem:v4+s16+$0x0] =	vst.idx.add.f32.msk $0xffff, v7  }
0x18a: {  	v11 =	vld.idx.msk [tilespmem:v11+s14+$0x0], $0xffff  }
0x18b: {  	v4 =	vld [tilespmem:s23+$0x80]  }
0x18c: {  	v7 =	vshrl.u32 v10, $0x10;
	v10 =	vld.idx.msk [tilespmem:v3+s12+$0x0], $0xffff  }
0x18d: {  	[tilespmem:v6+s15+$0x0] =	vst.idx.add.f32.msk $0xffff, v8;
	v8 =	vand.u32 $0xFFFF, v39  }
0x18e: {  	v3 =	vld.idx.msk [tilespmem:v3+s14+$0x0], $0xffff  }
0x18f: {  	[tilespmem:v6+s16+$0x0] =	vst.idx.add.f32.msk $0xffff, v11  }
0x190: {  	v6 =	vld [tilespmem:s23+$0x90];
	v11 =	vand.u32 $0xFFFF, v41  }
0x191: {  	[tilespmem:v7+s15+$0x0] =	vst.idx.add.f32.msk $0xffff, v10  }
0x192: {  	v0 =	vshrl.u32 v39, $0x10;
	v10 =	vld.idx.msk [tilespmem:v8+s12+$0x0], $0xffff  }
0x193: {  	[tilespmem:v7+s16+$0x0] =	vst.idx.add.f32.msk $0xffff, v3;
	v3 =	vand.u32 $0xFFFF, v42  }
0x194: {  	v7 =	vld.idx.msk [tilespmem:v8+s14+$0x0], $0xffff  }
0x195: {  	v8 =	vld.idx.msk [tilespmem:v11+s12+$0x0], $0xffff  }
0x196: {  	v2 =	vshrl.u32 v41, $0x10;
	v11 =	vld.idx.msk [tilespmem:v11+s14+$0x0], $0xffff  }
0x197: {  	[tilespmem:v0+s15+$0x0] =	vst.idx.add.f32.msk $0xffff, v10  }
0x198: {  	v1 =	vshrl.u32 v42, $0x10;
	v10 =	vld.idx.msk [tilespmem:v3+s12+$0x0], $0xffff  }
0x199: {  	[tilespmem:v0+s16+$0x0] =	vst.idx.add.f32.msk $0xffff, v7;
	v7 =	vand.u32 $0xFFFF, v4  }
0x19a: {  	v3 =	vld.idx.msk [tilespmem:v3+s14+$0x0], $0xffff  }
0x19b: {  	[tilespmem:v2+s15+$0x0] =	vst.idx.add.f32.msk $0xffff, v8  }
0x19c: {  	v44 =	vand.u32 $0xFFFF, v6;
	[tilespmem:v2+s16+$0x0] =	vst.idx.add.f32.msk $0xffff, v11  }
0x19d: {  	[tilespmem:v1+s15+$0x0] =	vst.idx.add.f32.msk $0xffff, v10  }
0x19e: {  	v45 =	vand.u32 $0xFFFF, v43;
	v8 =	vld.idx.msk [tilespmem:v7+s12+$0x0], $0xffff  }
0x19f: {  	v4 =	vshrl.u32 v4, $0x10;
	[tilespmem:v1+s16+$0x0] =	vst.idx.add.f32.msk $0xffff, v3  }
0x1a0: {  	v3 =	vld.idx.msk [tilespmem:v7+s14+$0x0], $0xffff  }
0x1a1: {  	s22 =	sadd.s32 $0x2, s22;
	v6 =	vshrl.u32 v6, $0x10;
	v7 =	vld.idx.msk [tilespmem:v44+s12+$0x0], $0xffff  }
0x1a2: {  	p0 =	seq.s32 s22, $0x50;
	v2 =	vld.idx.msk [tilespmem:v44+s14+$0x0], $0xffff  }
0x1a3: {  	s22 =	simm.s32 @p0 $0x0;
	v1 =	vld.idx.msk [tilespmem:v45+s14+$0x0], $0xffff  }
0x1a4: {  	s22 =	sadd.s32 s4, s22;
	[tilespmem:v4+s15+$0x0] =	vst.idx.add.f32.msk $0xffff, v8  }
0x1a5: {  	s29 =	smulhi.u32 $0x66666667, s22;
	v8 =	vld.idx.msk [tilespmem:v45+s12+$0x0], $0xffff  }
0x1a6: {  	v0 =	vshrl.u32 v43, $0x10;
	[tilespmem:v6+s15+$0x0] =	vst.idx.add.f32.msk $0xffff, v7  }
0x1a7: {  	s23 =	sshrl.u32 s29, $0x5;
	[tilespmem:v4+s16+$0x0] =	vst.idx.add.f32.msk $0xffff, v3  }
0x1a8: {  	s23 =	smul.u32 $0x50, s23;
	v3 =	vld.idx.msk [tilespmem:v9+s14+$0x0], $0xffff  }
0x1a9: {  	[tilespmem:v6+s16+$0x0] =	vst.idx.add.f32.msk $0xffff, v2  }
0x1aa: {  	s22 =	ssub.s32 s22, s23;
	[tilespmem:v17+s15+$0x0] =	vst.idx.add.f32.msk $0xffff, v46  }
0x1ab: {  	s22 =	smul.u32 $0x1F4, s22;
	[tilespmem:v0+s15+$0x0] =	vst.idx.add.f32.msk $0xffff, v8  }
0x1ac: {  	[tilespmem:v0+s16+$0x0] =	vst.idx.add.f32.msk $0xffff, v1  }
0x1ad: {  	s22 =	sadd.s32 s3, s22;
	[tilespmem:v17+s16+$0x0] =	vst.idx.add.f32.msk $0xffff, v3  }
0x1ae: {  	[tilespmem:s2], [sflag:$0x1] =	stream.linear.gather [hbm4b:s22+s2], $0xFA0, $0x38;
	[tilespmem:$0xC000] =	vst v63  }
0x1af: {  	_ =	swait.ge [sflag:s19], $0xFA0  }
0x1b0: {  	s30 =	simm.s32 $0x0;
	[sflag:s19] =	ssyncset.done $0x0  }
0x1b1: {  	s31 =	sand.u32 $0xFF0, s30;
	[sflag:s19] =	ssyncadd.s32 $0xFFFFF060  }
0x1b2: {  	v49 =	vld [tilespmem:s31+$0x1180];
	_ =	sdelay $0x4  }
0x1b3: {  	v50 =	vand.u32 $0xFFFF, v49  }
0x1b4: {  	s22 =	simm.s32 $0x10C0  }
0x1b5: {  	v51 =	vld [tilespmem:s22+$0xB0]  }
0x1b6: {  	v5 =	vld [tilespmem:s22+$0xFFFFFF40]  }
0x1b7: {  	v52 =	vld [tilespmem:s31+$0x1080]  }
0x1b8: {  	v4 =	vshrl.u32 v49, $0x10;
	v3 =	vld.idx.msk [tilespmem:v50+s12+$0x0], $0xffff  }
0x1b9: {  	v1 =	vld.idx.msk [tilespmem:v50+s14+$0x0], $0xffff  }
0x1ba: {  	v53 =	vld [tilespmem:s22+$0xFFFFFF50];
	v6 =	vand.u32 $0xFFFF, v51  }
0x1bb: {  	v7 =	vld [tilespmem:s22+$0xFFFFFF60]  }
0x1bc: {  	v8 =	vld [tilespmem:s22+$0xFFFFFF70]  }
0x1bd: {  	[tilespmem:v4+s15+$0x0] =	vst.idx.add.f32.msk $0xffff, v3  }
0x1be: {  	v3 =	vand.u32 $0xFFFF, v5;
	[tilespmem:v4+s16+$0x0] =	vst.idx.add.f32.msk $0xffff, v1  }
0x1bf: {  	v2 =	vshrl.u32 v51, $0x10;
	v4 =	vld.idx.msk [tilespmem:v6+s12+$0x0], $0xffff  }
0x1c0: {  	v55 =	vld [tilespmem:s22+$0xFFFFFF90]  }
0x1c1: {  	v56 =	vld [tilespmem:s22+$0xFFFFFFA0]  }
0x1c2: {  	v6 =	vld.idx.msk [tilespmem:v6+s14+$0x0], $0xffff  }
0x1c3: {  	v5 =	vshrl.u32 v5, $0x10;
	v9 =	vld.idx.msk [tilespmem:v3+s12+$0x0], $0xffff  }
0x1c4: {  	[tilespmem:v2+s15+$0x0] =	vst.idx.add.f32.msk $0xffff, v4;
	v4 =	vand.u32 $0xFFFF, v53  }
0x1c5: {  	v57 =	vld [tilespmem:s22+$0xFFFFFFF0]  }
0x1c6: {  	v54 =	vld.idx.msk [tilespmem:v3+s14+$0x0], $0xffff  }
0x1c7: {  	[tilespmem:v2+s16+$0x0] =	vst.idx.add.f32.msk $0xffff, v6  }
0x1c8: {  	v6 =	vand.u32 $0xFFFF, v7;
	[tilespmem:v5+s15+$0x0] =	vst.idx.add.f32.msk $0xffff, v9  }
0x1c9: {  	v1 =	vshrl.u32 v53, $0x10;
	v9 =	vld.idx.msk [tilespmem:v4+s12+$0x0], $0xffff  }
0x1ca: {  	v3 =	vld [tilespmem:s22+$0xFFFFFF80]  }
0x1cb: {  	v4 =	vld.idx.msk [tilespmem:v4+s14+$0x0], $0xffff  }
0x1cc: {  	[tilespmem:v5+s16+$0x0] =	vst.idx.add.f32.msk $0xffff, v54  }
0x1cd: {  	v5 =	vshrl.u32 v7, $0x10;
	v7 =	vld.idx.msk [tilespmem:v6+s12+$0x0], $0xffff  }
0x1ce: {  	[tilespmem:v1+s15+$0x0] =	vst.idx.add.f32.msk $0xffff, v9;
	v9 =	vand.u32 $0xFFFF, v8  }
0x1cf: {  	v58 =	vld [tilespmem:s22+$0x0]  }
0x1d0: {  	v6 =	vld.idx.msk [tilespmem:v6+s14+$0x0], $0xffff  }
0x1d1: {  	[tilespmem:v1+s16+$0x0] =	vst.idx.add.f32.msk $0xffff, v4  }
0x1d2: {  	v4 =	vand.u32 $0xFFFF, v3;
	[tilespmem:v5+s15+$0x0] =	vst.idx.add.f32.msk $0xffff, v7  }
0x1d3: {  	v7 =	vshrl.u32 v8, $0x10;
	v8 =	vld.idx.msk [tilespmem:v9+s12+$0x0], $0xffff  }
0x1d4: {  	v59 =	vld [tilespmem:s22+$0x50]  }
0x1d5: {  	[tilespmem:v5+s16+$0x0] =	vst.idx.add.f32.msk $0xffff, v6  }
0x1d6: {  	v9 =	vld.idx.msk [tilespmem:v9+s14+$0x0], $0xffff  }
0x1d7: {  	v3 =	vshrl.u32 v3, $0x10;
	v6 =	vld.idx.msk [tilespmem:v4+s12+$0x0], $0xffff  }
0x1d8: {  	[tilespmem:v7+s15+$0x0] =	vst.idx.add.f32.msk $0xffff, v8;
	v8 =	vand.u32 $0xFFFF, v55  }
0x1d9: {  	v5 =	vld [tilespmem:s22+$0xFFFFFFB0]  }
0x1da: {  	v4 =	vld.idx.msk [tilespmem:v4+s14+$0x0], $0xffff  }
0x1db: {  	[tilespmem:v7+s16+$0x0] =	vst.idx.add.f32.msk $0xffff, v9  }
0x1dc: {  	v9 =	vand.u32 $0xFFFF, v56;
	[tilespmem:v3+s15+$0x0] =	vst.idx.add.f32.msk $0xffff, v6  }
0x1dd: {  	v2 =	vshrl.u32 v55, $0x10;
	v6 =	vld.idx.msk [tilespmem:v8+s12+$0x0], $0xffff  }
0x1de: {  	v7 =	vld [tilespmem:s22+$0xFFFFFFD0]  }
0x1df: {  	[tilespmem:v3+s16+$0x0] =	vst.idx.add.f32.msk $0xffff, v4  }
0x1e0: {  	v8 =	vld.idx.msk [tilespmem:v8+s14+$0x0], $0xffff  }
0x1e1: {  	v1 =	vshrl.u32 v56, $0x10;
	v4 =	vld.idx.msk [tilespmem:v9+s12+$0x0], $0xffff  }
0x1e2: {  	[tilespmem:v2+s15+$0x0] =	vst.idx.add.f32.msk $0xffff, v6;
	v6 =	vand.u32 $0xFFFF, v5  }
0x1e3: {  	v3 =	vld [tilespmem:s22+$0xFFFFFFE0]  }
0x1e4: {  	v9 =	vld.idx.msk [tilespmem:v9+s14+$0x0], $0xffff  }
0x1e5: {  	[tilespmem:v2+s16+$0x0] =	vst.idx.add.f32.msk $0xffff, v8  }
0x1e6: {  	v8 =	vand.u32 $0xFFFF, v7;
	[tilespmem:v1+s15+$0x0] =	vst.idx.add.f32.msk $0xffff, v4  }
0x1e7: {  	v4 =	vshrl.u32 v5, $0x10;
	v5 =	vld.idx.msk [tilespmem:v6+s12+$0x0], $0xffff  }
0x1e8: {  	v60 =	vld [tilespmem:s22+$0x60]  }
0x1e9: {  	[tilespmem:v1+s16+$0x0] =	vst.idx.add.f32.msk $0xffff, v9  }
0x1ea: {  	v6 =	vld.idx.msk [tilespmem:v6+s14+$0x0], $0xffff  }
0x1eb: {  	v7 =	vshrl.u32 v7, $0x10;
	v9 =	vld.idx.msk [tilespmem:v8+s12+$0x0], $0xffff  }
0x1ec: {  	[tilespmem:v4+s15+$0x0] =	vst.idx.add.f32.msk $0xffff, v5;
	v5 =	vand.u32 $0xFFFF, v3  }
0x1ed: {  	v61 =	vld [tilespmem:s22+$0xA0]  }
0x1ee: {  	v8 =	vld.idx.msk [tilespmem:v8+s14+$0x0], $0xffff  }
0x1ef: {  	[tilespmem:v4+s16+$0x0] =	vst.idx.add.f32.msk $0xffff, v6  }
0x1f0: {  	v6 =	vand.u32 $0xFFFF, v57;
	[tilespmem:v7+s15+$0x0] =	vst.idx.add.f32.msk $0xffff, v9  }
0x1f1: {  	v3 =	vshrl.u32 v3, $0x10;
	v9 =	vld.idx.msk [tilespmem:v5+s12+$0x0], $0xffff  }
0x1f2: {  	v4 =	vld [tilespmem:s22+$0x10]  }
0x1f3: {  	[tilespmem:v7+s16+$0x0] =	vst.idx.add.f32.msk $0xffff, v8  }
0x1f4: {  	v5 =	vld.idx.msk [tilespmem:v5+s14+$0x0], $0xffff  }
0x1f5: {  	v2 =	vshrl.u32 v57, $0x10;
	v8 =	vld.idx.msk [tilespmem:v6+s12+$0x0], $0xffff  }
0x1f6: {  	[tilespmem:v3+s15+$0x0] =	vst.idx.add.f32.msk $0xffff, v9;
	v9 =	vand.u32 $0xFFFF, v58  }
0x1f7: {  	v7 =	vld [tilespmem:s22+$0x20]  }
0x1f8: {  	v6 =	vld.idx.msk [tilespmem:v6+s14+$0x0], $0xffff  }
0x1f9: {  	[tilespmem:v3+s16+$0x0] =	vst.idx.add.f32.msk $0xffff, v5  }
0x1fa: {  	v5 =	vand.u32 $0xFFFF, v4;
	[tilespmem:v2+s15+$0x0] =	vst.idx.add.f32.msk $0xffff, v8  }
0x1fb: {  	v1 =	vshrl.u32 v58, $0x10;
	v8 =	vld.idx.msk [tilespmem:v9+s12+$0x0], $0xffff  }
0x1fc: {  	v3 =	vld [tilespmem:s22+$0x30]  }
0x1fd: {  	[tilespmem:v2+s16+$0x0] =	vst.idx.add.f32.msk $0xffff, v6  }
0x1fe: {  	v9 =	vld.idx.msk [tilespmem:v9+s14+$0x0], $0xffff  }
0x1ff: {  	s23 =	simm.s32 $0x190;
	v4 =	vshrl.u32 v4, $0x10;
	v6 =	vld.idx.msk [tilespmem:v5+s12+$0x0], $0xffff  }
0x200: {  	s24 =	sand.u32 $0xFF0, s23;
	[tilespmem:v1+s15+$0x0] =	vst.idx.add.f32.msk $0xffff, v8;
	v8 =	vand.u32 $0xFFFF, v7  }
0x201: {  	v14 =	vld [tilespmem:s24+$0x1180]  }
0x202: {  	v5 =	vld.idx.msk [tilespmem:v5+s14+$0x0], $0xffff  }
0x203: {  	[tilespmem:v1+s16+$0x0] =	vst.idx.add.f32.msk $0xffff, v9  }
0x204: {  	v9 =	vand.u32 $0xFFFF, v3;
	[tilespmem:v4+s15+$0x0] =	vst.idx.add.f32.msk $0xffff, v6  }
0x205: {  	v6 =	vshrl.u32 v7, $0x10;
	v7 =	vld.idx.msk [tilespmem:v8+s12+$0x0], $0xffff  }
0x206: {  	v12 =	vld [tilespmem:s24+$0x1100]  }
0x207: {  	[tilespmem:v4+s16+$0x0] =	vst.idx.add.f32.msk $0xffff, v5  }
0x208: {  	v8 =	vld.idx.msk [tilespmem:v8+s14+$0x0], $0xffff  }
0x209: {  	v3 =	vshrl.u32 v3, $0x10;
	v5 =	vld.idx.msk [tilespmem:v9+s12+$0x0], $0xffff  }
0x20a: {  	[tilespmem:v6+s15+$0x0] =	vst.idx.add.f32.msk $0xffff, v7;
	v7 =	vand.u32 $0xFFFF, v59  }
0x20b: {  	v4 =	vld [tilespmem:s22+$0x70]  }
0x20c: {  	v9 =	vld.idx.msk [tilespmem:v9+s14+$0x0], $0xffff  }
0x20d: {  	[tilespmem:v6+s16+$0x0] =	vst.idx.add.f32.msk $0xffff, v8  }
0x20e: {  	v8 =	vand.u32 $0xFFFF, v60;
	[tilespmem:v3+s15+$0x0] =	vst.idx.add.f32.msk $0xffff, v5  }
0x20f: {  	v2 =	vshrl.u32 v59, $0x10;
	v5 =	vld.idx.msk [tilespmem:v7+s12+$0x0], $0xffff  }
0x210: {  	v6 =	vld [tilespmem:s22+$0x80]  }
0x211: {  	[tilespmem:v3+s16+$0x0] =	vst.idx.add.f32.msk $0xffff, v9  }
0x212: {  	v7 =	vld.idx.msk [tilespmem:v7+s14+$0x0], $0xffff  }
0x213: {  	v1 =	vshrl.u32 v60, $0x10;
	v9 =	vld.idx.msk [tilespmem:v8+s12+$0x0], $0xffff  }
0x214: {  	[tilespmem:v2+s15+$0x0] =	vst.idx.add.f32.msk $0xffff, v5;
	v5 =	vand.u32 $0xFFFF, v4  }
0x215: {  	v3 =	vld [tilespmem:s22+$0x90]  }
0x216: {  	v8 =	vld.idx.msk [tilespmem:v8+s14+$0x0], $0xffff  }
0x217: {  	[tilespmem:v2+s16+$0x0] =	vst.idx.add.f32.msk $0xffff, v7;
	v7 =	vand.u32 $0xFFFF, v6  }
0x218: {  	[tilespmem:v1+s15+$0x0] =	vst.idx.add.f32.msk $0xffff, v9  }
0x219: {  	v4 =	vshrl.u32 v4, $0x10;
	v9 =	vld.idx.msk [tilespmem:v5+s12+$0x0], $0xffff  }
0x21a: {  	v5 =	vld.idx.msk [tilespmem:v5+s14+$0x0], $0xffff  }
0x21b: {  	[tilespmem:v1+s16+$0x0] =	vst.idx.add.f32.msk $0xffff, v8  }
0x21c: {  	v62 =	vshrl.u32 v6, $0x10;
	v6 =	vld.idx.msk [tilespmem:v7+s12+$0x0], $0xffff  }
0x21d: {  	v8 =	vand.u32 $0xFFFF, v3;
	v7 =	vld.idx.msk [tilespmem:v7+s14+$0x0], $0xffff  }
0x21e: {  	[tilespmem:v4+s15+$0x0] =	vst.idx.add.f32.msk $0xffff, v9  }
0x21f: {  	[tilespmem:v4+s16+$0x0] =	vst.idx.add.f32.msk $0xffff, v5  }
0x220: {  	v9 =	vand.u32 $0xFFFF, v52;
	v4 =	vld [tilespmem:s31+$0x1100]  }
0x221: {  	[tilespmem:v62+s15+$0x0] =	vst.idx.add.f32.msk $0xffff, v6  }
0x222: {  	v5 =	vand.u32 $0xFFFF, v61;
	v6 =	vld.idx.msk [tilespmem:v8+s12+$0x0], $0xffff  }
0x223: {  	[tilespmem:v62+s16+$0x0] =	vst.idx.add.f32.msk $0xffff, v7  }
0x224: {  	v3 =	vshrl.u32 v3, $0x10;
	v7 =	vld.idx.msk [tilespmem:v8+s14+$0x0], $0xffff  }
0x225: {  	v63 =	vld.idx.msk [tilespmem:v9+s12+$0x0], $0xffff  }
0x226: {  	v0 =	vshrl.u32 v52, $0x10;
	v10 =	vld.idx.msk [tilespmem:v9+s14+$0x0], $0xffff  }
0x227: {  	v2 =	vshrl.u32 v61, $0x10;
	v8 =	vld.idx.msk [tilespmem:v5+s12+$0x0], $0xffff  }
0x228: {  	v5 =	vld.idx.msk [tilespmem:v5+s14+$0x0], $0xffff  }
0x229: {  	[tilespmem:v3+s15+$0x0] =	vst.idx.add.f32.msk $0xffff, v6  }
0x22a: {  	[tilespmem:v3+s16+$0x0] =	vst.idx.add.f32.msk $0xffff, v7;
	v3 =	vand.u32 $0xFFFF, v4  }
0x22b: {  	v9 =	vand.u32 $0xFFFF, v14;
	[tilespmem:v0+s15+$0x0] =	vst.idx.add.f32.msk $0xffff, v63  }
0x22c: {  	[tilespmem:v2+s15+$0x0] =	vst.idx.add.f32.msk $0xffff, v8  }
0x22d: {  	[tilespmem:v2+s16+$0x0] =	vst.idx.add.f32.msk $0xffff, v5  }
0x22e: {  	v5 =	vld [tilespmem:s24+$0x1080]  }
0x22f: {  	v15 =	vshrl.u32 v4, $0x10;
	v13 =	vld.idx.msk [tilespmem:v3+s12+$0x0], $0xffff  }
0x230: {  	v11 =	vld.idx.msk [tilespmem:v9+s12+$0x0], $0xffff  }
0x231: {  	[tilespmem:v0+s16+$0x0] =	vst.idx.add.f32.msk $0xffff, v10  }
0x232: {  	v10 =	vld.idx.msk [tilespmem:v9+s14+$0x0], $0xffff  }
0x233: {  	v16 =	vshrl.u32 v12, $0x10;
	v18 =	vld.idx.msk [tilespmem:v3+s14+$0x0], $0xffff;
	v9 =	vand.u32 $0xFFFF, v5  }
0x234: {  	v19 =	vand.u32 $0xFFFF, v12;
	v12 =	vshrl.u32 v14, $0x10;
	v17 =	vshrl.u32 v5, $0x10;
	[tilespmem:v15+s15+$0x0] =	vst.idx.add.f32.msk $0xffff, v13;
	v5 =	vmovc v16  }
.LBB2_5:
0x235: {  	_ =	sdelay $0x2  }
0x236: {  	v0 =	vld.idx.msk [tilespmem:v9+s12+$0x0], $0xffff  }
0x237: {  	v51 =	vld.idx.msk [tilespmem:v9+s14+$0x0], $0xffff;
	s22 =	sadd.s32 $0x190, s22  }
0x238: {  	[tilespmem:$0x1FF40] =	vst v15;
	v15 =	vld [tilespmem:s22+$0xB0]  }
0x239: {  	v13 =	vld [tilespmem:s22+$0xFFFFFF70]  }
0x23a: {  	v14 =	vld [tilespmem:s22+$0xFFFFFF80]  }
0x23b: {  	[tilespmem:$0x1FF20] =	vst v17;
	v17 =	vld [tilespmem:s22+$0xFFFFFF90]  }
0x23c: {  	[tilespmem:$0x1FF50] =	vst v18;
	v18 =	vld [tilespmem:s22+$0xFFFFFFA0]  }
0x23d: {  	[tilespmem:$0x1FF70] =	vst v5;
	v5 =	vmov v19;
	v19 =	vld [tilespmem:s22+$0xFFFFFFB0]  }
0x23e: {  	v20 =	vld [tilespmem:s22+$0xFFFFFFD0]  }
0x23f: {  	v24 =	vld [tilespmem:s22+$0xFFFFFFE0]  }
0x240: {  	v25 =	vld [tilespmem:s22+$0xFFFFFFF0]  }
0x241: {  	v27 =	vld [tilespmem:s22+$0x0]  }
0x242: {  	v29 =	vld [tilespmem:s22+$0x10]  }
0x243: {  	v53 =	vld [tilespmem:s22+$0x20]  }
0x244: {  	v54 =	vld [tilespmem:s22+$0x30]  }
0x245: {  	v55 =	vld [tilespmem:s22+$0x50]  }
0x246: {  	v56 =	vld [tilespmem:s22+$0x60]  }
0x247: {  	v57 =	vld [tilespmem:s22+$0x70]  }
0x248: {  	v42 =	vld [tilespmem:s22+$0x80]  }
0x249: {  	s23 =	sadd.s32 $0x190, s23;
	v44 =	vld [tilespmem:s22+$0x90]  }
0x24a: {  	s24 =	sand.u32 $0xFF0, s23;
	v46 =	vld [tilespmem:s22+$0xA0]  }
0x24b: {  	[tilespmem:$0x1FF60] =	vst v16;
	v52 =	vld [tilespmem:s24+$0x1180]  }
0x24c: {  	[tilespmem:v12+s15+$0x0] =	vst.idx.add.f32.msk $0xffff, v11;
	v16 =	vand.u32 $0xFFFF, v15  }
0x24d: {  	v11 =	vld [tilespmem:s22+$0xFFFFFF50]  }
0x24e: {  	[tilespmem:v12+s16+$0x0] =	vst.idx.add.f32.msk $0xffff, v10;
	v32 =	vand.u32 $0xFFFF, v14  }
0x24f: {  	v10 =	vld [tilespmem:s22+$0xFFFFFF40]  }
0x250: {  	v12 =	vld [tilespmem:s22+$0xFFFFFF60];
	v33 =	vand.u32 $0xFFFF, v17  }
0x251: {  	v22 =	vshrl.u32 v15, $0x10;
	v15 =	vshrl.u32 v18, $0x10;
	v21 =	vld.idx.msk [tilespmem:v16+s12+$0x0], $0xffff  }
0x252: {  	v34 =	vand.u32 $0xFFFF, v18;
	v35 =	vand.u32 $0xFFFF, v19;
	v18 =	vshrl.u32 v24, $0x10;
	v23 =	vld.idx.msk [tilespmem:v16+s14+$0x0], $0xffff  }
0x253: {  	v37 =	vand.u32 $0xFFFF, v24;
	v24 =	vshrl.u32 v55, $0x10;
	v45 =	vand.u32 $0xFFFF, v55;
	v55 =	vld.idx.msk [tilespmem:v32+s12+$0x0], $0xffff  }
0x254: {  	v36 =	vand.u32 $0xFFFF, v20;
	v38 =	vand.u32 $0xFFFF, v25;
	v48 =	vand.u32 $0xFFFF, v56;
	v32 =	vld.idx.msk [tilespmem:v32+s14+$0x0], $0xffff  }
0x255: {  	v16 =	vshrl.u32 v19, $0x10;
	v19 =	vshrl.u32 v25, $0x10;
	v25 =	vshrl.u32 v56, $0x10;
	v56 =	vld.idx.msk [tilespmem:v33+s12+$0x0], $0xffff  }
0x256: {  	v33 =	vld.idx.msk [tilespmem:v33+s14+$0x0], $0xffff  }
0x257: {  	v58 =	vld.idx.msk [tilespmem:v35+s12+$0x0], $0xffff  }
0x258: {  	v35 =	vld.idx.msk [tilespmem:v35+s14+$0x0], $0xffff  }
0x259: {  	v59 =	vld.idx.msk [tilespmem:v36+s12+$0x0], $0xffff  }
0x25a: {  	v39 =	vand.u32 $0xFFFF, v27;
	v36 =	vld.idx.msk [tilespmem:v36+s14+$0x0], $0xffff  }
0x25b: {  	v60 =	vld.idx.msk [tilespmem:v37+s12+$0x0], $0xffff  }
0x25c: {  	v40 =	vand.u32 $0xFFFF, v29;
	v37 =	vld.idx.msk [tilespmem:v37+s14+$0x0], $0xffff  }
0x25d: {  	v61 =	vld.idx.msk [tilespmem:v38+s12+$0x0], $0xffff  }
0x25e: {  	v41 =	vand.u32 $0xFFFF, v53;
	v38 =	vld.idx.msk [tilespmem:v38+s14+$0x0], $0xffff  }
0x25f: {  	v62 =	vld.idx.msk [tilespmem:v39+s12+$0x0], $0xffff  }
0x260: {  	v43 =	vand.u32 $0xFFFF, v54;
	v39 =	vld.idx.msk [tilespmem:v39+s14+$0x0], $0xffff  }
0x261: {  	v63 =	vld.idx.msk [tilespmem:v40+s12+$0x0], $0xffff  }
0x262: {  	v40 =	vld.idx.msk [tilespmem:v40+s14+$0x0], $0xffff  }
0x263: {  	[tilespmem:$0x1FF10] =	vst v0;
	v0 =	vld.idx.msk [tilespmem:v41+s12+$0x0], $0xffff  }
0x264: {  	v41 =	vld.idx.msk [tilespmem:v41+s14+$0x0], $0xffff  }
0x265: {  	v7 =	vld.idx.msk [tilespmem:v43+s12+$0x0], $0xffff  }
0x266: {  	v50 =	vand.u32 $0xFFFF, v57;
	v43 =	vld.idx.msk [tilespmem:v43+s14+$0x0], $0xffff  }
0x267: {  	v8 =	vld.idx.msk [tilespmem:v45+s12+$0x0], $0xffff  }
0x268: {  	v28 =	vand.u32 $0xFFFF, v11;
	v45 =	vld.idx.msk [tilespmem:v45+s14+$0x0], $0xffff  }
0x269: {  	v3 =	vld.idx.msk [tilespmem:v48+s12+$0x0], $0xffff  }
0x26a: {  	v26 =	vand.u32 $0xFFFF, v10;
	v48 =	vld.idx.msk [tilespmem:v48+s14+$0x0], $0xffff  }
0x26b: {  	v31 =	vand.u32 $0xFFFF, v13;
	v9 =	vshrl.u32 v10, $0x10;
	v10 =	vshrl.u32 v11, $0x10;
	v4 =	vld.idx.msk [tilespmem:v50+s12+$0x0], $0xffff  }
0x26c: {  	v11 =	vshrl.u32 v12, $0x10;
	v30 =	vand.u32 $0xFFFF, v12;
	v12 =	vshrl.u32 v13, $0x10;
	v50 =	vld.idx.msk [tilespmem:v50+s14+$0x0], $0xffff  }
0x26d: {  	[tilespmem:$0x1FF30] =	vst v51;
	v13 =	vshrl.u32 v14, $0x10;
	v14 =	vshrl.u32 v17, $0x10;
	v17 =	vshrl.u32 v20, $0x10;
	v51 =	vld.idx.msk [tilespmem:v28+s12+$0x0], $0xffff  }
0x26e: {  	[tilespmem:$0x1FF00] =	vst v52;
	v20 =	vshrl.u32 v27, $0x10;
	v27 =	vshrl.u32 v42, $0x10;
	v42 =	vand.u32 $0xFFFF, v42;
	v52 =	vld.idx.msk [tilespmem:v28+s14+$0x0], $0xffff  }
0x26f: {  	v47 =	vld.idx.msk [tilespmem:v26+s12+$0x0], $0xffff  }
0x270: {  	v49 =	vld.idx.msk [tilespmem:v26+s14+$0x0], $0xffff  }
0x271: {  	v26 =	vshrl.u32 v57, $0x10;
	v57 =	vld.idx.msk [tilespmem:v34+s12+$0x0], $0xffff  }
0x272: {  	v34 =	vld.idx.msk [tilespmem:v34+s14+$0x0], $0xffff  }
0x273: {  	v2 =	vld.idx.msk [tilespmem:v42+s12+$0x0], $0xffff  }
0x274: {  	v42 =	vld.idx.msk [tilespmem:v42+s14+$0x0], $0xffff  }
0x275: {  	[tilespmem:v22+s15+$0x0] =	vst.idx.add.f32.msk $0xffff, v21  }
0x276: {  	[tilespmem:v13+s15+$0x0] =	vst.idx.add.f32.msk $0xffff, v55  }
0x277: {  	[tilespmem:v14+s15+$0x0] =	vst.idx.add.f32.msk $0xffff, v56  }
0x278: {  	[tilespmem:v16+s15+$0x0] =	vst.idx.add.f32.msk $0xffff, v58  }
0x279: {  	[tilespmem:v17+s15+$0x0] =	vst.idx.add.f32.msk $0xffff, v59  }
0x27a: {  	[tilespmem:v18+s15+$0x0] =	vst.idx.add.f32.msk $0xffff, v60  }
0x27b: {  	[tilespmem:v19+s15+$0x0] =	vst.idx.add.f32.msk $0xffff, v61  }
0x27c: {  	[tilespmem:v20+s15+$0x0] =	vst.idx.add.f32.msk $0xffff, v62  }
0x27d: {  	[tilespmem:v24+s15+$0x0] =	vst.idx.add.f32.msk $0xffff, v8  }
0x27e: {  	[tilespmem:v25+s15+$0x0] =	vst.idx.add.f32.msk $0xffff, v3  }
0x27f: {  	v58 =	vld [tilespmem:s24+$0x1080]  }
0x280: {  	v59 =	vld [tilespmem:s24+$0x1100]  }
0x281: {  	v3 =	vld.idx.msk [tilespmem:v5+s12+$0x0], $0xffff  }
0x282: {  	v61 =	vld [tilespmem:$0x1FF40]  }
0x283: {  	v62 =	vld [tilespmem:$0x1FF60]  }
0x284: {  	[tilespmem:v22+s16+$0x0] =	vst.idx.add.f32.msk $0xffff, v23  }
0x285: {  	v22 =	vshrl.u32 v53, $0x10;
	v53 =	vld.idx.msk [tilespmem:v30+s12+$0x0], $0xffff  }
0x286: {  	v30 =	vld.idx.msk [tilespmem:v30+s14+$0x0], $0xffff  }
0x287: {  	v23 =	vshrl.u32 v54, $0x10;
	v54 =	vld.idx.msk [tilespmem:v31+s12+$0x0], $0xffff  }
0x288: {  	v31 =	vld.idx.msk [tilespmem:v31+s14+$0x0], $0xffff  }
0x289: {  	[tilespmem:v13+s16+$0x0] =	vst.idx.add.f32.msk $0xffff, v32  }
0x28a: {  	[tilespmem:v14+s16+$0x0] =	vst.idx.add.f32.msk $0xffff, v33  }
0x28b: {  	[tilespmem:v16+s16+$0x0] =	vst.idx.add.f32.msk $0xffff, v35  }
0x28c: {  	[tilespmem:v17+s16+$0x0] =	vst.idx.add.f32.msk $0xffff, v36  }
0x28d: {  	v28 =	vshrl.u32 v44, $0x10;
	v44 =	vand.u32 $0xFFFF, v44;
	[tilespmem:v18+s16+$0x0] =	vst.idx.add.f32.msk $0xffff, v37  }
0x28e: {  	[tilespmem:v19+s16+$0x0] =	vst.idx.add.f32.msk $0xffff, v38  }
0x28f: {  	[tilespmem:v20+s16+$0x0] =	vst.idx.add.f32.msk $0xffff, v39  }
0x290: {  	[tilespmem:v24+s16+$0x0] =	vst.idx.add.f32.msk $0xffff, v45  }
0x291: {  	[tilespmem:v25+s16+$0x0] =	vst.idx.add.f32.msk $0xffff, v48  }
0x292: {  	v6 =	vld.idx.msk [tilespmem:v44+s12+$0x0], $0xffff  }
0x293: {  	v44 =	vld.idx.msk [tilespmem:v44+s14+$0x0], $0xffff  }
0x294: {  	[tilespmem:v10+s15+$0x0] =	vst.idx.add.f32.msk $0xffff, v51  }
0x295: {  	[tilespmem:v9+s15+$0x0] =	vst.idx.add.f32.msk $0xffff, v47  }
0x296: {  	[tilespmem:v10+s16+$0x0] =	vst.idx.add.f32.msk $0xffff, v52  }
0x297: {  	v21 =	vshrl.u32 v29, $0x10;
	v29 =	vshrl.u32 v46, $0x10;
	v46 =	vand.u32 $0xFFFF, v46;
	[tilespmem:v15+s15+$0x0] =	vst.idx.add.f32.msk $0xffff, v57  }
0x298: {  	[tilespmem:v26+s15+$0x0] =	vst.idx.add.f32.msk $0xffff, v4  }
0x299: {  	[tilespmem:v27+s15+$0x0] =	vst.idx.add.f32.msk $0xffff, v2  }
0x29a: {  	v4 =	vld.idx.msk [tilespmem:v5+s14+$0x0], $0xffff  }
0x29b: {  	v5 =	vld [tilespmem:$0x1FF10]  }
0x29c: {  	v1 =	vld.idx.msk [tilespmem:v46+s12+$0x0], $0xffff  }
0x29d: {  	v46 =	vld.idx.msk [tilespmem:v46+s14+$0x0], $0xffff  }
0x29e: {  	[tilespmem:v9+s16+$0x0] =	vst.idx.add.f32.msk $0xffff, v49  }
0x29f: {  	[tilespmem:v15+s16+$0x0] =	vst.idx.add.f32.msk $0xffff, v34  }
0x2a0: {  	[tilespmem:v21+s15+$0x0] =	vst.idx.add.f32.msk $0xffff, v63  }
0x2a1: {  	[tilespmem:v26+s16+$0x0] =	vst.idx.add.f32.msk $0xffff, v50  }
0x2a2: {  	[tilespmem:v27+s16+$0x0] =	vst.idx.add.f32.msk $0xffff, v42  }
0x2a3: {  	v63 =	vld [tilespmem:$0x1FF70]  }
0x2a4: {  	[tilespmem:v23+s15+$0x0] =	vst.idx.add.f32.msk $0xffff, v7  }
0x2a5: {  	v7 =	vld [tilespmem:$0x1FF20]  }
0x2a6: {  	[tilespmem:v11+s15+$0x0] =	vst.idx.add.f32.msk $0xffff, v53  }
0x2a7: {  	[tilespmem:v12+s15+$0x0] =	vst.idx.add.f32.msk $0xffff, v54  }
0x2a8: {  	[tilespmem:v21+s16+$0x0] =	vst.idx.add.f32.msk $0xffff, v40  }
0x2a9: {  	[tilespmem:v22+s15+$0x0] =	vst.idx.add.f32.msk $0xffff, v0  }
0x2aa: {  	[tilespmem:v11+s16+$0x0] =	vst.idx.add.f32.msk $0xffff, v30  }
0x2ab: {  	[tilespmem:v28+s15+$0x0] =	vst.idx.add.f32.msk $0xffff, v6  }
0x2ac: {  	v6 =	vld [tilespmem:$0x1FF00]  }
0x2ad: {  	[tilespmem:v7+s15+$0x0] =	vst.idx.add.f32.msk $0xffff, v5  }
0x2ae: {  	v5 =	vld [tilespmem:$0x1FF30]  }
0x2af: {  	[tilespmem:v12+s16+$0x0] =	vst.idx.add.f32.msk $0xffff, v31  }
0x2b0: {  	[tilespmem:v22+s16+$0x0] =	vst.idx.add.f32.msk $0xffff, v41  }
0x2b1: {  	[tilespmem:v23+s16+$0x0] =	vst.idx.add.f32.msk $0xffff, v43  }
0x2b2: {  	[tilespmem:v28+s16+$0x0] =	vst.idx.add.f32.msk $0xffff, v44;
	v60 =	vand.u32 $0xFFFF, v6  }
0x2b3: {  	[tilespmem:v7+s16+$0x0] =	vst.idx.add.f32.msk $0xffff, v5  }
0x2b4: {  	v5 =	vld [tilespmem:$0x1FF50]  }
0x2b5: {  	p0 =	slt.u32 s23, $0xE10;
	[tilespmem:v29+s15+$0x0] =	vst.idx.add.f32.msk $0xffff, v1  }
.Ltmp1:
0x2b6: {  	[tilespmem:v29+s16+$0x0] =	vst.idx.add.f32.msk $0xffff, v46;
	(pc) =	sbr.rel @p0 .LBB2_5-.Ltmp1, $4  }
0x2b7: {  	v11 =	vld.idx.msk [tilespmem:v60+s12+$0x0], $0xffff  }
0x2b8: {  	v10 =	vld.idx.msk [tilespmem:v60+s14+$0x0], $0xffff  }
0x2b9: {  	v9 =	vand.u32 $0xFFFF, v58;
	v17 =	vshrl.u32 v58, $0x10;
	v16 =	vshrl.u32 v59, $0x10;
	[tilespmem:v61+s16+$0x0] =	vst.idx.add.f32.msk $0xffff, v5  }
0x2ba: {  	v19 =	vand.u32 $0xFFFF, v59;
	v15 =	vmovc v62;
	v18 =	vmovc v4;
	v12 =	vshrl.u32 v6, $0x10;
	v5 =	vmov v16;
	[tilespmem:v63+s15+$0x0] =	vst.idx.add.f32.msk $0xffff, v3  }
0x2bb: {  	_ =	sdelay $0x3  }
0x2bc: {  	s22 =	sadd.s32 $0x190, s22;
	[tilespmem:v15+s16+$0x0] =	vst.idx.add.f32.msk $0xffff, v18  }
0x2bd: {  	v0 =	vld [tilespmem:s22+$0xB0]  }
0x2be: {  	v2 =	vld [tilespmem:s22+$0xFFFFFF40]  }
0x2bf: {  	[tilespmem:v12+s15+$0x0] =	vst.idx.add.f32.msk $0xffff, v11  }
0x2c0: {  	v3 =	vld [tilespmem:s22+$0xFFFFFF50]  }
0x2c1: {  	v7 =	vld [tilespmem:s22+$0xFFFFFF60]  }
0x2c2: {  	v8 =	vld [tilespmem:s22+$0xFFFFFF70]  }
0x2c3: {  	v46 =	vld [tilespmem:s22+$0xFFFFFF80]  }
0x2c4: {  	v50 =	vld [tilespmem:s22+$0xFFFFFF90]  }
0x2c5: {  	v53 =	vld [tilespmem:s22+$0xFFFFFFA0]  }
0x2c6: {  	v56 =	vld [tilespmem:s22+$0xFFFFFFB0]  }
0x2c7: {  	v59 =	vld [tilespmem:s22+$0xFFFFFFD0]  }
0x2c8: {  	v62 =	vld [tilespmem:s22+$0xFFFFFFE0]  }
0x2c9: {  	v13 =	vld [tilespmem:s22+$0xFFFFFFF0]  }
0x2ca: {  	v21 =	vld [tilespmem:s22+$0x0]  }
0x2cb: {  	v24 =	vld [tilespmem:s22+$0x10]  }
0x2cc: {  	v27 =	vld [tilespmem:s22+$0x20]  }
0x2cd: {  	v30 =	vld [tilespmem:s22+$0x30]  }
0x2ce: {  	v31 =	vld [tilespmem:s22+$0x50];
	v1 =	vand.u32 $0xFFFF, v0  }
0x2cf: {  	v35 =	vld [tilespmem:s22+$0x60]  }
0x2d0: {  	v38 =	vld [tilespmem:s22+$0x70];
	v6 =	vand.u32 $0xFFFF, v2  }
0x2d1: {  	v41 =	vld [tilespmem:s22+$0x80]  }
0x2d2: {  	[tilespmem:v12+s16+$0x0] =	vst.idx.add.f32.msk $0xffff, v10;
	v44 =	vand.u32 $0xFFFF, v3  }
0x2d3: {  	v4 =	vld.idx.msk [tilespmem:v1+s12+$0x0], $0xffff  }
0x2d4: {  	v48 =	vand.u32 $0xFFFF, v7;
	v1 =	vld.idx.msk [tilespmem:v1+s14+$0x0], $0xffff  }
0x2d5: {  	v51 =	vand.u32 $0xFFFF, v8;
	v45 =	vld.idx.msk [tilespmem:v6+s12+$0x0], $0xffff  }
0x2d6: {  	v54 =	vand.u32 $0xFFFF, v46;
	v47 =	vld.idx.msk [tilespmem:v6+s14+$0x0], $0xffff  }
0x2d7: {  	v57 =	vand.u32 $0xFFFF, v50;
	v49 =	vld.idx.msk [tilespmem:v44+s12+$0x0], $0xffff  }
0x2d8: {  	v60 =	vand.u32 $0xFFFF, v53;
	v10 =	vld.idx.msk [tilespmem:v44+s14+$0x0], $0xffff  }
0x2d9: {  	v63 =	vand.u32 $0xFFFF, v56;
	v52 =	vld.idx.msk [tilespmem:v48+s12+$0x0], $0xffff  }
0x2da: {  	v14 =	vand.u32 $0xFFFF, v59;
	v55 =	vld.idx.msk [tilespmem:v51+s12+$0x0], $0xffff  }
0x2db: {  	v22 =	vand.u32 $0xFFFF, v62;
	v58 =	vld.idx.msk [tilespmem:v54+s12+$0x0], $0xffff  }
0x2dc: {  	v25 =	vand.u32 $0xFFFF, v13;
	v61 =	vld.idx.msk [tilespmem:v57+s12+$0x0], $0xffff  }
0x2dd: {  	v29 =	vand.u32 $0xFFFF, v21;
	v12 =	vld.idx.msk [tilespmem:v60+s12+$0x0], $0xffff  }
0x2de: {  	v32 =	vand.u32 $0xFFFF, v24;
	v20 =	vld.idx.msk [tilespmem:v63+s12+$0x0], $0xffff  }
0x2df: {  	v37 =	vand.u32 $0xFFFF, v27;
	v23 =	vld.idx.msk [tilespmem:v14+s12+$0x0], $0xffff  }
0x2e0: {  	v39 =	vand.u32 $0xFFFF, v30;
	v26 =	vld.idx.msk [tilespmem:v22+s12+$0x0], $0xffff  }
0x2e1: {  	v0 =	vshrl.u32 v0, $0x10;
	v28 =	vld.idx.msk [tilespmem:v25+s12+$0x0], $0xffff  }
0x2e2: {  	v2 =	vshrl.u32 v2, $0x10;
	v34 =	vld.idx.msk [tilespmem:v29+s12+$0x0], $0xffff  }
0x2e3: {  	v3 =	vshrl.u32 v3, $0x10;
	v36 =	vld.idx.msk [tilespmem:v32+s12+$0x0], $0xffff  }
0x2e4: {  	v40 =	vld.idx.msk [tilespmem:v37+s12+$0x0], $0xffff  }
0x2e5: {  	v43 =	vld.idx.msk [tilespmem:v39+s12+$0x0], $0xffff;
	v44 =	vand.u32 $0xFFFF, v31  }
0x2e6: {  	v11 =	vshrl.u32 v46, $0x10;
	v46 =	vand.u32 $0xFFFF, v35;
	[tilespmem:v0+s15+$0x0] =	vst.idx.add.f32.msk $0xffff, v4  }
0x2e7: {  	[tilespmem:v2+s15+$0x0] =	vst.idx.add.f32.msk $0xffff, v45  }
0x2e8: {  	[tilespmem:v3+s15+$0x0] =	vst.idx.add.f32.msk $0xffff, v49  }
0x2e9: {  	v45 =	vld [tilespmem:s22+$0x90]  }
0x2ea: {  	v49 =	vld.idx.msk [tilespmem:v44+s14+$0x0], $0xffff  }
0x2eb: {  	v7 =	vshrl.u32 v7, $0x10;
	v4 =	vshrl.u32 v50, $0x10;
	v50 =	vld.idx.msk [tilespmem:v46+s12+$0x0], $0xffff  }
0x2ec: {  	[tilespmem:v0+s16+$0x0] =	vst.idx.add.f32.msk $0xffff, v1  }
0x2ed: {  	v8 =	vshrl.u32 v8, $0x10;
	[tilespmem:v2+s16+$0x0] =	vst.idx.add.f32.msk $0xffff, v47  }
0x2ee: {  	v1 =	vld.idx.msk [tilespmem:v48+s14+$0x0], $0xffff  }
0x2ef: {  	[tilespmem:v3+s16+$0x0] =	vst.idx.add.f32.msk $0xffff, v10  }
0x2f0: {  	[tilespmem:v7+s15+$0x0] =	vst.idx.add.f32.msk $0xffff, v52  }
0x2f1: {  	v0 =	vld.idx.msk [tilespmem:v51+s14+$0x0], $0xffff  }
0x2f2: {  	v6 =	vshrl.u32 v53, $0x10;
	v53 =	vand.u32 $0xFFFF, v41;
	[tilespmem:v8+s15+$0x0] =	vst.idx.add.f32.msk $0xffff, v55  }
0x2f3: {  	v3 =	vld.idx.msk [tilespmem:v54+s14+$0x0], $0xffff  }
0x2f4: {  	[tilespmem:v11+s15+$0x0] =	vst.idx.add.f32.msk $0xffff, v58  }
0x2f5: {  	v47 =	vld.idx.msk [tilespmem:v44+s12+$0x0], $0xffff  }
0x2f6: {  	v52 =	vld [tilespmem:s22+$0xA0]  }
0x2f7: {  	v55 =	vld.idx.msk [tilespmem:v53+s12+$0x0], $0xffff  }
0x2f8: {  	[tilespmem:v7+s16+$0x0] =	vst.idx.add.f32.msk $0xffff, v1  }
0x2f9: {  	[tilespmem:v8+s16+$0x0] =	vst.idx.add.f32.msk $0xffff, v0  }
0x2fa: {  	v1 =	vld.idx.msk [tilespmem:v57+s14+$0x0], $0xffff  }
0x2fb: {  	v2 =	vshrl.u32 v56, $0x10;
	[tilespmem:v11+s16+$0x0] =	vst.idx.add.f32.msk $0xffff, v3  }
0x2fc: {  	[tilespmem:v4+s15+$0x0] =	vst.idx.add.f32.msk $0xffff, v61  }
0x2fd: {  	v48 =	vand.u32 $0xFFFF, v38;
	v0 =	vld.idx.msk [tilespmem:v60+s14+$0x0], $0xffff  }
0x2fe: {  	[tilespmem:v6+s15+$0x0] =	vst.idx.add.f32.msk $0xffff, v12  }
0x2ff: {  	v3 =	vld.idx.msk [tilespmem:v63+s14+$0x0], $0xffff  }
0x300: {  	[tilespmem:v2+s15+$0x0] =	vst.idx.add.f32.msk $0xffff, v20  }
0x301: {  	v11 =	vld.idx.msk [tilespmem:v37+s14+$0x0], $0xffff  }
0x302: {  	v51 =	vld.idx.msk [tilespmem:v48+s12+$0x0], $0xffff  }
0x303: {  	v54 =	vand.u32 $0xFFFF, v45;
	v57 =	vld.idx.msk [tilespmem:v53+s14+$0x0], $0xffff  }
0x304: {  	v60 =	vld.idx.msk [tilespmem:v9+s12+$0x0], $0xffff  }
0x305: {  	v61 =	vld.idx.msk [tilespmem:v9+s14+$0x0], $0xffff  }
0x306: {  	v7 =	vshrl.u32 v62, $0x10;
	v62 =	vld.idx.msk [tilespmem:v19+s12+$0x0], $0xffff  }
0x307: {  	v63 =	vld.idx.msk [tilespmem:v19+s14+$0x0], $0xffff  }
0x308: {  	v10 =	vshrl.u32 v59, $0x10;
	v58 =	vld.idx.msk [tilespmem:v54+s12+$0x0], $0xffff  }
0x309: {  	[tilespmem:v4+s16+$0x0] =	vst.idx.add.f32.msk $0xffff, v1  }
0x30a: {  	[tilespmem:v6+s16+$0x0] =	vst.idx.add.f32.msk $0xffff, v0  }
0x30b: {  	v1 =	vld.idx.msk [tilespmem:v14+s14+$0x0], $0xffff  }
0x30c: {  	v8 =	vshrl.u32 v13, $0x10;
	[tilespmem:v2+s16+$0x0] =	vst.idx.add.f32.msk $0xffff, v3  }
0x30d: {  	[tilespmem:v10+s15+$0x0] =	vst.idx.add.f32.msk $0xffff, v23  }
0x30e: {  	v33 =	vshrl.u32 v21, $0x10;
	v0 =	vld.idx.msk [tilespmem:v22+s14+$0x0], $0xffff  }
0x30f: {  	v56 =	vand.u32 $0xFFFF, v52;
	[tilespmem:v7+s15+$0x0] =	vst.idx.add.f32.msk $0xffff, v26  }
0x310: {  	v2 =	vld.idx.msk [tilespmem:v25+s14+$0x0], $0xffff  }
0x311: {  	[tilespmem:v8+s15+$0x0] =	vst.idx.add.f32.msk $0xffff, v28  }
0x312: {  	v3 =	vld.idx.msk [tilespmem:v29+s14+$0x0], $0xffff  }
0x313: {  	[tilespmem:v33+s15+$0x0] =	vst.idx.add.f32.msk $0xffff, v34  }
0x314: {  	v59 =	vld.idx.msk [tilespmem:v56+s12+$0x0], $0xffff  }
0x315: {  	[tilespmem:v17+s15+$0x0] =	vst.idx.add.f32.msk $0xffff, v60  }
0x316: {  	[tilespmem:v5+s15+$0x0] =	vst.idx.add.f32.msk $0xffff, v62  }
0x317: {  	[tilespmem:v17+s16+$0x0] =	vst.idx.add.f32.msk $0xffff, v61  }
0x318: {  	[tilespmem:v16+s16+$0x0] =	vst.idx.add.f32.msk $0xffff, v63  }
0x319: {  	v4 =	vshrl.u32 v24, $0x10;
	[tilespmem:v10+s16+$0x0] =	vst.idx.add.f32.msk $0xffff, v1  }
0x31a: {  	v6 =	vshrl.u32 v27, $0x10;
	[tilespmem:v7+s16+$0x0] =	vst.idx.add.f32.msk $0xffff, v0  }
0x31b: {  	[tilespmem:v8+s16+$0x0] =	vst.idx.add.f32.msk $0xffff, v2  }
0x31c: {  	v42 =	vshrl.u32 v30, $0x10;
	v7 =	vld.idx.msk [tilespmem:v32+s14+$0x0], $0xffff  }
0x31d: {  	[tilespmem:v33+s16+$0x0] =	vst.idx.add.f32.msk $0xffff, v3  }
0x31e: {  	[tilespmem:v4+s15+$0x0] =	vst.idx.add.f32.msk $0xffff, v36  }
0x31f: {  	[tilespmem:v6+s15+$0x0] =	vst.idx.add.f32.msk $0xffff, v40  }
0x320: {  	v3 =	vld.idx.msk [tilespmem:v39+s14+$0x0], $0xffff  }
0x321: {  	[tilespmem:v42+s15+$0x0] =	vst.idx.add.f32.msk $0xffff, v43;
	v0 =	vshrl.u32 v31, $0x10  }
0x322: {  	[tilespmem:v6+s16+$0x0] =	vst.idx.add.f32.msk $0xffff, v11  }
0x323: {  	v2 =	vshrl.u32 v35, $0x10;
	v11 =	vld.idx.msk [tilespmem:v46+s14+$0x0], $0xffff  }
0x324: {  	v1 =	vshrl.u32 v38, $0x10;
	[tilespmem:v4+s16+$0x0] =	vst.idx.add.f32.msk $0xffff, v7  }
0x325: {  	[tilespmem:v42+s16+$0x0] =	vst.idx.add.f32.msk $0xffff, v3  }
0x326: {  	[tilespmem:v0+s15+$0x0] =	vst.idx.add.f32.msk $0xffff, v47  }
0x327: {  	v3 =	vld.idx.msk [tilespmem:v48+s14+$0x0], $0xffff  }
0x328: {  	v6 =	vshrl.u32 v45, $0x10;
	[tilespmem:v2+s15+$0x0] =	vst.idx.add.f32.msk $0xffff, v50  }
0x329: {  	[tilespmem:v1+s15+$0x0] =	vst.idx.add.f32.msk $0xffff, v51  }
0x32a: {  	[tilespmem:v0+s16+$0x0] =	vst.idx.add.f32.msk $0xffff, v49  }
0x32b: {  	v4 =	vshrl.u32 v41, $0x10;
	[tilespmem:v2+s16+$0x0] =	vst.idx.add.f32.msk $0xffff, v11  }
0x32c: {  	v2 =	vld.idx.msk [tilespmem:v54+s14+$0x0], $0xffff  }
0x32d: {  	[tilespmem:v6+s15+$0x0] =	vst.idx.add.f32.msk $0xffff, v58  }
0x32e: {  	s21 =	sadd.s32 $0x1, s21;
	v0 =	vshrl.u32 v52, $0x10;
	[tilespmem:v1+s16+$0x0] =	vst.idx.add.f32.msk $0xffff, v3  }
0x32f: {  	p0 =	sne.s32 s21, $0x28;
	v1 =	vld.idx.msk [tilespmem:v56+s14+$0x0], $0xffff  }
.Ltmp2:
0x330: {  	[tilespmem:v4+s15+$0x0] =	vst.idx.add.f32.msk $0xffff, v55;
	(pc) =	sbr.rel @p0 .LBB2_2-.Ltmp2, $4  }
0x331: {  	[tilespmem:v4+s16+$0x0] =	vst.idx.add.f32.msk $0xffff, v57  }
0x332: {  	[tilespmem:v6+s16+$0x0] =	vst.idx.add.f32.msk $0xffff, v2  }
0x333: {  	[tilespmem:v0+s15+$0x0] =	vst.idx.add.f32.msk $0xffff, v59  }
0x334: {  	[tilespmem:v0+s16+$0x0] =	vst.idx.add.f32.msk $0xffff, v1  }
0x335: {  	_ =	swait.ge [sflag:s18], $0xFA0  }
0x336: {  	[sflag:s18] =	ssyncset.done $0x0  }
0x337: {  	[sflag:s18] =	ssyncadd.s32 $0xFFFFF060  }
0x338: {  	[hbm4b:s9+s2] =	stream.linear.scatter [tilespmem:s15], [sflag:$0x3], $0x2800, $0x38;
	[tilespmem:$0xC000] =	vst v63  }
0x339: {  	s20 =	sadd.s32 $0x1, s20;
	_ =	swait.ge [sflag:s13], $0x2800  }
0x33a: {  	p0 =	sne.s32 s20, s11;
	[sflag:s13] =	ssyncset.done $0x0  }
.Ltmp3:
0x33b: {  	[sflag:s13] =	ssyncadd.s32 $0xFFFFD800;
	(pc) =	sbr.rel @p0 .LBB2_1-.Ltmp3, $4  }
0x33c: {  	[hbm4b:s10+s2] =	stream.linear.scatter [tilespmem:s16], [sflag:$0x3], $0x2800, $0x38;
	[tilespmem:$0xC000] =	vst v63  }
0x33d: {  	_ =	swait.ge [sflag:s13], $0x2800  }
0x33e: {  	[sflag:s13] =	ssyncset.done $0x0  }
0x33f: {  	[sflag:s13] =	ssyncadd.s32 $0xFFFFD800  }
0x340: {  	_ =	sfence.sel $0x180000  }
0x341: {  	[bflag:$0x0] =	sbarrier.arrive $0xFFFF  }
0x342: {  	p0 =	sne.s32 s1, $0x0;
	_ =	strace $0x9000004D  }
0x343: {  	s0 =	sadd.s32 @!p0 $0x100000, s0;
	[bflag:$0x2] =	sbarrier.arrive $0xFFFF  }
0x344: {  	[sflag:s0] =	ssyncadd.tile.s32 @!p0 $0x1;
	_ =	shalt  }
.Lfunc_end2:
_tile_overlayer_lowered:
.L_overlay_start_2:
0x345: {  	(tag) =	ssettag $0x2  }
0x346: {  	s0 =	rddreg [dreg:$0x0];
	s2 =	stileid.u32  }
0x347: {  	s1 =	rddreg [dreg:$0x1];
	p0 =	sne.s32 s2, $0x0  }
0x348: {  	s3 =	rddreg [dreg:$0x2];
	[bflag:$0x3] =	sbarrier.arrive $0xFFFF;
	s2 =	simm.s32 @!p0 $0x1C03  }
0x349: {  	[timem:s3], [sflag:s2] =	dma.local @!p0 [hbm:s0], s1  }
0x34a: {  	s0 =	simm.s32 @!p0 $0x3  }
0x34b: {  	_ =	swait.ge @!p0 [sflag:s0], s1  }
0x34c: {  	s1 =	ssub.s32 @!p0 $0x0, s1;
	[sflag:s0] =	ssyncset.done @!p0 $0x0  }
0x34d: {  	[sflag:s0] =	ssyncadd.s32 @!p0 s1  }
0x34e: {  	[bflag:$0x3] =	sbarrier.arrive $0xFFFF  }
0x34f: {  	_ =	shalt  }

// kernel: kernel.8.cloned.1.call-start
scs
__scs_entry_jumppad:
0x0: {  	(pc) =	sbr.rel $0x88, $3  }
0x1: {  	(tag) =	ssettag $0x0;
	lr =	simm.s32 $0x1  }
0x2: {  	[smem:$0x3F99] =	sst lr;
	_ =	strace $0xD0000000  }
0x3: {  	_ = 	snop  }
0x4: {  	_ = 	snop  }
0x5: {  	_ = 	snop  }
0x6: {  	_ = 	snop  }
0x7: {  	_ = 	snop  }
__scs_overlays_trampoline_lowered:
0x8: {  	[smem:$0x3FA8] =	sst s0  }
0x9: {  	[smem:$0x3FA9] =	sst s1  }
0xa: {  	[smem:$0x3FAA] =	sst s2  }
0xb: {  	[smem:$0x3FAB] =	sst s3  }
0xc: {  	[smem:$0x3FAC] =	sst s4  }
0xd: {  	[smem:$0x3FAD] =	sst s5  }
0xe: {  	[smem:$0x3FAE] =	sst s6  }
0xf: {  	[smem:$0x3FAF] =	sst s7  }
0x10: {  	[smem:$0x3FB0] =	sst s8  }
0x11: {  	[smem:$0x3FB1] =	sst s9;
	s0 =	simm.s32 @!p0 $0x0  }
0x12: {  	s1 =	sld [smem:$0x3F97];
	s0 =	simm.s32 @p0 $0x1  }
0x13: {  	[smem:$0x3FB2] =	sst s0;
	s0 =	simm.s32 @!p1 $0x0  }
0x14: {  	s2 =	sld [smem:$0x3F96];
	s0 =	simm.s32 @p1 $0x1  }
0x15: {  	[smem:$0x3FB3] =	sst s0;
	s0 =	simm.s32 @!p2 $0x0  }
0x16: {  	s3 =	sld [smem:$0x3FDB];
	s0 =	simm.s32 @p2 $0x1  }
0x17: {  	s4 =	simm.s32 $0x1BF5;
	[smem:$0x3FB5] =	sst s0  }
0x18: {  	s0 =	sld [smem:$0x3F98];
	_ =	swait.ge [sflag:s4], $0x0  }
0x19: {  	s7 =	sld [smem:$0x3F99]  }
0x1a: {  	s8 =	sadd.s32 $0xFFFFE003, lr  }
0x1b: {  	s9 =	sadd.s32 $0xFFFFFEF7, lr;
	s5 =	simm.s32 $0xFFFFFFFF;
	p2 =	slt.u32 s8, $0xFFFFF086  }
0x1c: {  	p1 =	slt.u32 s9, $0xF7A;
	s5 =	simm.s32 @!p2 $0x0  }
0x1d: {  	s5 =	simm.s32 @p1 $0x1;
	p0 =	seq.s32 s7, s2  }
0x1e: {  	s7 =	smul.u32 @!p0 $0xF7A, s2;
	p2 =	seq.s32 @!p0 s5, $0x0  }
0x1f: {  	s9 =	smul.u32 $0xF7A, s1;
	s8 =	simm.s32 @!p0 $0x1BF5;
	p2 =	por !p2, p0  }
0x20: {  	[sflag:s8] =	ssyncset.s32 @!p0 $0xFFFFF086;
	s6 =	sadd.s32 @!p0 s3, s7;
	s7 =	simm.s32 @!p0 $0x108  }
0x21: {  	s3 =	sadd.s32 s3, s9;
	s6 =	sadd.s32 @!p0 $0x88, s6;
	s7 =	simm.s32 @p2 $0x1082  }
0x22: {  	[simem:s7], [sflag:s8] =	dma.local @!p0 [hbm:s6], $0xF7A  }
0x23: {  	s9 =	sor.u32 $0xD0000000, s2;
	s6 =	simm.s32 $0x108;
	_ =	swait.ge @!p0 [sflag:s8], $0x0  }
0x24: {  	s3 =	sadd.s32 $0x88, s3;
	s6 =	simm.s32 @!p1 $0x1082;
	[sflag:s4] =	ssyncset.s32 $0xFFFFF086  }
0x25: {  	[simem:s6], [sflag:s4] =	dma.local [hbm:s3], $0xF7A  }
0x26: {  	[smem:$0x3F99] =	sst s1;
	(tag) =	ssettag s2;
	_ =	strace s9  }
0x27: {  	s1 =	sld [smem:$0x3FA9]  }
0x28: {  	s2 =	sld [smem:$0x3FAA]  }
0x29: {  	s4 =	sld [smem:$0x3FAC]  }
0x2a: {  	p0 =	seq.s32 s5, $0x0;
	s5 =	sld [smem:$0x3FAD]  }
0x2b: {  	s6 =	sld [smem:$0x3FAE]  }
0x2c: {  	s7 =	sld [smem:$0x3FAF]  }
0x2d: {  	s3 =	simm.s32 $0x108;
	s8 =	sld [smem:$0x3FB0]  }
0x2e: {  	s3 =	simm.s32 @!p0 $0x1082;
	s9 =	sld [smem:$0x3FB1]  }
0x2f: {  	lr =	sadd.s32 s0, s3;
	s0 =	sld [smem:$0x3FA8]  }
0x30: {  	s3 =	sld [smem:$0x3FAB]  }
0x31: {  	[smem:$0x3FB4] =	sst s10  }
0x32: {  	s10 =	sld [smem:$0x3FB2];
	_ =	sdelay $0x3  }
0x33: {  	p0 =	seq.s32 s10, $0x1;
	s10 =	sld [smem:$0x3FB4];
	_ =	sdelay $0x3  }
0x34: {  	[smem:$0x3FB4] =	sst s10  }
0x35: {  	s10 =	sld [smem:$0x3FB3];
	_ =	sdelay $0x3  }
0x36: {  	p1 =	seq.s32 s10, $0x1;
	s10 =	sld [smem:$0x3FB4];
	_ =	sdelay $0x3  }
0x37: {  	[smem:$0x3FB4] =	sst s10  }
0x38: {  	s10 =	sld [smem:$0x3FB5]  }
0x39: {  	_ = 	snop;
	(pc) =	sbr.ind lr, $3  }
0x3a: {  	_ = 	snop  }
0x3b: {  	_ = 	snop  }
0x3c: {  	p2 =	seq.s32 s10, $0x1;
	s10 =	sld [smem:$0x3FB4]  }
0x3d: {  	_ =	shalt  }
0x3e: {  	_ =	shalt  }
0x3f: {  	_ =	shalt  }
0x40: {  	_ =	shalt  }
0x41: {  	_ =	shalt  }
0x42: {  	_ =	shalt  }
0x43: {  	_ =	shalt  }
0x44: {  	_ =	shalt  }
0x45: {  	_ =	shalt  }
0x46: {  	_ =	shalt  }
0x47: {  	_ =	shalt  }
0x48: {  	_ =	shalt  }
0x49: {  	_ =	shalt  }
0x4a: {  	_ =	shalt  }
0x4b: {  	_ =	shalt  }
0x4c: {  	_ =	shalt  }
0x4d: {  	_ =	shalt  }
0x4e: {  	_ =	shalt  }
0x4f: {  	_ =	shalt  }
0x50: {  	_ =	shalt  }
0x51: {  	_ =	shalt  }
0x52: {  	_ =	shalt  }
0x53: {  	_ =	shalt  }
0x54: {  	_ =	shalt  }
0x55: {  	_ =	shalt  }
0x56: {  	_ =	shalt  }
0x57: {  	_ =	shalt  }
0x58: {  	_ =	shalt  }
0x59: {  	_ =	shalt  }
0x5a: {  	_ =	shalt  }
0x5b: {  	_ =	shalt  }
0x5c: {  	_ =	shalt  }
0x5d: {  	_ =	shalt  }
0x5e: {  	_ =	shalt  }
0x5f: {  	_ =	shalt  }
0x60: {  	_ =	shalt  }
0x61: {  	_ =	shalt  }
0x62: {  	_ =	shalt  }
0x63: {  	_ =	shalt  }
0x64: {  	_ =	shalt  }
0x65: {  	_ =	shalt  }
0x66: {  	_ =	shalt  }
0x67: {  	_ =	shalt  }
0x68: {  	_ =	shalt  }
0x69: {  	_ =	shalt  }
0x6a: {  	_ =	shalt  }
0x6b: {  	_ =	shalt  }
0x6c: {  	_ =	shalt  }
0x6d: {  	_ =	shalt  }
0x6e: {  	_ =	shalt  }
0x6f: {  	_ =	shalt  }
0x70: {  	_ =	shalt  }
0x71: {  	_ =	shalt  }
0x72: {  	_ =	shalt  }
0x73: {  	_ =	shalt  }
0x74: {  	_ =	shalt  }
0x75: {  	_ =	shalt  }
0x76: {  	_ =	shalt  }
0x77: {  	_ =	shalt  }
0x78: {  	_ =	shalt  }
0x79: {  	_ =	shalt  }
0x7a: {  	_ =	shalt  }
0x7b: {  	_ =	shalt  }
0x7c: {  	_ =	shalt  }
0x7d: {  	_ =	shalt  }
0x7e: {  	_ =	shalt  }
0x7f: {  	_ =	shalt  }
0x80: {  	_ =	shalt  }
0x81: {  	_ =	shalt  }
0x82: {  	_ =	shalt  }
0x83: {  	_ =	shalt  }
0x84: {  	_ =	shalt  }
0x85: {  	_ =	shalt  }
0x86: {  	_ =	shalt  }
0x87: {  	_ =	shalt  }
.Lfunc_end0:
.L_simem_size_0:
called_computation_lowered:
.L_overlay_start_0:
0x88: {  	s2 =	sld [smem:$0x3FD9]  }
0x89: {  	s3 =	sld [smem:$0x3FFE];
	_ =	sdelay $0x1  }
0x8a: {  	s1 =	srdreg.scid  }
0x8b: {  	s0 =	sand.u32 $0x1, s1  }
0x8c: {  	s16 =	sshll.u32 s0, $0xA;
	s2 =	sadd.s32 s3, s2  }
0x8d: {  	s2 =	sadd.s32 s2, s16  }
0x8e: {  	[smem:$0x3FC0] =	sst s2  }
0x8f: {  	_ = 	snop  }
0x90: {  	(tm) =	ssettm $0x1  }
0x91: {  	s17 =	sld [smem:$0x3FFB];
	_ =	sdelay $0x3  }
0x92: {  	_ =	strace s17  }
0x93: {  	s2 =	sld [smem:$0x3FFC];
	_ =	sdelay $0x3  }
0x94: {  	_ =	strace s2  }
0x95: {  	s2 =	sld [smem:$0x3FFD];
	_ =	sdelay $0x3  }
0x96: {  	_ =	strace s2  }
0x97: {  	_ =	strace $0x8FFFFFFF  }
0x98: {  	s18 =	sld [smem:$0x3FDB];
	_ =	sdelay $0x1  }
0x99: {  	s19 =	simm.s32 $_scs_section_size  }
0x9a: {  	s4 =	simm.s32 $_size__tile_overlayer_lowered;
	s5 =	simm.s32 $_tile_overlayer_lowered  }
0x9b: {  	s22 =	simm.s32 $0x1BFF;
	s21 =	sshll.u32 s5, $0x1;
	s2 =	sadd.s32 s19, s18  }
0x9c: {  	s6 =	simm.s32 $0x0;
	s20 =	sshll.u32 s4, $0x1;
	s4 =	sadd.s32 s21, s2  }
0x9d: {  	[timem:s6], [sflag:s22] =	dma.local [hbm:s4], s20  }
0x9e: {  	_ =	swait.ge [sflag:s22], s20  }
0x9f: {  	s3 =	ssub.s32 $0x0, s20;
	[sflag:s22] =	ssyncset.done $0x0  }
0xa0: {  	[sflag:s22] =	ssyncadd.s32 s3;
	_ =	sdelay $0x1  }
0xa1: {  	s23 =	simm.s32 $0x1B8B  }
0xa2: {  	_ =	swait.ge [sflag:s23], $0x1  }
0xa3: {  	[sflag:s23] =	ssyncset.done $0x0  }
0xa4: {  	s25 =	simm.s32 $0x1B8E;
	s24 =	sld [smem:$0x3FFE];
	[sflag:s23] =	ssyncadd.s32 $0xFFFFFFFF  }
0xa5: {  	s26 =	simm.s32 $execute0_lowered;
	[smem:$0x3FD2] =	sst s25  }
0xa6: {  	s4 =	sshll.u32 s26, $0x1;
	_ =	strace $0x80000046;
	[dreg:$0x1] =	wrdreg $0xFFFFFFFF  }
0xa7: {  	s28 =	simm.s32 $_size_execute0_lowered;
	s2 =	sadd.s32 s2, s4;
	[dreg:$0x0] =	wrdreg $0x0  }
0xa8: {  	s4 =	sshll.u32 s28, $0x1;
	[dreg:$0x2] =	wrdreg s2  }
0xa9: {  	[dreg:$0x3] =	wrdreg s4  }
0xaa: {  	[dreg:$0x4] =	wrdreg $0xC0  }
0xab: {  	_ =	task [dreg:s6], $0x5FFFF  }
0xac: {  	[dreg:$0x1] =	wrdreg $0xFFFFFFFF  }
0xad: {  	[dreg:$0x0] =	wrdreg $0x60  }
0xae: {  	[dreg:$0x2] =	wrdreg s24  }
0xaf: {  	[dreg:$0x3] =	wrdreg $0x9  }
0xb0: {  	_ =	task.clear_ibuf [dreg:s6], $0x4FFFF;
	_ =	strace $0x90000046  }
0xb1: {  	s29 =	simm.s32 $0x9;
	_ =	strace $0x80000048  }
0xb2: {  	_ =	swait.ge [sflag:s29], $0x1  }
0xb3: {  	[sflag:s29] =	ssyncadd.s32 $0xFFFFFFFF  }
0xb4: {  	_ =	strace $0x90000048  }
0xb5: {  	_ =	sfence  }
0xb6: {  	s30 =	sld [smem:$0x0];
	_ =	sdelay $0x2  }
0xb7: {  	s31 =	sshll.u32 s1, $0xD;
	s1 =	sshrl.u32 s1, $0x2  }
0xb8: {  	s3 =	sand.u32 $0x4000, s31;
	s1 =	sadd.s32 s1, s30  }
0xb9: {  	s0 =	sor.u32 s3, s0;
	s1 =	sshll.u32 s1, $0x11  }
0xba: {  	s0 =	sor.u32 s1, s0  }
0xbb: {  	s0 =	sadd.s32 $0x8F2B, s0  }
0xbc: {  	[sflag:s0] =	ssyncadd.remote.s32 $0x1  }
0xbd: {  	_ =	sfence.sel $0xFFFF  }
0xbe: {  	[dreg:$0x0] =	wrdreg $0xFFFFFFFF;
	(pc) =	sbr.abs _section_cstart, $3  }
0xbf: {  	[dreg:$0x1] =	wrdreg $0xFFFFFFFF  }
0xc0: {  	_ =	task.clear_ibuf [dreg:s6], $0x2FFFF;
	_ =	strace $0x9FFFFFFF  }
0xc1: {  	(tm) =	ssettm $0x7FFFFFFF  }
tec
execute0_lowered:
.L_overlay_start_1:
0x0: {  	(tag) =	ssettag $0x1  }
0x1: {  	s0 =	srdreg.scid  }
0x2: {  	s3 =	sand.u32 $0x1, s0  }
0x3: {  	s4 =	rddreg [dreg:$0x0];
	s0 =	stileid.u32;
	s1 =	sshll.u32 s3, $0x4  }
0x4: {  	s2 =	simm.s32 $0x0;
	s8 =	simm.s32 $0x0;
	s5 =	sor.u32 s0, s1  }
0x5: {  	[smem:$0x7FF] =	sst s2;
	s3 =	ssub.s32 $0x2, s3;
	s6 =	smul.u32 $0x4E2, s5  }
0x6: {  	s1 =	rddreg [dreg:$0x1];
	s7 =	sshrl.u32 s3, $0x1;
	s5 =	smul.u32 $0x500, s5  }
0x7: {  	_ =	strace $0x80000047;
	s31 =	ssub.s32 s3, s7;
	s7 =	simm.s32 $0x2780  }
0x8: {  	s6 =	sadd.s32 s6, s4;
	s4 =	sadd.s32 s5, s4;
	s5 =	smax.u32 s31, $0x1  }
0x9: {  	v0 =	vimm.f32 $0.0e+00;
	v1 =	vimm.f32 $1.000000000e+00;
	s3 =	sadd.s32 $0x1E00, s6;
	s4 =	sadd.s32 $0xBC00, s4;
	s6 =	simm.s32 $0x1  }
.LBB2_1:
0xa: {  	[tilespmem:s2], [sflag:$0x1] =	stream.linear.gather [hbm4b:s3+s2], $0x2710, $0x38;
	[tilespmem:$0x4F80] =	vst v63  }
0xb: {  	_ =	swait.ge [sflag:s6], $0x2710  }
0xc: {  	[sflag:s6] =	ssyncset.done $0x0  }
0xd: {  	s9 =	simm.s32 $0x0;
	[sflag:s6] =	ssyncadd.s32 $0xFFFFD8F0  }
.LBB2_2:
0xe: {  	p0 =	sne.s32 s9, $0x9FC0  }
.Ltmp0:
0xf: {  	_ = 	snop;
	(pc) =	sbr.rel @p0 .LBB2_2-.Ltmp0, $3  }
0x10: {  	_ =	sdelay $0x1  }
0x11: {  	s10 =	sshra.s32 s9, $0x2  }
0x12: {  	s9 =	sadd.s32 $0x40, s9;
	[tilespmem:s10+$0x2780] =	vst v0  }
0x13: {  	s10 =	simm.s32 $0x0;
	s9 =	simm.s32 $0x40  }
.LBB2_4:
0x14: {  	p0 =	sne.s32 s9, $0x9C00;
	v2 =	vld [tilespmem:s10+$0x0];
	_ =	sdelay $0x4  }
0x15: {  	v2 =	vshrl.u32 v2, $0x10  }
.Ltmp1:
0x16: {  	(pc) =	sbr.rel @p0 .LBB2_4-.Ltmp1, $2  }
0x17: {  	_ =	sdelay $0x2  }
0x18: {  	s10 =	sshra.s32 s9, $0x2;
	s9 =	sadd.s32 $0x40, s9;
	[tilespmem:v2+s7+$0x0] =	vst.idx.add.f32.msk $0xffff, v1  }
0x19: {  	v2 =	vld [tilespmem:s10+$0x0];
	_ =	sdelay $0x4  }
0x1a: {  	v2 =	vshrl.u32 v2, $0x10;
	_ =	sdelay $0x2  }
0x1b: {  	s8 =	sadd.s32 $0x1, s8  }
0x1c: {  	p0 =	sne.s32 s8, s5  }
.Ltmp2:
0x1d: {  	[tilespmem:v2+s7+$0x0] =	vst.idx.add.f32.msk $0xffff, v1;
	(pc) =	sbr.rel @p0 .LBB2_1-.Ltmp2, $4  }
0x1e: {  	[hbm4b:s4+s2] =	stream.linear.scatter [tilespmem:s7], [sflag:$0x1], $0x2800, $0x38;
	[tilespmem:$0x4F80] =	vst v63  }
0x1f: {  	_ =	swait.ge [sflag:s6], $0x2800  }
0x20: {  	[sflag:s6] =	ssyncset.done $0x0  }
0x21: {  	[sflag:s6] =	ssyncadd.s32 $0xFFFFD800  }
0x22: {  	_ =	sfence.sel $0x180000  }
0x23: {  	[bflag:$0x0] =	sbarrier.arrive $0xFFFF  }
0x24: {  	p0 =	sne.s32 s0, $0x0;
	_ =	strace $0x90000047  }
0x25: {  	s0 =	sadd.s32 @!p0 $0x100000, s1;
	[bflag:$0x2] =	sbarrier.arrive $0xFFFF  }
0x26: {  	[sflag:s0] =	ssyncadd.tile.s32 @!p0 $0x1;
	_ =	shalt  }
.Lfunc_end2:
_tile_overlayer_lowered:
.L_overlay_start_2:
0x27: {  	(tag) =	ssettag $0x2  }
0x28: {  	s0 =	rddreg [dreg:$0x0];
	s2 =	stileid.u32  }
0x29: {  	s1 =	rddreg [dreg:$0x1];
	p0 =	sne.s32 s2, $0x0  }
0x2a: {  	s3 =	rddreg [dreg:$0x2];
	[bflag:$0x3] =	sbarrier.arrive $0xFFFF;
	s2 =	simm.s32 @!p0 $0x1C01  }
0x2b: {  	[timem:s3], [sflag:s2] =	dma.local @!p0 [hbm:s0], s1  }
0x2c: {  	s0 =	simm.s32 @!p0 $0x1  }
0x2d: {  	_ =	swait.ge @!p0 [sflag:s0], s1  }
0x2e: {  	s1 =	ssub.s32 @!p0 $0x0, s1;
	[sflag:s0] =	ssyncset.done @!p0 $0x0  }
0x2f: {  	[sflag:s0] =	ssyncadd.s32 @!p0 s1  }
0x30: {  	[bflag:$0x3] =	sbarrier.arrive $0xFFFF  }
0x31: {  	_ =	shalt  }

</sc_bundles>
